<compile_context>
chip_gen: v7x
topology: tpu7x:2x2x1
jax: 0.10.2.dev20260603
libtpu: 0.0.44.dev20260713+nightly
codegen_flags: <defaults>
</compile_context>

<pallas_src>
import functools

import jax
import jax.numpy as jnp
from jax import lax
from jax.experimental import pallas as pl
from jax.experimental.pallas import tpu as pltpu
from jax.experimental.pallas import tpu_sc as plsc

N_ATOM = 50000; N_AA = 5000
E_AA_ATOM = 50000; E_ATOM_AA = 50000; E_BOND = 100000
D_ATOM = 16; D_AA = 32; D_EDGE = 16; DIM = 64

NC, NS = 2, 16
NW = NC * NS
CH = 128

H1 = 50176; H2 = 50176; H3 = 5120
OFF1, OFF2, OFF3 = 0, H1, H1 + H2
HTOT = H1 + H2 + H3
HSL = HTOT // NS

EH_TOT = E_AA_ATOM + E_BOND + E_ATOM_AA
KH = -(-EH_TOT // (NW * CH))
EH_PAD = NW * KH * CH

KG1 = -(-E_AA_ATOM // (NW * CH)); EP1 = NW * KG1 * CH
KG2 = -(-E_BOND // (NW * CH));    EP2 = NW * KG2 * CH
KG3 = -(-E_ATOM_AA // (NW * CH)); EP3 = NW * KG3 * CH
P32 = 7
P16 = 10

_mesh = plsc.VectorSubcoreMesh(core_axis_name="c", subcore_axis_name="s",
                               num_cores=NC, num_subcores=NS)


@functools.partial(
    pl.kernel, mesh=_mesh,
    out_type=jax.ShapeDtypeStruct((NC * HTOT,), jnp.float32),
    scratch_types=[
        pltpu.VMEM_SHARED((HTOT,), jnp.float32),
        pltpu.VMEM((KH, CH), jnp.int32),
        pltpu.VMEM((KH, CH), jnp.float32),
        pltpu.VMEM((HSL,), jnp.float32),
    ],
)
def _sc_histogram(idx3, val3, out, hist_sp, idx_v, val_v, stage_v):
    cid = lax.axis_index("c")
    sid = lax.axis_index("s")
    wid = sid * NC + cid

    def zbody(i, carry):
        stage_v[pl.ds(i * 16, 16)] = jnp.zeros((16,), jnp.float32)
        return carry

    lax.fori_loop(0, HSL // 16, zbody, 0)
    pltpu.sync_copy(stage_v, hist_sp.at[pl.ds(sid * HSL, HSL)])
    plsc.subcore_barrier()
    pltpu.sync_copy(idx3.at[wid], idx_v)
    pltpu.sync_copy(val3.at[wid], val_v)

    def body(j, carry):
        pltpu.sync_copy(val_v.at[j], hist_sp.at[idx_v.at[j]], add=True)
        return carry

    lax.fori_loop(0, KH, body, 0)
    plsc.subcore_barrier()
    pltpu.sync_copy(hist_sp.at[pl.ds(sid * HSL, HSL)], stage_v)
    pltpu.sync_copy(stage_v, out.at[pl.ds(cid * HTOT + sid * HSL, HSL)])


@functools.partial(
    pl.kernel, mesh=_mesh,
    compiler_params=pltpu.CompilerParams(use_tc_tiling_on_sc=False),
    out_type=(
        jax.ShapeDtypeStruct((EP1, D_AA), jnp.float32),
        jax.ShapeDtypeStruct((EP2, D_ATOM), jnp.float32),
        jax.ShapeDtypeStruct((EP3, D_ATOM), jnp.float32),
        jax.ShapeDtypeStruct((EP1,), jnp.float32),
        jax.ShapeDtypeStruct((EP2,), jnp.float32),
        jax.ShapeDtypeStruct((EP3,), jnp.float32),
    ),
    scratch_types=[
        pltpu.VMEM((KG1 * CH,), jnp.int32), pltpu.VMEM((KG1 * CH,), jnp.int32),
        pltpu.VMEM((KG2 * CH,), jnp.int32), pltpu.VMEM((KG2 * CH,), jnp.int32),
        pltpu.VMEM((KG3 * CH,), jnp.int32), pltpu.VMEM((KG3 * CH,), jnp.int32),
        pltpu.VMEM((P32 * CH, D_AA), jnp.float32),
        pltpu.VMEM((P32 * CH, D_AA), jnp.float32),
        pltpu.VMEM((P16 * CH, D_ATOM), jnp.float32),
        pltpu.VMEM((P16 * CH, D_ATOM), jnp.float32),
        pltpu.VMEM((KG1 * CH,), jnp.float32),
        pltpu.VMEM((KG2 * CH,), jnp.float32),
        pltpu.VMEM((KG3 * CH,), jnp.float32),
    ] + [pltpu.SemaphoreType.DMA] * 11,
)
def _sc_gather(src1, dst1, src2, dst2, src3, dst3, x_atom, x_aa, cnt,
               xg1, xg2, xg3, c1, c2, c3,
               s1_v, d1_v, s2_v, d2_v, s3_v, d3_v,
               rowa32, rowb32, rowa16, rowb16, c1_v, c2_v, c3_v,
               semi, semg0, semg1, semg2, semg3, semw0, semw1, semw2, semw3,
               semcg, semcw):
    cid = lax.axis_index("c")
    sid = lax.axis_index("s")
    wid = sid * NC + cid

    loads = [pltpu.async_copy(src, dst, semi) for src, dst in
             ((src1.at[wid], s1_v), (dst1.at[wid], d1_v),
              (src2.at[wid], s2_v), (dst2.at[wid], d2_v),
              (src3.at[wid], s3_v), (dst3.at[wid], d3_v))]
    for ld in loads:
        ld.wait()

    slots32 = [[rowa32, semg0, semw0, None], [rowb32, semg1, semw1, None]]
    slots16 = [[rowa16, semg2, semw2, None], [rowb16, semg3, semw3, None]]
    cnt_writes = []

    def rel(kg, pch, table, s_v, d_v, slots, c_v, xg_out, c_out):
        base0 = wid * kg * CH
        phases = []
        j0 = 0
        while j0 < kg:
            phases.append((j0, min(pch, kg - j0)))
            j0 += pch
        gdescs = [None] * len(phases)
        cdescs = []

        def write_phase(p):
            j0, n = phases[p]
            slot = slots[p % 2]
            gdescs[p].wait()
            slot[3] = pltpu.async_copy(
                slot[0].at[pl.ds(0, n * CH)],
                xg_out.at[pl.ds(base0 + j0 * CH, n * CH)], slot[2])

        for p, (j0, n) in enumerate(phases):
            slot = slots[p % 2]
            if slot[3] is not None:
                slot[3].wait()
                slot[3] = None
            gdescs[p] = pltpu.async_copy(
                table.at[s_v.at[pl.ds(j0 * CH, n * CH)]],
                slot[0].at[pl.ds(0, n * CH)], slot[1])
            cdescs.append(
                pltpu.async_copy(cnt.at[d_v.at[pl.ds(j0 * CH, n * CH)]],
                                 c_v.at[pl.ds(j0 * CH, n * CH)], semcg))
            if p >= 1:
                write_phase(p - 1)
        write_phase(len(phases) - 1)
        for dsc in cdescs:
            dsc.wait()
        cnt_writes.append(pltpu.async_copy(
            c_v, c_out.at[pl.ds(wid * kg * CH, kg * CH)], semcw))

    rel(KG1, P32, x_aa, s1_v, d1_v, slots32, c1_v, xg1, c1)
    rel(KG2, P16, x_atom, s2_v, d2_v, slots16, c2_v, xg2, c2)
    rel(KG3, P16, x_atom, s3_v, d3_v, slots16, c3_v, xg3, c3)

    for slot in slots32 + slots16:
        if slot[3] is not None:
            slot[3].wait()
    for dsc in cnt_writes:
        dsc.wait()


def _edge_reduce_kernel(ea_ref, xg_ref, c_ref, w1t_ref, b1_ref, a_ref):
    b = pl.program_id(0)
    c = c_ref[...]
    w = jnp.where(c > 0.0, 1.0 / jnp.maximum(c, 1.0), 0.0)
    h = jax.nn.relu(
        jnp.dot(ea_ref[...], w1t_ref[...],
                preferred_element_type=jnp.float32,
                precision=lax.Precision.HIGHEST) + b1_ref[...])
    hwa = jnp.concatenate([h * w, w], axis=1)
    contrib = lax.dot_general(
        xg_ref[...], hwa, (((0,), (0,)), ((), ())),
        preferred_element_type=jnp.float32,
        precision=lax.Precision.HIGHEST)

    @pl.when(b == 0)
    def _():
        a_ref[...] = jnp.zeros_like(a_ref)

    a_ref[...] += contrib


def _edge_reduce(ea_pad, xg, cdst, w1t, b1, in_l, blk):
    e_pad = ea_pad.shape[0]
    nb = e_pad // blk
    return pl.pallas_call(
        _edge_reduce_kernel,
        grid=(nb,),
        compiler_params=pltpu.CompilerParams(fuse_transposed_lhs_in_matmul=True),
        in_specs=[
            pl.BlockSpec((blk, D_EDGE), lambda b: (b, 0)),
            pl.BlockSpec((blk, in_l), lambda b: (b, 0)),
            pl.BlockSpec((blk, 1), lambda b: (b, 0)),
            pl.BlockSpec((D_EDGE, DIM), lambda b: (0, 0)),
            pl.BlockSpec((1, DIM), lambda b: (0, 0)),
        ],
        out_specs=pl.BlockSpec((in_l, DIM + 1), lambda b: (0, 0)),
        out_shape=jax.ShapeDtypeStruct((in_l, DIM + 1), jnp.float32),
    )(ea_pad, xg, cdst, w1t, b1)


def _colsum_kernel(x_ref, o_ref):
    @pl.when(pl.program_id(0) == 0)
    def _():
        o_ref[...] = jnp.zeros_like(o_ref)

    o_ref[...] += jnp.sum(x_ref[...], axis=0, keepdims=True)


def _colsum(x, blk):
    n, d = x.shape
    return pl.pallas_call(
        _colsum_kernel,
        grid=(n // blk,),
        in_specs=[pl.BlockSpec((blk, d), lambda b: (b, 0))],
        out_specs=pl.BlockSpec((1, d), lambda b: (0, 0)),
        out_shape=jax.ShapeDtypeStruct((1, d), jnp.float32),
    )(x)


def _head_kernel(a1_ref, a2_ref, a3_ref, xsa_ref, xsaa_ref,
                 q1_ref, q2_ref, q3_ref, b2r1_ref, b2r2_ref, b2r3_ref,
                 r1t_ref, r2t_ref, r3t_ref,
                 pat_ref, pab_ref, paat_ref, paab_ref,
                 c1t_ref, c1b_ref, c2t_ref, c2b_ref, out_ref):
    def contract(a_ref, q_ref, b2r_ref, in_l, out_c):
        acc = jnp.zeros((1, out_c), dtype=jnp.float32)
        for i in range(in_l):
            mi = a_ref[i:i + 1, :DIM]
            qi = q_ref[i * DIM:(i + 1) * DIM, :]
            acc += jnp.dot(mi, qi, preferred_element_type=jnp.float32, precision=lax.Precision.HIGHEST)
            acc += a_ref[i:i + 1, DIM:DIM + 1] * b2r_ref[i:i + 1, :]
        return acc

    t1 = contract(a1_ref, q1_ref, b2r1_ref, D_AA, D_ATOM) / N_ATOM
    t2 = contract(a2_ref, q2_ref, b2r2_ref, D_ATOM, D_ATOM) / N_ATOM
    t3 = contract(a3_ref, q3_ref, b2r3_ref, D_ATOM, D_AA) / N_AA

    xm_atom = xsa_ref[...] / N_ATOM
    xm_aa = xsaa_ref[...] / N_AA
    mo1 = t1 + jnp.dot(xm_atom, r1t_ref[...], preferred_element_type=jnp.float32, precision=lax.Precision.HIGHEST)
    mo2 = t2 + jnp.dot(xm_atom, r2t_ref[...], preferred_element_type=jnp.float32, precision=lax.Precision.HIGHEST)
    atom_mean = (mo1 + mo2) * 0.5
    aa_mean = t3 + jnp.dot(xm_aa, r3t_ref[...], preferred_element_type=jnp.float32, precision=lax.Precision.HIGHEST)

    atom_p = jnp.dot(atom_mean, pat_ref[...],
                     preferred_element_type=jnp.float32, precision=lax.Precision.HIGHEST) + pab_ref[...]
    aa_p = jnp.dot(aa_mean, paat_ref[...],
                   preferred_element_type=jnp.float32, precision=lax.Precision.HIGHEST) + paab_ref[...]
    pooled = jnp.concatenate([atom_p, aa_p], axis=1)
    hh = jax.nn.relu(jnp.dot(pooled, c1t_ref[...],
                             preferred_element_type=jnp.float32, precision=lax.Precision.HIGHEST) + c1b_ref[...])
    out_ref[...] = jnp.dot(hh, c2t_ref[...],
                           preferred_element_type=jnp.float32, precision=lax.Precision.HIGHEST) + c2b_ref[...]


def _head(*args):
    return pl.pallas_call(
        _head_kernel,
        out_shape=jax.ShapeDtypeStruct((1, 1), jnp.float32),
    )(*args)


def _pad_idx(a, n_pad, fill):
    return jnp.concatenate(
        [a, jnp.full((n_pad - a.shape[0],), fill, jnp.int32)]).reshape(NW, -1, CH)


def _pad_idx_flat(a, n_pad, fill):
    return jnp.concatenate(
        [a, jnp.full((n_pad - a.shape[0],), fill, jnp.int32)]).reshape(NW, -1)


def kernel(x_atom, x_aa, ei_aa_atom, ei_atom_aa, ei_bond, ea_aa_atom,
           ea_atom_aa, ea_bond, w1_a2t, b1_a2t, w2_a2t, b2_a2t, w1_t2a, b1_t2a,
           w2_t2a, b2_t2a, w1_t2t, b1_t2t, w2_t2t, b2_t2t, root_a2t, bias_a2t,
           root_t2a, bias_t2a, root_t2t, bias_t2t, proj_atom_w, proj_atom_b,
           proj_aa_w, proj_aa_b, cls1_w, cls1_b, cls2_w, cls2_b):
    hidx = jnp.concatenate([ei_aa_atom[1], ei_bond[1] + OFF2,
                            ei_atom_aa[1] + OFF3])
    hidx3 = _pad_idx(hidx, EH_PAD, 0)
    hval3 = jnp.concatenate(
        [jnp.ones((EH_TOT,), jnp.float32),
         jnp.zeros((EH_PAD - EH_TOT,), jnp.float32)]).reshape(NW, KH, CH)

    hist_pair = _sc_histogram(hidx3, hval3).reshape(NC, HTOT)
    cnt = hist_pair[0] + hist_pair[1]

    zslot = N_ATOM + 100
    s1 = _pad_idx_flat(ei_aa_atom[0], EP1, 0)
    d1 = _pad_idx_flat(ei_aa_atom[1], EP1, zslot)
    s2 = _pad_idx_flat(ei_bond[0], EP2, 0)
    d2 = _pad_idx_flat(ei_bond[1] + OFF2, EP2, zslot)
    s3 = _pad_idx_flat(ei_atom_aa[0], EP3, 0)
    d3 = _pad_idx_flat(ei_atom_aa[1] + OFF3, EP3, zslot)

    xg1, xg2, xg3, c1, c2, c3 = _sc_gather(
        s1, d1, s2, d2, s3, d3, x_atom, x_aa, cnt)
    xg1 = xg1.reshape(EP1, D_AA)
    xg2 = xg2.reshape(EP2, D_ATOM)
    xg3 = xg3.reshape(EP3, D_ATOM)
    c1 = c1.reshape(EP1)
    c2 = c2.reshape(EP2)
    c3 = c3.reshape(EP3)

    blk = 4096
    ea1 = jnp.pad(ea_aa_atom, ((0, EP1 - E_AA_ATOM), (0, 0)))
    ea2 = jnp.pad(ea_bond, ((0, EP2 - E_BOND), (0, 0)))
    ea3 = jnp.pad(ea_atom_aa, ((0, EP3 - E_ATOM_AA), (0, 0)))
    a1 = _edge_reduce(ea1, xg1, c1.reshape(EP1, 1), w1_a2t.T,
                      b1_a2t.reshape(1, DIM), D_AA, blk)
    a2 = _edge_reduce(ea2, xg2, c2.reshape(EP2, 1), w1_t2t.T,
                      b1_t2t.reshape(1, DIM), D_ATOM, blk)
    a3 = _edge_reduce(ea3, xg3, c3.reshape(EP3, 1), w1_t2a.T,
                      b1_t2a.reshape(1, DIM), D_ATOM, blk)

    xs_atom = _colsum(x_atom, 2000)
    xs_aa = _colsum(x_aa, 5000)

    q1 = w2_a2t.reshape(D_AA, D_ATOM, DIM).transpose(0, 2, 1).reshape(
        D_AA * DIM, D_ATOM)
    q2 = w2_t2t.reshape(D_ATOM, D_ATOM, DIM).transpose(0, 2, 1).reshape(
        D_ATOM * DIM, D_ATOM)
    q3 = w2_t2a.reshape(D_ATOM, D_AA, DIM).transpose(0, 2, 1).reshape(
        D_ATOM * DIM, D_AA)

    out = _head(a1, a2, a3, xs_atom, xs_aa, q1, q2, q3,
                b2_a2t.reshape(D_AA, D_ATOM), b2_t2t.reshape(D_ATOM, D_ATOM),
                b2_t2a.reshape(D_ATOM, D_AA),
                root_a2t.T, root_t2t.T, root_t2a.T,
                proj_atom_w.T, proj_atom_b.reshape(1, DIM),
                proj_aa_w.T, proj_aa_b.reshape(1, DIM),
                cls1_w.T, cls1_b.reshape(1, DIM),
                cls2_w.T, cls2_b.reshape(1, 1))
    return out.reshape(-1)

# --- scband reference (transcript-rebuilt; emitter-appended) ---
"""Pipeline reference for scband-hetero-gnn-45543833207287 (READ-ONLY COPY).

The authoritative reference and input builder live on the scoring server;
editing this copy changes nothing except your own understanding.
"""

import jax, jax.numpy as jnp
import numpy as np

N_ATOM = 50000; N_AA = 5000
E_AA_ATOM = 50000; E_ATOM_AA = 50000; E_BOND = 100000
D_ATOM = 16; D_AA = 32; D_EDGE = 16; DIM = 64; COMMON = 64

def _lin(key, out_f, in_f):
    k1, k2 = jax.random.split(key)
    bnd = 1.0 / np.sqrt(in_f)
    w = jax.random.uniform(k1, (out_f, in_f), minval=-bnd, maxval=bnd, dtype=jnp.float32)
    b = jax.random.uniform(k2, (out_f,), minval=-bnd, maxval=bnd, dtype=jnp.float32)
    return w, b

def setup_inputs(seed: int = 0):
    key = jax.random.key(seed)
    ks = jax.random.split(key, 24)
    inp = {}
    inp['x_atom'] = jax.random.normal(ks[0], (N_ATOM, D_ATOM), dtype=jnp.float32)
    inp['x_aa'] = jax.random.normal(ks[1], (N_AA, D_AA), dtype=jnp.float32)
    inp['ei_aa_atom'] = jnp.stack([jax.random.randint(ks[2], (E_AA_ATOM,), 0, N_AA), jax.random.randint(ks[3], (E_AA_ATOM,), 0, N_ATOM)]).astype(jnp.int32)
    inp['ei_atom_aa'] = jnp.stack([jax.random.randint(ks[4], (E_ATOM_AA,), 0, N_ATOM), jax.random.randint(ks[5], (E_ATOM_AA,), 0, N_AA)]).astype(jnp.int32)
    inp['ei_bond'] = jnp.stack([jax.random.randint(ks[6], (E_BOND,), 0, N_ATOM), jax.random.randint(ks[7], (E_BOND,), 0, N_ATOM)]).astype(jnp.int32)
    inp['ea_aa_atom'] = jax.random.normal(ks[8], (E_AA_ATOM, D_EDGE), dtype=jnp.float32)
    inp['ea_atom_aa'] = jax.random.normal(ks[9], (E_ATOM_AA, D_EDGE), dtype=jnp.float32)
    inp['ea_bond'] = jax.random.normal(ks[10], (E_BOND, D_EDGE), dtype=jnp.float32)
    inp['w1_a2t'], inp['b1_a2t'] = _lin(ks[11], DIM, D_EDGE)
    inp['w2_a2t'], inp['b2_a2t'] = _lin(ks[12], D_AA * D_ATOM, DIM)
    inp['w1_t2a'], inp['b1_t2a'] = _lin(ks[13], DIM, D_EDGE)
    inp['w2_t2a'], inp['b2_t2a'] = _lin(ks[14], D_ATOM * D_AA, DIM)
    inp['w1_t2t'], inp['b1_t2t'] = _lin(ks[15], DIM, D_EDGE)
    inp['w2_t2t'], inp['b2_t2t'] = _lin(ks[16], D_ATOM * D_ATOM, DIM)
    inp['root_a2t'], _ = _lin(ks[17], D_ATOM, D_ATOM)
    inp['bias_a2t'] = jnp.zeros((D_ATOM,), dtype=jnp.float32)
    inp['root_t2a'], _ = _lin(ks[18], D_AA, D_AA)
    inp['bias_t2a'] = jnp.zeros((D_AA,), dtype=jnp.float32)
    inp['root_t2t'], _ = _lin(ks[19], D_ATOM, D_ATOM)
    inp['bias_t2t'] = jnp.zeros((D_ATOM,), dtype=jnp.float32)
    inp['proj_atom_w'], inp['proj_atom_b'] = _lin(ks[20], COMMON, D_ATOM)
    inp['proj_aa_w'], inp['proj_aa_b'] = _lin(ks[21], COMMON, D_AA)
    inp['cls1_w'], inp['cls1_b'] = _lin(ks[22], COMMON, 2 * COMMON)
    inp['cls2_w'], inp['cls2_b'] = _lin(ks[23], 1, COMMON)
    return inp

def _nnconv(x_src, x_dst, ei, ea, w1, b1, w2, b2, root_w, bias, in_l, out_c):
    # PyG NNConv with aggr='mean': per-edge weight W_e = nn(edge_attr).view(in_l, out_c)
    h = jax.nn.relu(ea @ w1.T + b1)
    We = (h @ w2.T + b2).reshape(-1, in_l, out_c)
    msg = jnp.einsum('ei,eio->eo', x_src[ei[0]], We)
    n_dst = x_dst.shape[0]
    s = jax.ops.segment_sum(msg, ei[1], num_segments=n_dst)
    cnt = jax.ops.segment_sum(jnp.ones((msg.shape[0],), dtype=msg.dtype), ei[1], num_segments=n_dst)
    agg = s / jnp.maximum(cnt, 1.0)[:, None]
    return agg + x_dst @ root_w.T + bias

def reference(x_atom, x_aa, ei_aa_atom, ei_atom_aa, ei_bond, ea_aa_atom, ea_atom_aa, ea_bond, w1_a2t, b1_a2t, w2_a2t, b2_a2t, w1_t2a, b1_t2a, w2_t2a, b2_t2a, w1_t2t, b1_t2t, w2_t2t, b2_t2t, root_a2t, bias_a2t, root_t2a, bias_t2a, root_t2t, bias_t2t, proj_atom_w, proj_atom_b, proj_aa_w, proj_aa_b, cls1_w, cls1_b, cls2_w, cls2_b):
    o1 = _nnconv(x_aa, x_atom, ei_aa_atom, ea_aa_atom, w1_a2t, b1_a2t, w2_a2t, b2_a2t, root_a2t, bias_a2t, D_AA, D_ATOM)
    o2 = _nnconv(x_atom, x_atom, ei_bond, ea_bond, w1_t2t, b1_t2t, w2_t2t, b2_t2t, root_t2t, bias_t2t, D_ATOM, D_ATOM)
    atom_new = (o1 + o2) / 2.0  # HeteroConv aggr='mean' over 2 incoming relations
    aa_new = _nnconv(x_atom, x_aa, ei_atom_aa, ea_atom_aa, w1_t2a, b1_t2a, w2_t2a, b2_t2a, root_t2a, bias_t2a, D_ATOM, D_AA)
    atom_p = atom_new @ proj_atom_w.T + proj_atom_b
    aa_p = aa_new @ proj_aa_w.T + proj_aa_b
    pooled = jnp.concatenate([jnp.mean(atom_p, axis=0), jnp.mean(aa_p, axis=0)])[None, :]
    h = jax.nn.relu(pooled @ cls1_w.T + cls1_b)
    # Dropout is identity in eval mode
    out = h @ cls2_w.T + cls2_b
    return out.reshape(-1)

if __name__ == "__main__":
    import jax
    _d = setup_inputs()
    print(jax.jit(kernel)(*tuple(_d.values())))

</pallas_src>

<mosaic_0001>
#map = affine_map<(d0, d1) -> (0, 0, 0)>
#map1 = affine_map<(d0, d1) -> (0)>
module attributes {stable_mosaic.version = 14 : i64} {
  func.func @_sc_histogram(%arg0: i32, %arg1: i32, %arg2: memref<32x49x128xi32, #tpu.memory_space<hbm>>, %arg3: memref<32x49x128xf32, #tpu.memory_space<hbm>>, %arg4: memref<210944xf32, #tpu.memory_space<hbm>>, %arg5: memref<105472xf32, #tpu.memory_space<vmem_shared>>, %arg6: memref<49x128xi32, #tpu.memory_space<vmem>>, %arg7: memref<49x128xf32, #tpu.memory_space<vmem>>, %arg8: memref<6592xf32, #tpu.memory_space<vmem>>) attributes {dimension_semantics = [#tpu.dimension_semantics<core_parallel>, #tpu.dimension_semantics<subcore_parallel>], iteration_bounds = array<i64: 2, 16>, scalar_prefetch = 0 : i64, scratch_operands = 4 : i64, tpu.core_type = #tpu.core_type<sc_vector_subcore>, window_params = [{transform_indices = #map}, {transform_indices = #map}, {transform_indices = #map1}]} {
    %mul3A = arith.constant 2 : i32
    %mul3A_0 = arith.muli %arg1, %mul3A : i32
    %add3A = arith.addi %mul3A_0, %arg0 : i32
    %scan3A = arith.constant 0 : i32
    %scan3A_1 = arith.constant 0 : i32
    %scan3A_2 = arith.constant 412 : i32
    %scan3A_3 = arith.addi %scan3A_1, %scan3A_2 : i32
    %scan3A_4 = arith.constant 1 : i32
    scf.for %scan3A_22 = %scan3A_1 to %scan3A_3 step %scan3A_4  : i32 {
      %broadcast_in_dim3A = arith.constant 0.000000e+00 : f32
      %broadcast_in_dim3A_23 = vector.broadcast %broadcast_in_dim3A : f32 to vector<16xf32>
      %mul3A_24 = arith.constant 16 : i32
      %mul3A_25 = arith.muli %scan3A_22, %mul3A_24 : i32
      %swap3A = arith.index_cast %mul3A_25 : i32 to index
      %swap3A_26 = tpu.vector_load %arg8[%swap3A] {strides = array<i32>} : memref<6592xf32, #tpu.memory_space<vmem>>, vector<16xf32>,
      %swap3A_27 = vector.shape_cast %swap3A_26 : vector<16xf32> to vector<16xf32>
      %swap3A_28 = vector.shape_cast %broadcast_in_dim3A_23 : vector<16xf32> to vector<16xf32>
      tpu.vector_store %arg8[%swap3A], %swap3A_28 {strides = array<i32>} : memref<6592xf32, #tpu.memory_space<vmem>>, vector<16xf32>,
    }
    %scan3A_5 = arith.constant 412 : i32
    %mul3A_6 = arith.constant 6592 : i32
    %mul3A_7 = arith.muli %arg1, %mul3A_6 : i32
    "tpu.region"() ({
      %run_scoped3A = tpu.sem_alloc : memref<!tpu.dma_semaphore, #tpu.memory_space<semaphore_mem>>
      %dma_start3A = tpu.memref_slice %arg5[%mul3A_7] : memref<105472xf32, #tpu.memory_space<vmem_shared>> -> memref<6592xf32, #tpu.memory_space<vmem_shared>>
      %dma_start3A_22 = tpu.memref_slice %arg5[%mul3A_7] : memref<105472xf32, #tpu.memory_space<vmem_shared>> -> memref<6592xf32, #tpu.memory_space<vmem_shared>>
      tpu.enqueue_dma source(%arg8 : memref<6592xf32, #tpu.memory_space<vmem>>) target(%dma_start3A_22 : memref<6592xf32, #tpu.memory_space<vmem_shared>>) target_semaphore(%run_scoped3A : memref<!tpu.dma_semaphore, #tpu.memory_space<semaphore_mem>>)
      %dma_wait3A = tpu.memref_slice %arg5[%mul3A_7] : memref<105472xf32, #tpu.memory_space<vmem_shared>> -> memref<6592xf32, #tpu.memory_space<vmem_shared>>
      %dma_wait3A_23 = tpu.memref_slice %arg5[%mul3A_7] : memref<105472xf32, #tpu.memory_space<vmem_shared>> -> memref<6592xf32, #tpu.memory_space<vmem_shared>>
      tpu.wait_dma2 semaphore(%run_scoped3A : memref<!tpu.dma_semaphore, #tpu.memory_space<semaphore_mem>>) src(%arg8 : memref<6592xf32, #tpu.memory_space<vmem>>) dst(%dma_wait3A_23 : memref<6592xf32, #tpu.memory_space<vmem_shared>>)
      tpu.yield
    }) : () -> ()
    %barrier3A = arith.constant 0 : index
    tpu.barrier barrier_id(%barrier3A)
    "tpu.region"() ({
      %run_scoped3A = tpu.sem_alloc : memref<!tpu.dma_semaphore, #tpu.memory_space<semaphore_mem>>
      %dma_start3A = arith.constant 0 : i32
      %dma_start3A_22 = arith.constant 0 : i32
      %dma_start3A_23 = tpu.memref_slice %arg2[%add3A, %dma_start3A, %dma_start3A_22] : memref<32x49x128xi32, #tpu.memory_space<hbm>> -> memref<1x49x128xi32, #tpu.memory_space<hbm>>
      %dma_start3A_24 = tpu.memref_squeeze %dma_start3A_23 : memref<1x49x128xi32, #tpu.memory_space<hbm>> -> memref<49x128xi32, #tpu.memory_space<hbm>>
      %dma_start3A_25 = arith.constant 0 : i32
      %dma_start3A_26 = arith.constant 0 : i32
      %dma_start3A_27 = tpu.memref_slice %arg2[%add3A, %dma_start3A_25, %dma_start3A_26] : memref<32x49x128xi32, #tpu.memory_space<hbm>> -> memref<1x49x128xi32, #tpu.memory_space<hbm>>
      %dma_start3A_28 = tpu.memref_squeeze %dma_start3A_27 : memref<1x49x128xi32, #tpu.memory_space<hbm>> -> memref<49x128xi32, #tpu.memory_space<hbm>>
      tpu.enqueue_dma source(%dma_start3A_28 : memref<49x128xi32, #tpu.memory_space<hbm>>) target(%arg6 : memref<49x128xi32, #tpu.memory_space<vmem>>) target_semaphore(%run_scoped3A : memref<!tpu.dma_semaphore, #tpu.memory_space<semaphore_mem>>)
      %dma_wait3A = arith.constant 0 : i32
      %dma_wait3A_29 = arith.constant 0 : i32
      %dma_wait3A_30 = tpu.memref_slice %arg2[%add3A, %dma_wait3A, %dma_wait3A_29] : memref<32x49x128xi32, #tpu.memory_space<hbm>> -> memref<1x49x128xi32, #tpu.memory_space<hbm>>
      %dma_wait3A_31 = tpu.memref_squeeze %dma_wait3A_30 : memref<1x49x128xi32, #tpu.memory_space<hbm>> -> memref<49x128xi32, #tpu.memory_space<hbm>>
      %dma_wait3A_32 = arith.constant 0 : i32
      %dma_wait3A_33 = arith.constant 0 : i32
      %dma_wait3A_34 = tpu.memref_slice %arg2[%add3A, %dma_wait3A_32, %dma_wait3A_33] : memref<32x49x128xi32, #tpu.memory_space<hbm>> -> memref<1x49x128xi32, #tpu.memory_space<hbm>>
      %dma_wait3A_35 = tpu.memref_squeeze %dma_wait3A_34 : memref<1x49x128xi32, #tpu.memory_space<hbm>> -> memref<49x128xi32, #tpu.memory_space<hbm>>
      tpu.wait_dma2 semaphore(%run_scoped3A : memref<!tpu.dma_semaphore, #tpu.memory_space<semaphore_mem>>) src(%dma_wait3A_35 : memref<49x128xi32, #tpu.memory_space<hbm>>) dst(%arg6 : memref<49x128xi32, #tpu.memory_space<vmem>>)
      tpu.yield
    }) : () -> ()
    "tpu.region"() ({
      %run_scoped3A = tpu.sem_alloc : memref<!tpu.dma_semaphore, #tpu.memory_space<semaphore_mem>>
      %dma_start3A = arith.constant 0 : i32
      %dma_start3A_22 = arith.constant 0 : i32
      %dma_start3A_23 = tpu.memref_slice %arg3[%add3A, %dma_start3A, %dma_start3A_22] : memref<32x49x128xf32, #tpu.memory_space<hbm>> -> memref<1x49x128xf32, #tpu.memory_space<hbm>>
      %dma_start3A_24 = tpu.memref_squeeze %dma_start3A_23 : memref<1x49x128xf32, #tpu.memory_space<hbm>> -> memref<49x128xf32, #tpu.memory_space<hbm>>
      %dma_start3A_25 = arith.constant 0 : i32
      %dma_start3A_26 = arith.constant 0 : i32
      %dma_start3A_27 = tpu.memref_slice %arg3[%add3A, %dma_start3A_25, %dma_start3A_26] : memref<32x49x128xf32, #tpu.memory_space<hbm>> -> memref<1x49x128xf32, #tpu.memory_space<hbm>>
      %dma_start3A_28 = tpu.memref_squeeze %dma_start3A_27 : memref<1x49x128xf32, #tpu.memory_space<hbm>> -> memref<49x128xf32, #tpu.memory_space<hbm>>
      tpu.enqueue_dma source(%dma_start3A_28 : memref<49x128xf32, #tpu.memory_space<hbm>>) target(%arg7 : memref<49x128xf32, #tpu.memory_space<vmem>>) target_semaphore(%run_scoped3A : memref<!tpu.dma_semaphore, #tpu.memory_space<semaphore_mem>>)
      %dma_wait3A = arith.constant 0 : i32
      %dma_wait3A_29 = arith.constant 0 : i32
      %dma_wait3A_30 = tpu.memref_slice %arg3[%add3A, %dma_wait3A, %dma_wait3A_29] : memref<32x49x128xf32, #tpu.memory_space<hbm>> -> memref<1x49x128xf32, #tpu.memory_space<hbm>>
      %dma_wait3A_31 = tpu.memref_squeeze %dma_wait3A_30 : memref<1x49x128xf32, #tpu.memory_space<hbm>> -> memref<49x128xf32, #tpu.memory_space<hbm>>
      %dma_wait3A_32 = arith.constant 0 : i32
      %dma_wait3A_33 = arith.constant 0 : i32
      %dma_wait3A_34 = tpu.memref_slice %arg3[%add3A, %dma_wait3A_32, %dma_wait3A_33] : memref<32x49x128xf32, #tpu.memory_space<hbm>> -> memref<1x49x128xf32, #tpu.memory_space<hbm>>
      %dma_wait3A_35 = tpu.memref_squeeze %dma_wait3A_34 : memref<1x49x128xf32, #tpu.memory_space<hbm>> -> memref<49x128xf32, #tpu.memory_space<hbm>>
      tpu.wait_dma2 semaphore(%run_scoped3A : memref<!tpu.dma_semaphore, #tpu.memory_space<semaphore_mem>>) src(%dma_wait3A_35 : memref<49x128xf32, #tpu.memory_space<hbm>>) dst(%arg7 : memref<49x128xf32, #tpu.memory_space<vmem>>)
      tpu.yield
    }) : () -> ()
    %scan3A_8 = arith.constant 0 : i32
    %scan3A_9 = arith.constant 0 : i32
    %scan3A_10 = arith.constant 49 : i32
    %scan3A_11 = arith.addi %scan3A_9, %scan3A_10 : i32
    %scan3A_12 = arith.constant 1 : i32
    scf.for %scan3A_22 = %scan3A_9 to %scan3A_11 step %scan3A_12  : i32 {
      "tpu.region"() ({
        %run_scoped3A = tpu.sem_alloc : memref<!tpu.dma_semaphore, #tpu.memory_space<semaphore_mem>>
        %dma_start3A = arith.constant 0 : i32
        %dma_start3A_23 = tpu.memref_slice %arg7[%scan3A_22, %dma_start3A] : memref<49x128xf32, #tpu.memory_space<vmem>> -> memref<1x128xf32, #tpu.memory_space<vmem>>
        %dma_start3A_24 = tpu.memref_squeeze %dma_start3A_23 : memref<1x128xf32, #tpu.memory_space<vmem>> -> memref<128xf32, #tpu.memory_space<vmem>>
        %dma_start3A_25 = arith.constant 0 : i32
        %dma_start3A_26 = tpu.memref_slice %arg6[%scan3A_22, %dma_start3A_25] : memref<49x128xi32, #tpu.memory_space<vmem>> -> memref<1x128xi32, #tpu.memory_space<vmem>>
        %dma_start3A_27 = tpu.memref_squeeze %dma_start3A_26 : memref<1x128xi32, #tpu.memory_space<vmem>> -> memref<128xi32, #tpu.memory_space<vmem>>
        %dma_start3A_28 = arith.constant 0 : i32
        %dma_start3A_29 = tpu.memref_slice %arg5[%dma_start3A_28] : memref<105472xf32, #tpu.memory_space<vmem_shared>> -> memref<105472xf32, #tpu.memory_space<vmem_shared>>
        tpu.enqueue_indirect_dma source(%dma_start3A_24 : memref<128xf32, #tpu.memory_space<vmem>>) target(%dma_start3A_29 : memref<105472xf32, #tpu.memory_space<vmem_shared>>) offsets(%dma_start3A_27 : memref<128xi32, #tpu.memory_space<vmem>>) semaphore(%run_scoped3A : memref<!tpu.dma_semaphore, #tpu.memory_space<semaphore_mem>>) {add = true}
        %dma_wait3A = arith.constant 0 : i32
        %dma_wait3A_30 = tpu.memref_slice %arg7[%scan3A_22, %dma_wait3A] : memref<49x128xf32, #tpu.memory_space<vmem>> -> memref<1x128xf32, #tpu.memory_space<vmem>>
        %dma_wait3A_31 = tpu.memref_squeeze %dma_wait3A_30 : memref<1x128xf32, #tpu.memory_space<vmem>> -> memref<128xf32, #tpu.memory_space<vmem>>
        %dma_wait3A_32 = arith.constant 0 : i32
        %dma_wait3A_33 = tpu.memref_slice %arg6[%scan3A_22, %dma_wait3A_32] : memref<49x128xi32, #tpu.memory_space<vmem>> -> memref<1x128xi32, #tpu.memory_space<vmem>>
        %dma_wait3A_34 = tpu.memref_squeeze %dma_wait3A_33 : memref<1x128xi32, #tpu.memory_space<vmem>> -> memref<128xi32, #tpu.memory_space<vmem>>
        %dma_wait3A_35 = arith.constant 0 : i32
        %dma_wait3A_36 = tpu.memref_slice %arg5[%dma_wait3A_35] : memref<105472xf32, #tpu.memory_space<vmem_shared>> -> memref<105472xf32, #tpu.memory_space<vmem_shared>>
        tpu.wait_indirect_dma semaphore(%run_scoped3A : memref<!tpu.dma_semaphore, #tpu.memory_space<semaphore_mem>>) src(%dma_wait3A_31 : memref<128xf32, #tpu.memory_space<vmem>>) dst(%dma_wait3A_36 : memref<105472xf32, #tpu.memory_space<vmem_shared>>)
        tpu.yield
      }) : () -> ()
    }
    %scan3A_13 = arith.constant 49 : i32
    %barrier3A_14 = arith.constant 0 : index
    tpu.barrier barrier_id(%barrier3A_14)
    %mul3A_15 = arith.constant 6592 : i32
    %mul3A_16 = arith.muli %arg1, %mul3A_15 : i32
    "tpu.region"() ({
      %run_scoped3A = tpu.sem_alloc : memref<!tpu.dma_semaphore, #tpu.memory_space<semaphore_mem>>
      %dma_start3A = tpu.memref_slice %arg5[%mul3A_16] : memref<105472xf32, #tpu.memory_space<vmem_shared>> -> memref<6592xf32, #tpu.memory_space<vmem_shared>>
      %dma_start3A_22 = tpu.memref_slice %arg5[%mul3A_16] : memref<105472xf32, #tpu.memory_space<vmem_shared>> -> memref<6592xf32, #tpu.memory_space<vmem_shared>>
      tpu.enqueue_dma source(%dma_start3A_22 : memref<6592xf32, #tpu.memory_space<vmem_shared>>) target(%arg8 : memref<6592xf32, #tpu.memory_space<vmem>>) target_semaphore(%run_scoped3A : memref<!tpu.dma_semaphore, #tpu.memory_space<semaphore_mem>>)
      %dma_wait3A = tpu.memref_slice %arg5[%mul3A_16] : memref<105472xf32, #tpu.memory_space<vmem_shared>> -> memref<6592xf32, #tpu.memory_space<vmem_shared>>
      %dma_wait3A_23 = tpu.memref_slice %arg5[%mul3A_16] : memref<105472xf32, #tpu.memory_space<vmem_shared>> -> memref<6592xf32, #tpu.memory_space<vmem_shared>>
      tpu.wait_dma2 semaphore(%run_scoped3A : memref<!tpu.dma_semaphore, #tpu.memory_space<semaphore_mem>>) src(%dma_wait3A_23 : memref<6592xf32, #tpu.memory_space<vmem_shared>>) dst(%arg8 : memref<6592xf32, #tpu.memory_space<vmem>>)
      tpu.yield
    }) : () -> ()
    %mul3A_17 = arith.constant 105472 : i32
    %mul3A_18 = arith.muli %arg0, %mul3A_17 : i32
    %mul3A_19 = arith.constant 6592 : i32
    %mul3A_20 = arith.muli %arg1, %mul3A_19 : i32
    %add3A_21 = arith.addi %mul3A_18, %mul3A_20 : i32
    "tpu.region"() ({
      %run_scoped3A = tpu.sem_alloc : memref<!tpu.dma_semaphore, #tpu.memory_space<semaphore_mem>>
      %dma_start3A = tpu.memref_slice %arg4[%add3A_21] : memref<210944xf32, #tpu.memory_space<hbm>> -> memref<6592xf32, #tpu.memory_space<hbm>>
      %dma_start3A_22 = tpu.memref_slice %arg4[%add3A_21] : memref<210944xf32, #tpu.memory_space<hbm>> -> memref<6592xf32, #tpu.memory_space<hbm>>
      tpu.enqueue_dma source(%arg8 : memref<6592xf32, #tpu.memory_space<vmem>>) target(%dma_start3A_22 : memref<6592xf32, #tpu.memory_space<hbm>>) target_semaphore(%run_scoped3A : memref<!tpu.dma_semaphore, #tpu.memory_space<semaphore_mem>>)
      %dma_wait3A = tpu.memref_slice %arg4[%add3A_21] : memref<210944xf32, #tpu.memory_space<hbm>> -> memref<6592xf32, #tpu.memory_space<hbm>>
      %dma_wait3A_23 = tpu.memref_slice %arg4[%add3A_21] : memref<210944xf32, #tpu.memory_space<hbm>> -> memref<6592xf32, #tpu.memory_space<hbm>>
      tpu.wait_dma2 semaphore(%run_scoped3A : memref<!tpu.dma_semaphore, #tpu.memory_space<semaphore_mem>>) src(%arg8 : memref<6592xf32, #tpu.memory_space<vmem>>) dst(%dma_wait3A_23 : memref<6592xf32, #tpu.memory_space<hbm>>)
      tpu.yield
    }) : () -> ()
    return
  }
}

#map = affine_map<(d0, d1) -> (0, 0)>
#map1 = affine_map<(d0, d1) -> (0)>
module attributes {stable_mosaic.version = 14 : i64} {
  func.func @_sc_gather(%arg0: i32, %arg1: i32, %arg2: memref<32x1664xi32, #tpu.memory_space<hbm>>, %arg3: memref<32x1664xi32, #tpu.memory_space<hbm>>, %arg4: memref<32x3200xi32, #tpu.memory_space<hbm>>, %arg5: memref<32x3200xi32, #tpu.memory_space<hbm>>, %arg6: memref<32x1664xi32, #tpu.memory_space<hbm>>, %arg7: memref<32x1664xi32, #tpu.memory_space<hbm>>, %arg8: memref<50000x16xf32, #tpu.memory_space<hbm>>, %arg9: memref<5000x32xf32, #tpu.memory_space<hbm>>, %arg10: memref<105472xf32, #tpu.memory_space<hbm>>, %arg11: memref<53248x32xf32, #tpu.memory_space<hbm>>, %arg12: memref<102400x16xf32, #tpu.memory_space<hbm>>, %arg13: memref<53248x16xf32, #tpu.memory_space<hbm>>, %arg14: memref<53248xf32, #tpu.memory_space<hbm>>, %arg15: memref<102400xf32, #tpu.memory_space<hbm>>, %arg16: memref<53248xf32, #tpu.memory_space<hbm>>, %arg17: memref<1664xi32, #tpu.memory_space<vmem>>, %arg18: memref<1664xi32, #tpu.memory_space<vmem>>, %arg19: memref<3200xi32, #tpu.memory_space<vmem>>, %arg20: memref<3200xi32, #tpu.memory_space<vmem>>, %arg21: memref<1664xi32, #tpu.memory_space<vmem>>, %arg22: memref<1664xi32, #tpu.memory_space<vmem>>, %arg23: memref<896x32xf32, #tpu.memory_space<vmem>>, %arg24: memref<896x32xf32, #tpu.memory_space<vmem>>, %arg25: memref<1280x16xf32, #tpu.memory_space<vmem>>, %arg26: memref<1280x16xf32, #tpu.memory_space<vmem>>, %arg27: memref<1664xf32, #tpu.memory_space<vmem>>, %arg28: memref<3200xf32, #tpu.memory_space<vmem>>, %arg29: memref<1664xf32, #tpu.memory_space<vmem>>, %arg30: memref<!tpu.dma_semaphore, #tpu.memory_space<semaphore_mem>>, %arg31: memref<!tpu.dma_semaphore, #tpu.memory_space<semaphore_mem>>, %arg32: memref<!tpu.dma_semaphore, #tpu.memory_space<semaphore_mem>>, %arg33: memref<!tpu.dma_semaphore, #tpu.memory_space<semaphore_mem>>, %arg34: memref<!tpu.dma_semaphore, #tpu.memory_space<semaphore_mem>>, %arg35: memref<!tpu.dma_semaphore, #tpu.memory_space<semaphore_mem>>, %arg36: memref<!tpu.dma_semaphore, #tpu.memory_space<semaphore_mem>>, %arg37: memref<!tpu.dma_semaphore, #tpu.memory_space<semaphore_mem>>, %arg38: memref<!tpu.dma_semaphore, #tpu.memory_space<semaphore_mem>>, %arg39: memref<!tpu.dma_semaphore, #tpu.memory_space<semaphore_mem>>, %arg40: memref<!tpu.dma_semaphore, #tpu.memory_space<semaphore_mem>>) attributes {dimension_semantics = [#tpu.dimension_semantics<core_parallel>, #tpu.dimension_semantics<subcore_parallel>], iteration_bounds = array<i64: 2, 16>, scalar_prefetch = 0 : i64, scratch_operands = 24 : i64, tpu.core_type = #tpu.core_type<sc_vector_subcore>, window_params = [{transform_indices = #map}, {transform_indices = #map}, {transform_indices = #map}, {transform_indices = #map}, {transform_indices = #map}, {transform_indices = #map}, {transform_indices = #map}, {transform_indices = #map}, {transform_indices = #map1}, {transform_indices = #map}, {transform_indices = #map}, {transform_indices = #map}, {transform_indices = #map1}, {transform_indices = #map1}, {transform_indices = #map1}]} {
    %mul3A = arith.constant 2 : i32
    %mul3A_0 = arith.muli %arg1, %mul3A : i32
    %add3A = arith.addi %mul3A_0, %arg0 : i32
    %dma_start3A = arith.constant 0 : i32
    %dma_start3A_1 = tpu.memref_slice %arg2[%add3A, %dma_start3A] : memref<32x1664xi32, #tpu.memory_space<hbm>> -> memref<1x1664xi32, #tpu.memory_space<hbm>>
    %dma_start3A_2 = tpu.memref_squeeze %dma_start3A_1 : memref<1x1664xi32, #tpu.memory_space<hbm>> -> memref<1664xi32, #tpu.memory_space<hbm>>
    %dma_start3A_3 = arith.constant 0 : i32
    %dma_start3A_4 = tpu.memref_slice %arg2[%add3A, %dma_start3A_3] : memref<32x1664xi32, #tpu.memory_space<hbm>> -> memref<1x1664xi32, #tpu.memory_space<hbm>>
    %dma_start3A_5 = tpu.memref_squeeze %dma_start3A_4 : memref<1x1664xi32, #tpu.memory_space<hbm>> -> memref<1664xi32, #tpu.memory_space<hbm>>
    tpu.enqueue_dma source(%dma_start3A_5 : memref<1664xi32, #tpu.memory_space<hbm>>) target(%arg17 : memref<1664xi32, #tpu.memory_space<vmem>>) target_semaphore(%arg30 : memref<!tpu.dma_semaphore, #tpu.memory_space<semaphore_mem>>)
    %dma_start3A_6 = arith.constant 0 : i32
    %dma_start3A_7 = tpu.memref_slice %arg3[%add3A, %dma_start3A_6] : memref<32x1664xi32, #tpu.memory_space<hbm>> -> memref<1x1664xi32, #tpu.memory_space<hbm>>
    %dma_start3A_8 = tpu.memref_squeeze %dma_start3A_7 : memref<1x1664xi32, #tpu.memory_space<hbm>> -> memref<1664xi32, #tpu.memory_space<hbm>>
    %dma_start3A_9 = arith.constant 0 : i32
    %dma_start3A_10 = tpu.memref_slice %arg3[%add3A, %dma_start3A_9] : memref<32x1664xi32, #tpu.memory_space<hbm>> -> memref<1x1664xi32, #tpu.memory_space<hbm>>
    %dma_start3A_11 = tpu.memref_squeeze %dma_start3A_10 : memref<1x1664xi32, #tpu.memory_space<hbm>> -> memref<1664xi32, #tpu.memory_space<hbm>>
    tpu.enqueue_dma source(%dma_start3A_11 : memref<1664xi32, #tpu.memory_space<hbm>>) target(%arg18 : memref<1664xi32, #tpu.memory_space<vmem>>) target_semaphore(%arg30 : memref<!tpu.dma_semaphore, #tpu.memory_space<semaphore_mem>>)
    %dma_start3A_12 = arith.constant 0 : i32
    %dma_start3A_13 = tpu.memref_slice %arg4[%add3A, %dma_start3A_12] : memref<32x3200xi32, #tpu.memory_space<hbm>> -> memref<1x3200xi32, #tpu.memory_space<hbm>>
    %dma_start3A_14 = tpu.memref_squeeze %dma_start3A_13 : memref<1x3200xi32, #tpu.memory_space<hbm>> -> memref<3200xi32, #tpu.memory_space<hbm>>
    %dma_start3A_15 = arith.constant 0 : i32
    %dma_start3A_16 = tpu.memref_slice %arg4[%add3A, %dma_start3A_15] : memref<32x3200xi32, #tpu.memory_space<hbm>> -> memref<1x3200xi32, #tpu.memory_space<hbm>>
    %dma_start3A_17 = tpu.memref_squeeze %dma_start3A_16 : memref<1x3200xi32, #tpu.memory_space<hbm>> -> memref<3200xi32, #tpu.memory_space<hbm>>
    tpu.enqueue_dma source(%dma_start3A_17 : memref<3200xi32, #tpu.memory_space<hbm>>) target(%arg19 : memref<3200xi32, #tpu.memory_space<vmem>>) target_semaphore(%arg30 : memref<!tpu.dma_semaphore, #tpu.memory_space<semaphore_mem>>)
    %dma_start3A_18 = arith.constant 0 : i32
    %dma_start3A_19 = tpu.memref_slice %arg5[%add3A, %dma_start3A_18] : memref<32x3200xi32, #tpu.memory_space<hbm>> -> memref<1x3200xi32, #tpu.memory_space<hbm>>
    %dma_start3A_20 = tpu.memref_squeeze %dma_start3A_19 : memref<1x3200xi32, #tpu.memory_space<hbm>> -> memref<3200xi32, #tpu.memory_space<hbm>>
    %dma_start3A_21 = arith.constant 0 : i32
    %dma_start3A_22 = tpu.memref_slice %arg5[%add3A, %dma_start3A_21] : memref<32x3200xi32, #tpu.memory_space<hbm>> -> memref<1x3200xi32, #tpu.memory_space<hbm>>
    %dma_start3A_23 = tpu.memref_squeeze %dma_start3A_22 : memref<1x3200xi32, #tpu.memory_space<hbm>> -> memref<3200xi32, #tpu.memory_space<hbm>>
    tpu.enqueue_dma source(%dma_start3A_23 : memref<3200xi32, #tpu.memory_space<hbm>>) target(%arg20 : memref<3200xi32, #tpu.memory_space<vmem>>) target_semaphore(%arg30 : memref<!tpu.dma_semaphore, #tpu.memory_space<semaphore_mem>>)
    %dma_start3A_24 = arith.constant 0 : i32
    %dma_start3A_25 = tpu.memref_slice %arg6[%add3A, %dma_start3A_24] : memref<32x1664xi32, #tpu.memory_space<hbm>> -> memref<1x1664xi32, #tpu.memory_space<hbm>>
    %dma_start3A_26 = tpu.memref_squeeze %dma_start3A_25 : memref<1x1664xi32, #tpu.memory_space<hbm>> -> memref<1664xi32, #tpu.memory_space<hbm>>
    %dma_start3A_27 = arith.constant 0 : i32
    %dma_start3A_28 = tpu.memref_slice %arg6[%add3A, %dma_start3A_27] : memref<32x1664xi32, #tpu.memory_space<hbm>> -> memref<1x1664xi32, #tpu.memory_space<hbm>>
    %dma_start3A_29 = tpu.memref_squeeze %dma_start3A_28 : memref<1x1664xi32, #tpu.memory_space<hbm>> -> memref<1664xi32, #tpu.memory_space<hbm>>
    tpu.enqueue_dma source(%dma_start3A_29 : memref<1664xi32, #tpu.memory_space<hbm>>) target(%arg21 : memref<1664xi32, #tpu.memory_space<vmem>>) target_semaphore(%arg30 : memref<!tpu.dma_semaphore, #tpu.memory_space<semaphore_mem>>)
    %dma_start3A_30 = arith.constant 0 : i32
    %dma_start3A_31 = tpu.memref_slice %arg7[%add3A, %dma_start3A_30] : memref<32x1664xi32, #tpu.memory_space<hbm>> -> memref<1x1664xi32, #tpu.memory_space<hbm>>
    %dma_start3A_32 = tpu.memref_squeeze %dma_start3A_31 : memref<1x1664xi32, #tpu.memory_space<hbm>> -> memref<1664xi32, #tpu.memory_space<hbm>>
    %dma_start3A_33 = arith.constant 0 : i32
    %dma_start3A_34 = tpu.memref_slice %arg7[%add3A, %dma_start3A_33] : memref<32x1664xi32, #tpu.memory_space<hbm>> -> memref<1x1664xi32, #tpu.memory_space<hbm>>
    %dma_start3A_35 = tpu.memref_squeeze %dma_start3A_34 : memref<1x1664xi32, #tpu.memory_space<hbm>> -> memref<1664xi32, #tpu.memory_space<hbm>>
    tpu.enqueue_dma source(%dma_start3A_35 : memref<1664xi32, #tpu.memory_space<hbm>>) target(%arg22 : memref<1664xi32, #tpu.memory_space<vmem>>) target_semaphore(%arg30 : memref<!tpu.dma_semaphore, #tpu.memory_space<semaphore_mem>>)
    %dma_wait3A = arith.constant 0 : i32
    %dma_wait3A_36 = tpu.memref_slice %arg2[%add3A, %dma_wait3A] : memref<32x1664xi32, #tpu.memory_space<hbm>> -> memref<1x1664xi32, #tpu.memory_space<hbm>>
    %dma_wait3A_37 = tpu.memref_squeeze %dma_wait3A_36 : memref<1x1664xi32, #tpu.memory_space<hbm>> -> memref<1664xi32, #tpu.memory_space<hbm>>
    %dma_wait3A_38 = arith.constant 0 : i32
    %dma_wait3A_39 = tpu.memref_slice %arg2[%add3A, %dma_wait3A_38] : memref<32x1664xi32, #tpu.memory_space<hbm>> -> memref<1x1664xi32, #tpu.memory_space<hbm>>
    %dma_wait3A_40 = tpu.memref_squeeze %dma_wait3A_39 : memref<1x1664xi32, #tpu.memory_space<hbm>> -> memref<1664xi32, #tpu.memory_space<hbm>>
    tpu.wait_dma2 semaphore(%arg30 : memref<!tpu.dma_semaphore, #tpu.memory_space<semaphore_mem>>) src(%dma_wait3A_40 : memref<1664xi32, #tpu.memory_space<hbm>>) dst(%arg17 : memref<1664xi32, #tpu.memory_space<vmem>>)
    %dma_wait3A_41 = arith.constant 0 : i32
    %dma_wait3A_42 = tpu.memref_slice %arg3[%add3A, %dma_wait3A_41] : memref<32x1664xi32, #tpu.memory_space<hbm>> -> memref<1x1664xi32, #tpu.memory_space<hbm>>
    %dma_wait3A_43 = tpu.memref_squeeze %dma_wait3A_42 : memref<1x1664xi32, #tpu.memory_space<hbm>> -> memref<1664xi32, #tpu.memory_space<hbm>>
    %dma_wait3A_44 = arith.constant 0 : i32
    %dma_wait3A_45 = tpu.memref_slice %arg3[%add3A, %dma_wait3A_44] : memref<32x1664xi32, #tpu.memory_space<hbm>> -> memref<1x1664xi32, #tpu.memory_space<hbm>>
    %dma_wait3A_46 = tpu.memref_squeeze %dma_wait3A_45 : memref<1x1664xi32, #tpu.memory_space<hbm>> -> memref<1664xi32, #tpu.memory_space<hbm>>
    tpu.wait_dma2 semaphore(%arg30 : memref<!tpu.dma_semaphore, #tpu.memory_space<semaphore_mem>>) src(%dma_wait3A_46 : memref<1664xi32, #tpu.memory_space<hbm>>) dst(%arg18 : memref<1664xi32, #tpu.memory_space<vmem>>)
    %dma_wait3A_47 = arith.constant 0 : i32
    %dma_wait3A_48 = tpu.memref_slice %arg4[%add3A, %dma_wait3A_47] : memref<32x3200xi32, #tpu.memory_space<hbm>> -> memref<1x3200xi32, #tpu.memory_space<hbm>>
    %dma_wait3A_49 = tpu.memref_squeeze %dma_wait3A_48 : memref<1x3200xi32, #tpu.memory_space<hbm>> -> memref<3200xi32, #tpu.memory_space<hbm>>
    %dma_wait3A_50 = arith.constant 0 : i32
    %dma_wait3A_51 = tpu.memref_slice %arg4[%add3A, %dma_wait3A_50] : memref<32x3200xi32, #tpu.memory_space<hbm>> -> memref<1x3200xi32, #tpu.memory_space<hbm>>
    %dma_wait3A_52 = tpu.memref_squeeze %dma_wait3A_51 : memref<1x3200xi32, #tpu.memory_space<hbm>> -> memref<3200xi32, #tpu.memory_space<hbm>>
    tpu.wait_dma2 semaphore(%arg30 : memref<!tpu.dma_semaphore, #tpu.memory_space<semaphore_mem>>) src(%dma_wait3A_52 : memref<3200xi32, #tpu.memory_space<hbm>>) dst(%arg19 : memref<3200xi32, #tpu.memory_space<vmem>>)
    %dma_wait3A_53 = arith.constant 0 : i32
    %dma_wait3A_54 = tpu.memref_slice %arg5[%add3A, %dma_wait3A_53] : memref<32x3200xi32, #tpu.memory_space<hbm>> -> memref<1x3200xi32, #tpu.memory_space<hbm>>
    %dma_wait3A_55 = tpu.memref_squeeze %dma_wait3A_54 : memref<1x3200xi32, #tpu.memory_space<hbm>> -> memref<3200xi32, #tpu.memory_space<hbm>>
    %dma_wait3A_56 = arith.constant 0 : i32
    %dma_wait3A_57 = tpu.memref_slice %arg5[%add3A, %dma_wait3A_56] : memref<32x3200xi32, #tpu.memory_space<hbm>> -> memref<1x3200xi32, #tpu.memory_space<hbm>>
    %dma_wait3A_58 = tpu.memref_squeeze %dma_wait3A_57 : memref<1x3200xi32, #tpu.memory_space<hbm>> -> memref<3200xi32, #tpu.memory_space<hbm>>
    tpu.wait_dma2 semaphore(%arg30 : memref<!tpu.dma_semaphore, #tpu.memory_space<semaphore_mem>>) src(%dma_wait3A_58 : memref<3200xi32, #tpu.memory_space<hbm>>) dst(%arg20 : memref<3200xi32, #tpu.memory_space<vmem>>)
    %dma_wait3A_59 = arith.constant 0 : i32
    %dma_wait3A_60 = tpu.memref_slice %arg6[%add3A, %dma_wait3A_59] : memref<32x1664xi32, #tpu.memory_space<hbm>> -> memref<1x1664xi32, #tpu.memory_space<hbm>>
    %dma_wait3A_61 = tpu.memref_squeeze %dma_wait3A_60 : memref<1x1664xi32, #tpu.memory_space<hbm>> -> memref<1664xi32, #tpu.memory_space<hbm>>
    %dma_wait3A_62 = arith.constant 0 : i32
    %dma_wait3A_63 = tpu.memref_slice %arg6[%add3A, %dma_wait3A_62] : memref<32x1664xi32, #tpu.memory_space<hbm>> -> memref<1x1664xi32, #tpu.memory_space<hbm>>
    %dma_wait3A_64 = tpu.memref_squeeze %dma_wait3A_63 : memref<1x1664xi32, #tpu.memory_space<hbm>> -> memref<1664xi32, #tpu.memory_space<hbm>>
    tpu.wait_dma2 semaphore(%arg30 : memref<!tpu.dma_semaphore, #tpu.memory_space<semaphore_mem>>) src(%dma_wait3A_64 : memref<1664xi32, #tpu.memory_space<hbm>>) dst(%arg21 : memref<1664xi32, #tpu.memory_space<vmem>>)
    %dma_wait3A_65 = arith.constant 0 : i32
    %dma_wait3A_66 = tpu.memref_slice %arg7[%add3A, %dma_wait3A_65] : memref<32x1664xi32, #tpu.memory_space<hbm>> -> memref<1x1664xi32, #tpu.memory_space<hbm>>
    %dma_wait3A_67 = tpu.memref_squeeze %dma_wait3A_66 : memref<1x1664xi32, #tpu.memory_space<hbm>> -> memref<1664xi32, #tpu.memory_space<hbm>>
    %dma_wait3A_68 = arith.constant 0 : i32
    %dma_wait3A_69 = tpu.memref_slice %arg7[%add3A, %dma_wait3A_68] : memref<32x1664xi32, #tpu.memory_space<hbm>> -> memref<1x1664xi32, #tpu.memory_space<hbm>>
    %dma_wait3A_70 = tpu.memref_squeeze %dma_wait3A_69 : memref<1x1664xi32, #tpu.memory_space<hbm>> -> memref<1664xi32, #tpu.memory_space<hbm>>
    tpu.wait_dma2 semaphore(%arg30 : memref<!tpu.dma_semaphore, #tpu.memory_space<semaphore_mem>>) src(%dma_wait3A_70 : memref<1664xi32, #tpu.memory_space<hbm>>) dst(%arg22 : memref<1664xi32, #tpu.memory_space<vmem>>)
    %mul3A_71 = arith.constant 13 : i32
    %mul3A_72 = arith.muli %add3A, %mul3A_71 : i32
    %mul3A_73 = arith.constant 128 : i32
    %mul3A_74 = arith.muli %mul3A_72, %mul3A_73 : i32
    %dma_start3A_75 = arith.constant 0 : i32
    %dma_start3A_76 = arith.constant 0 : i32
    %dma_start3A_77 = tpu.memref_slice %arg23[%dma_start3A_75, %dma_start3A_76] : memref<896x32xf32, #tpu.memory_space<vmem>> -> memref<896x32xf32, #tpu.memory_space<vmem>>
    %dma_start3A_78 = arith.constant 0 : i32
    %dma_start3A_79 = tpu.memref_slice %arg17[%dma_start3A_78] : memref<1664xi32, #tpu.memory_space<vmem>> -> memref<896xi32, #tpu.memory_space<vmem>>
    %dma_start3A_80 = arith.constant 0 : i32
    %dma_start3A_81 = arith.constant 0 : i32
    %dma_start3A_82 = tpu.memref_slice %arg9[%dma_start3A_80, %dma_start3A_81] : memref<5000x32xf32, #tpu.memory_space<hbm>> -> memref<5000x32xf32, #tpu.memory_space<hbm>>
    tpu.enqueue_indirect_dma source(%dma_start3A_82 : memref<5000x32xf32, #tpu.memory_space<hbm>>) target(%dma_start3A_77 : memref<896x32xf32, #tpu.memory_space<vmem>>) offsets(%dma_start3A_79 : memref<896xi32, #tpu.memory_space<vmem>>) semaphore(%arg31 : memref<!tpu.dma_semaphore, #tpu.memory_space<semaphore_mem>>)
    %dma_start3A_83 = arith.constant 0 : i32
    %dma_start3A_84 = tpu.memref_slice %arg27[%dma_start3A_83] : memref<1664xf32, #tpu.memory_space<vmem>> -> memref<896xf32, #tpu.memory_space<vmem>>
    %dma_start3A_85 = arith.constant 0 : i32
    %dma_start3A_86 = tpu.memref_slice %arg18[%dma_start3A_85] : memref<1664xi32, #tpu.memory_space<vmem>> -> memref<896xi32, #tpu.memory_space<vmem>>
    %dma_start3A_87 = arith.constant 0 : i32
    %dma_start3A_88 = tpu.memref_slice %arg10[%dma_start3A_87] : memref<105472xf32, #tpu.memory_space<hbm>> -> memref<105472xf32, #tpu.memory_space<hbm>>
    tpu.enqueue_indirect_dma source(%dma_start3A_88 : memref<105472xf32, #tpu.memory_space<hbm>>) target(%dma_start3A_84 : memref<896xf32, #tpu.memory_space<vmem>>) offsets(%dma_start3A_86 : memref<896xi32, #tpu.memory_space<vmem>>) semaphore(%arg39 : memref<!tpu.dma_semaphore, #tpu.memory_space<semaphore_mem>>)
    %dma_start3A_89 = arith.constant 0 : i32
    %dma_start3A_90 = arith.constant 0 : i32
    %dma_start3A_91 = tpu.memref_slice %arg24[%dma_start3A_89, %dma_start3A_90] : memref<896x32xf32, #tpu.memory_space<vmem>> -> memref<768x32xf32, #tpu.memory_space<vmem>>
    %dma_start3A_92 = arith.constant 896 : i32
    %dma_start3A_93 = tpu.memref_slice %arg17[%dma_start3A_92] : memref<1664xi32, #tpu.memory_space<vmem>> -> memref<768xi32, #tpu.memory_space<vmem>>
    %dma_start3A_94 = arith.constant 0 : i32
    %dma_start3A_95 = arith.constant 0 : i32
    %dma_start3A_96 = tpu.memref_slice %arg9[%dma_start3A_94, %dma_start3A_95] : memref<5000x32xf32, #tpu.memory_space<hbm>> -> memref<5000x32xf32, #tpu.memory_space<hbm>>
    tpu.enqueue_indirect_dma source(%dma_start3A_96 : memref<5000x32xf32, #tpu.memory_space<hbm>>) target(%dma_start3A_91 : memref<768x32xf32, #tpu.memory_space<vmem>>) offsets(%dma_start3A_93 : memref<768xi32, #tpu.memory_space<vmem>>) semaphore(%arg32 : memref<!tpu.dma_semaphore, #tpu.memory_space<semaphore_mem>>)
    %dma_start3A_97 = arith.constant 896 : i32
    %dma_start3A_98 = tpu.memref_slice %arg27[%dma_start3A_97] : memref<1664xf32, #tpu.memory_space<vmem>> -> memref<768xf32, #tpu.memory_space<vmem>>
    %dma_start3A_99 = arith.constant 896 : i32
    %dma_start3A_100 = tpu.memref_slice %arg18[%dma_start3A_99] : memref<1664xi32, #tpu.memory_space<vmem>> -> memref<768xi32, #tpu.memory_space<vmem>>
    %dma_start3A_101 = arith.constant 0 : i32
    %dma_start3A_102 = tpu.memref_slice %arg10[%dma_start3A_101] : memref<105472xf32, #tpu.memory_space<hbm>> -> memref<105472xf32, #tpu.memory_space<hbm>>
    tpu.enqueue_indirect_dma source(%dma_start3A_102 : memref<105472xf32, #tpu.memory_space<hbm>>) target(%dma_start3A_98 : memref<768xf32, #tpu.memory_space<vmem>>) offsets(%dma_start3A_100 : memref<768xi32, #tpu.memory_space<vmem>>) semaphore(%arg39 : memref<!tpu.dma_semaphore, #tpu.memory_space<semaphore_mem>>)
    %dma_wait3A_103 = arith.constant 0 : i32
    %dma_wait3A_104 = arith.constant 0 : i32
    %dma_wait3A_105 = tpu.memref_slice %arg23[%dma_wait3A_103, %dma_wait3A_104] : memref<896x32xf32, #tpu.memory_space<vmem>> -> memref<896x32xf32, #tpu.memory_space<vmem>>
    %dma_wait3A_106 = arith.constant 0 : i32
    %dma_wait3A_107 = tpu.memref_slice %arg17[%dma_wait3A_106] : memref<1664xi32, #tpu.memory_space<vmem>> -> memref<896xi32, #tpu.memory_space<vmem>>
    %dma_wait3A_108 = arith.constant 0 : i32
    %dma_wait3A_109 = arith.constant 0 : i32
    %dma_wait3A_110 = tpu.memref_slice %arg9[%dma_wait3A_108, %dma_wait3A_109] : memref<5000x32xf32, #tpu.memory_space<hbm>> -> memref<5000x32xf32, #tpu.memory_space<hbm>>
    tpu.wait_indirect_dma semaphore(%arg31 : memref<!tpu.dma_semaphore, #tpu.memory_space<semaphore_mem>>) src(%dma_wait3A_110 : memref<5000x32xf32, #tpu.memory_space<hbm>>) dst(%dma_wait3A_105 : memref<896x32xf32, #tpu.memory_space<vmem>>)
    %add3A_111 = arith.constant 0 : i32
    %add3A_112 = arith.addi %mul3A_74, %add3A_111 : i32
    %dma_start3A_113 = arith.constant 0 : i32
    %dma_start3A_114 = arith.constant 0 : i32
    %dma_start3A_115 = tpu.memref_slice %arg23[%dma_start3A_113, %dma_start3A_114] : memref<896x32xf32, #tpu.memory_space<vmem>> -> memref<896x32xf32, #tpu.memory_space<vmem>>
    %dma_start3A_116 = arith.constant 0 : i32
    %dma_start3A_117 = tpu.memref_slice %arg11[%add3A_112, %dma_start3A_116] : memref<53248x32xf32, #tpu.memory_space<hbm>> -> memref<896x32xf32, #tpu.memory_space<hbm>>
    %dma_start3A_118 = arith.constant 0 : i32
    %dma_start3A_119 = tpu.memref_slice %arg11[%add3A_112, %dma_start3A_118] : memref<53248x32xf32, #tpu.memory_space<hbm>> -> memref<896x32xf32, #tpu.memory_space<hbm>>
    %dma_start3A_120 = arith.constant 0 : i32
    %dma_start3A_121 = arith.constant 0 : i32
    %dma_start3A_122 = tpu.memref_slice %arg23[%dma_start3A_120, %dma_start3A_121] : memref<896x32xf32, #tpu.memory_space<vmem>> -> memref<896x32xf32, #tpu.memory_space<vmem>>
    tpu.enqueue_dma source(%dma_start3A_122 : memref<896x32xf32, #tpu.memory_space<vmem>>) target(%dma_start3A_119 : memref<896x32xf32, #tpu.memory_space<hbm>>) target_semaphore(%arg35 : memref<!tpu.dma_semaphore, #tpu.memory_space<semaphore_mem>>)
    %dma_wait3A_123 = arith.constant 0 : i32
    %dma_wait3A_124 = arith.constant 0 : i32
    %dma_wait3A_125 = tpu.memref_slice %arg24[%dma_wait3A_123, %dma_wait3A_124] : memref<896x32xf32, #tpu.memory_space<vmem>> -> memref<768x32xf32, #tpu.memory_space<vmem>>
    %dma_wait3A_126 = arith.constant 896 : i32
    %dma_wait3A_127 = tpu.memref_slice %arg17[%dma_wait3A_126] : memref<1664xi32, #tpu.memory_space<vmem>> -> memref<768xi32, #tpu.memory_space<vmem>>
    %dma_wait3A_128 = arith.constant 0 : i32
    %dma_wait3A_129 = arith.constant 0 : i32
    %dma_wait3A_130 = tpu.memref_slice %arg9[%dma_wait3A_128, %dma_wait3A_129] : memref<5000x32xf32, #tpu.memory_space<hbm>> -> memref<5000x32xf32, #tpu.memory_space<hbm>>
    tpu.wait_indirect_dma semaphore(%arg32 : memref<!tpu.dma_semaphore, #tpu.memory_space<semaphore_mem>>) src(%dma_wait3A_130 : memref<5000x32xf32, #tpu.memory_space<hbm>>) dst(%dma_wait3A_125 : memref<768x32xf32, #tpu.memory_space<vmem>>)
    %add3A_131 = arith.constant 896 : i32
    %add3A_132 = arith.addi %mul3A_74, %add3A_131 : i32
    %dma_start3A_133 = arith.constant 0 : i32
    %dma_start3A_134 = arith.constant 0 : i32
    %dma_start3A_135 = tpu.memref_slice %arg24[%dma_start3A_133, %dma_start3A_134] : memref<896x32xf32, #tpu.memory_space<vmem>> -> memref<768x32xf32, #tpu.memory_space<vmem>>
    %dma_start3A_136 = arith.constant 0 : i32
    %dma_start3A_137 = tpu.memref_slice %arg11[%add3A_132, %dma_start3A_136] : memref<53248x32xf32, #tpu.memory_space<hbm>> -> memref<768x32xf32, #tpu.memory_space<hbm>>
    %dma_start3A_138 = arith.constant 0 : i32
    %dma_start3A_139 = tpu.memref_slice %arg11[%add3A_132, %dma_start3A_138] : memref<53248x32xf32, #tpu.memory_space<hbm>> -> memref<768x32xf32, #tpu.memory_space<hbm>>
    %dma_start3A_140 = arith.constant 0 : i32
    %dma_start3A_141 = arith.constant 0 : i32
    %dma_start3A_142 = tpu.memref_slice %arg24[%dma_start3A_140, %dma_start3A_141] : memref<896x32xf32, #tpu.memory_space<vmem>> -> memref<768x32xf32, #tpu.memory_space<vmem>>
    tpu.enqueue_dma source(%dma_start3A_142 : memref<768x32xf32, #tpu.memory_space<vmem>>) target(%dma_start3A_139 : memref<768x32xf32, #tpu.memory_space<hbm>>) target_semaphore(%arg36 : memref<!tpu.dma_semaphore, #tpu.memory_space<semaphore_mem>>)
    %dma_wait3A_143 = arith.constant 0 : i32
    %dma_wait3A_144 = tpu.memref_slice %arg27[%dma_wait3A_143] : memref<1664xf32, #tpu.memory_space<vmem>> -> memref<896xf32, #tpu.memory_space<vmem>>
    %dma_wait3A_145 = arith.constant 0 : i32
    %dma_wait3A_146 = tpu.memref_slice %arg18[%dma_wait3A_145] : memref<1664xi32, #tpu.memory_space<vmem>> -> memref<896xi32, #tpu.memory_space<vmem>>
    %dma_wait3A_147 = arith.constant 0 : i32
    %dma_wait3A_148 = tpu.memref_slice %arg10[%dma_wait3A_147] : memref<105472xf32, #tpu.memory_space<hbm>> -> memref<105472xf32, #tpu.memory_space<hbm>>
    tpu.wait_indirect_dma semaphore(%arg39 : memref<!tpu.dma_semaphore, #tpu.memory_space<semaphore_mem>>) src(%dma_wait3A_148 : memref<105472xf32, #tpu.memory_space<hbm>>) dst(%dma_wait3A_144 : memref<896xf32, #tpu.memory_space<vmem>>)
    %dma_wait3A_149 = arith.constant 896 : i32
    %dma_wait3A_150 = tpu.memref_slice %arg27[%dma_wait3A_149] : memref<1664xf32, #tpu.memory_space<vmem>> -> memref<768xf32, #tpu.memory_space<vmem>>
    %dma_wait3A_151 = arith.constant 896 : i32
    %dma_wait3A_152 = tpu.memref_slice %arg18[%dma_wait3A_151] : memref<1664xi32, #tpu.memory_space<vmem>> -> memref<768xi32, #tpu.memory_space<vmem>>
    %dma_wait3A_153 = arith.constant 0 : i32
    %dma_wait3A_154 = tpu.memref_slice %arg10[%dma_wait3A_153] : memref<105472xf32, #tpu.memory_space<hbm>> -> memref<105472xf32, #tpu.memory_space<hbm>>
    tpu.wait_indirect_dma semaphore(%arg39 : memref<!tpu.dma_semaphore, #tpu.memory_space<semaphore_mem>>) src(%dma_wait3A_154 : memref<105472xf32, #tpu.memory_space<hbm>>) dst(%dma_wait3A_150 : memref<768xf32, #tpu.memory_space<vmem>>)
    %mul3A_155 = arith.constant 13 : i32
    %mul3A_156 = arith.muli %add3A, %mul3A_155 : i32
    %mul3A_157 = arith.constant 128 : i32
    %mul3A_158 = arith.muli %mul3A_156, %mul3A_157 : i32
    %dma_start3A_159 = tpu.memref_slice %arg14[%mul3A_158] : memref<53248xf32, #tpu.memory_space<hbm>> -> memref<1664xf32, #tpu.memory_space<hbm>>
    %dma_start3A_160 = tpu.memref_slice %arg14[%mul3A_158] : memref<53248xf32, #tpu.memory_space<hbm>> -> memref<1664xf32, #tpu.memory_space<hbm>>
    tpu.enqueue_dma source(%arg27 : memref<1664xf32, #tpu.memory_space<vmem>>) target(%dma_start3A_160 : memref<1664xf32, #tpu.memory_space<hbm>>) target_semaphore(%arg40 : memref<!tpu.dma_semaphore, #tpu.memory_space<semaphore_mem>>)
    %mul3A_161 = arith.constant 25 : i32
    %mul3A_162 = arith.muli %add3A, %mul3A_161 : i32
    %mul3A_163 = arith.constant 128 : i32
    %mul3A_164 = arith.muli %mul3A_162, %mul3A_163 : i32
    %dma_start3A_165 = arith.constant 0 : i32
    %dma_start3A_166 = arith.constant 0 : i32
    %dma_start3A_167 = tpu.memref_slice %arg25[%dma_start3A_165, %dma_start3A_166] : memref<1280x16xf32, #tpu.memory_space<vmem>> -> memref<1280x16xf32, #tpu.memory_space<vmem>>
    %dma_start3A_168 = arith.constant 0 : i32
    %dma_start3A_169 = tpu.memref_slice %arg19[%dma_start3A_168] : memref<3200xi32, #tpu.memory_space<vmem>> -> memref<1280xi32, #tpu.memory_space<vmem>>
    %dma_start3A_170 = arith.constant 0 : i32
    %dma_start3A_171 = arith.constant 0 : i32
    %dma_start3A_172 = tpu.memref_slice %arg8[%dma_start3A_170, %dma_start3A_171] : memref<50000x16xf32, #tpu.memory_space<hbm>> -> memref<50000x16xf32, #tpu.memory_space<hbm>>
    tpu.enqueue_indirect_dma source(%dma_start3A_172 : memref<50000x16xf32, #tpu.memory_space<hbm>>) target(%dma_start3A_167 : memref<1280x16xf32, #tpu.memory_space<vmem>>) offsets(%dma_start3A_169 : memref<1280xi32, #tpu.memory_space<vmem>>) semaphore(%arg33 : memref<!tpu.dma_semaphore, #tpu.memory_space<semaphore_mem>>)
    %dma_start3A_173 = arith.constant 0 : i32
    %dma_start3A_174 = tpu.memref_slice %arg28[%dma_start3A_173] : memref<3200xf32, #tpu.memory_space<vmem>> -> memref<1280xf32, #tpu.memory_space<vmem>>
    %dma_start3A_175 = arith.constant 0 : i32
    %dma_start3A_176 = tpu.memref_slice %arg20[%dma_start3A_175] : memref<3200xi32, #tpu.memory_space<vmem>> -> memref<1280xi32, #tpu.memory_space<vmem>>
    %dma_start3A_177 = arith.constant 0 : i32
    %dma_start3A_178 = tpu.memref_slice %arg10[%dma_start3A_177] : memref<105472xf32, #tpu.memory_space<hbm>> -> memref<105472xf32, #tpu.memory_space<hbm>>
    tpu.enqueue_indirect_dma source(%dma_start3A_178 : memref<105472xf32, #tpu.memory_space<hbm>>) target(%dma_start3A_174 : memref<1280xf32, #tpu.memory_space<vmem>>) offsets(%dma_start3A_176 : memref<1280xi32, #tpu.memory_space<vmem>>) semaphore(%arg39 : memref<!tpu.dma_semaphore, #tpu.memory_space<semaphore_mem>>)
    %dma_start3A_179 = arith.constant 0 : i32
    %dma_start3A_180 = arith.constant 0 : i32
    %dma_start3A_181 = tpu.memref_slice %arg26[%dma_start3A_179, %dma_start3A_180] : memref<1280x16xf32, #tpu.memory_space<vmem>> -> memref<1280x16xf32, #tpu.memory_space<vmem>>
    %dma_start3A_182 = arith.constant 1280 : i32
    %dma_start3A_183 = tpu.memref_slice %arg19[%dma_start3A_182] : memref<3200xi32, #tpu.memory_space<vmem>> -> memref<1280xi32, #tpu.memory_space<vmem>>
    %dma_start3A_184 = arith.constant 0 : i32
    %dma_start3A_185 = arith.constant 0 : i32
    %dma_start3A_186 = tpu.memref_slice %arg8[%dma_start3A_184, %dma_start3A_185] : memref<50000x16xf32, #tpu.memory_space<hbm>> -> memref<50000x16xf32, #tpu.memory_space<hbm>>
    tpu.enqueue_indirect_dma source(%dma_start3A_186 : memref<50000x16xf32, #tpu.memory_space<hbm>>) target(%dma_start3A_181 : memref<1280x16xf32, #tpu.memory_space<vmem>>) offsets(%dma_start3A_183 : memref<1280xi32, #tpu.memory_space<vmem>>) semaphore(%arg34 : memref<!tpu.dma_semaphore, #tpu.memory_space<semaphore_mem>>)
    %dma_start3A_187 = arith.constant 1280 : i32
    %dma_start3A_188 = tpu.memref_slice %arg28[%dma_start3A_187] : memref<3200xf32, #tpu.memory_space<vmem>> -> memref<1280xf32, #tpu.memory_space<vmem>>
    %dma_start3A_189 = arith.constant 1280 : i32
    %dma_start3A_190 = tpu.memref_slice %arg20[%dma_start3A_189] : memref<3200xi32, #tpu.memory_space<vmem>> -> memref<1280xi32, #tpu.memory_space<vmem>>
    %dma_start3A_191 = arith.constant 0 : i32
    %dma_start3A_192 = tpu.memref_slice %arg10[%dma_start3A_191] : memref<105472xf32, #tpu.memory_space<hbm>> -> memref<105472xf32, #tpu.memory_space<hbm>>
    tpu.enqueue_indirect_dma source(%dma_start3A_192 : memref<105472xf32, #tpu.memory_space<hbm>>) target(%dma_start3A_188 : memref<1280xf32, #tpu.memory_space<vmem>>) offsets(%dma_start3A_190 : memref<1280xi32, #tpu.memory_space<vmem>>) semaphore(%arg39 : memref<!tpu.dma_semaphore, #tpu.memory_space<semaphore_mem>>)
    %dma_wait3A_193 = arith.constant 0 : i32
    %dma_wait3A_194 = arith.constant 0 : i32
    %dma_wait3A_195 = tpu.memref_slice %arg25[%dma_wait3A_193, %dma_wait3A_194] : memref<1280x16xf32, #tpu.memory_space<vmem>> -> memref<1280x16xf32, #tpu.memory_space<vmem>>
    %dma_wait3A_196 = arith.constant 0 : i32
    %dma_wait3A_197 = tpu.memref_slice %arg19[%dma_wait3A_196] : memref<3200xi32, #tpu.memory_space<vmem>> -> memref<1280xi32, #tpu.memory_space<vmem>>
    %dma_wait3A_198 = arith.constant 0 : i32
    %dma_wait3A_199 = arith.constant 0 : i32
    %dma_wait3A_200 = tpu.memref_slice %arg8[%dma_wait3A_198, %dma_wait3A_199] : memref<50000x16xf32, #tpu.memory_space<hbm>> -> memref<50000x16xf32, #tpu.memory_space<hbm>>
    tpu.wait_indirect_dma semaphore(%arg33 : memref<!tpu.dma_semaphore, #tpu.memory_space<semaphore_mem>>) src(%dma_wait3A_200 : memref<50000x16xf32, #tpu.memory_space<hbm>>) dst(%dma_wait3A_195 : memref<1280x16xf32, #tpu.memory_space<vmem>>)
    %add3A_201 = arith.constant 0 : i32
    %add3A_202 = arith.addi %mul3A_164, %add3A_201 : i32
    %dma_start3A_203 = arith.constant 0 : i32
    %dma_start3A_204 = arith.constant 0 : i32
    %dma_start3A_205 = tpu.memref_slice %arg25[%dma_start3A_203, %dma_start3A_204] : memref<1280x16xf32, #tpu.memory_space<vmem>> -> memref<1280x16xf32, #tpu.memory_space<vmem>>
    %dma_start3A_206 = arith.constant 0 : i32
    %dma_start3A_207 = tpu.memref_slice %arg12[%add3A_202, %dma_start3A_206] : memref<102400x16xf32, #tpu.memory_space<hbm>> -> memref<1280x16xf32, #tpu.memory_space<hbm>>
    %dma_start3A_208 = arith.constant 0 : i32
    %dma_start3A_209 = tpu.memref_slice %arg12[%add3A_202, %dma_start3A_208] : memref<102400x16xf32, #tpu.memory_space<hbm>> -> memref<1280x16xf32, #tpu.memory_space<hbm>>
    %dma_start3A_210 = arith.constant 0 : i32
    %dma_start3A_211 = arith.constant 0 : i32
    %dma_start3A_212 = tpu.memref_slice %arg25[%dma_start3A_210, %dma_start3A_211] : memref<1280x16xf32, #tpu.memory_space<vmem>> -> memref<1280x16xf32, #tpu.memory_space<vmem>>
    tpu.enqueue_dma source(%dma_start3A_212 : memref<1280x16xf32, #tpu.memory_space<vmem>>) target(%dma_start3A_209 : memref<1280x16xf32, #tpu.memory_space<hbm>>) target_semaphore(%arg37 : memref<!tpu.dma_semaphore, #tpu.memory_space<semaphore_mem>>)
    %dma_wait3A_213 = arith.constant 0 : i32
    %dma_wait3A_214 = arith.constant 0 : i32
    %dma_wait3A_215 = tpu.memref_slice %arg25[%dma_wait3A_213, %dma_wait3A_214] : memref<1280x16xf32, #tpu.memory_space<vmem>> -> memref<1280x16xf32, #tpu.memory_space<vmem>>
    %dma_wait3A_216 = arith.constant 0 : i32
    %dma_wait3A_217 = tpu.memref_slice %arg12[%add3A_202, %dma_wait3A_216] : memref<102400x16xf32, #tpu.memory_space<hbm>> -> memref<1280x16xf32, #tpu.memory_space<hbm>>
    %dma_wait3A_218 = arith.constant 0 : i32
    %dma_wait3A_219 = tpu.memref_slice %arg12[%add3A_202, %dma_wait3A_218] : memref<102400x16xf32, #tpu.memory_space<hbm>> -> memref<1280x16xf32, #tpu.memory_space<hbm>>
    %dma_wait3A_220 = arith.constant 0 : i32
    %dma_wait3A_221 = arith.constant 0 : i32
    %dma_wait3A_222 = tpu.memref_slice %arg25[%dma_wait3A_220, %dma_wait3A_221] : memref<1280x16xf32, #tpu.memory_space<vmem>> -> memref<1280x16xf32, #tpu.memory_space<vmem>>
    tpu.wait_dma2 semaphore(%arg37 : memref<!tpu.dma_semaphore, #tpu.memory_space<semaphore_mem>>) src(%dma_wait3A_222 : memref<1280x16xf32, #tpu.memory_space<vmem>>) dst(%dma_wait3A_219 : memref<1280x16xf32, #tpu.memory_space<hbm>>)
    %dma_start3A_223 = arith.constant 0 : i32
    %dma_start3A_224 = arith.constant 0 : i32
    %dma_start3A_225 = tpu.memref_slice %arg25[%dma_start3A_223, %dma_start3A_224] : memref<1280x16xf32, #tpu.memory_space<vmem>> -> memref<640x16xf32, #tpu.memory_space<vmem>>
    %dma_start3A_226 = arith.constant 2560 : i32
    %dma_start3A_227 = tpu.memref_slice %arg19[%dma_start3A_226] : memref<3200xi32, #tpu.memory_space<vmem>> -> memref<640xi32, #tpu.memory_space<vmem>>
    %dma_start3A_228 = arith.constant 0 : i32
    %dma_start3A_229 = arith.constant 0 : i32
    %dma_start3A_230 = tpu.memref_slice %arg8[%dma_start3A_228, %dma_start3A_229] : memref<50000x16xf32, #tpu.memory_space<hbm>> -> memref<50000x16xf32, #tpu.memory_space<hbm>>
    tpu.enqueue_indirect_dma source(%dma_start3A_230 : memref<50000x16xf32, #tpu.memory_space<hbm>>) target(%dma_start3A_225 : memref<640x16xf32, #tpu.memory_space<vmem>>) offsets(%dma_start3A_227 : memref<640xi32, #tpu.memory_space<vmem>>) semaphore(%arg33 : memref<!tpu.dma_semaphore, #tpu.memory_space<semaphore_mem>>)
    %dma_start3A_231 = arith.constant 2560 : i32
    %dma_start3A_232 = tpu.memref_slice %arg28[%dma_start3A_231] : memref<3200xf32, #tpu.memory_space<vmem>> -> memref<640xf32, #tpu.memory_space<vmem>>
    %dma_start3A_233 = arith.constant 2560 : i32
    %dma_start3A_234 = tpu.memref_slice %arg20[%dma_start3A_233] : memref<3200xi32, #tpu.memory_space<vmem>> -> memref<640xi32, #tpu.memory_space<vmem>>
    %dma_start3A_235 = arith.constant 0 : i32
    %dma_start3A_236 = tpu.memref_slice %arg10[%dma_start3A_235] : memref<105472xf32, #tpu.memory_space<hbm>> -> memref<105472xf32, #tpu.memory_space<hbm>>
    tpu.enqueue_indirect_dma source(%dma_start3A_236 : memref<105472xf32, #tpu.memory_space<hbm>>) target(%dma_start3A_232 : memref<640xf32, #tpu.memory_space<vmem>>) offsets(%dma_start3A_234 : memref<640xi32, #tpu.memory_space<vmem>>) semaphore(%arg39 : memref<!tpu.dma_semaphore, #tpu.memory_space<semaphore_mem>>)
    %dma_wait3A_237 = arith.constant 0 : i32
    %dma_wait3A_238 = arith.constant 0 : i32
    %dma_wait3A_239 = tpu.memref_slice %arg26[%dma_wait3A_237, %dma_wait3A_238] : memref<1280x16xf32, #tpu.memory_space<vmem>> -> memref<1280x16xf32, #tpu.memory_space<vmem>>
    %dma_wait3A_240 = arith.constant 1280 : i32
    %dma_wait3A_241 = tpu.memref_slice %arg19[%dma_wait3A_240] : memref<3200xi32, #tpu.memory_space<vmem>> -> memref<1280xi32, #tpu.memory_space<vmem>>
    %dma_wait3A_242 = arith.constant 0 : i32
    %dma_wait3A_243 = arith.constant 0 : i32
    %dma_wait3A_244 = tpu.memref_slice %arg8[%dma_wait3A_242, %dma_wait3A_243] : memref<50000x16xf32, #tpu.memory_space<hbm>> -> memref<50000x16xf32, #tpu.memory_space<hbm>>
    tpu.wait_indirect_dma semaphore(%arg34 : memref<!tpu.dma_semaphore, #tpu.memory_space<semaphore_mem>>) src(%dma_wait3A_244 : memref<50000x16xf32, #tpu.memory_space<hbm>>) dst(%dma_wait3A_239 : memref<1280x16xf32, #tpu.memory_space<vmem>>)
    %add3A_245 = arith.constant 1280 : i32
    %add3A_246 = arith.addi %mul3A_164, %add3A_245 : i32
    %dma_start3A_247 = arith.constant 0 : i32
    %dma_start3A_248 = arith.constant 0 : i32
    %dma_start3A_249 = tpu.memref_slice %arg26[%dma_start3A_247, %dma_start3A_248] : memref<1280x16xf32, #tpu.memory_space<vmem>> -> memref<1280x16xf32, #tpu.memory_space<vmem>>
    %dma_start3A_250 = arith.constant 0 : i32
    %dma_start3A_251 = tpu.memref_slice %arg12[%add3A_246, %dma_start3A_250] : memref<102400x16xf32, #tpu.memory_space<hbm>> -> memref<1280x16xf32, #tpu.memory_space<hbm>>
    %dma_start3A_252 = arith.constant 0 : i32
    %dma_start3A_253 = tpu.memref_slice %arg12[%add3A_246, %dma_start3A_252] : memref<102400x16xf32, #tpu.memory_space<hbm>> -> memref<1280x16xf32, #tpu.memory_space<hbm>>
    %dma_start3A_254 = arith.constant 0 : i32
    %dma_start3A_255 = arith.constant 0 : i32
    %dma_start3A_256 = tpu.memref_slice %arg26[%dma_start3A_254, %dma_start3A_255] : memref<1280x16xf32, #tpu.memory_space<vmem>> -> memref<1280x16xf32, #tpu.memory_space<vmem>>
    tpu.enqueue_dma source(%dma_start3A_256 : memref<1280x16xf32, #tpu.memory_space<vmem>>) target(%dma_start3A_253 : memref<1280x16xf32, #tpu.memory_space<hbm>>) target_semaphore(%arg38 : memref<!tpu.dma_semaphore, #tpu.memory_space<semaphore_mem>>)
    %dma_wait3A_257 = arith.constant 0 : i32
    %dma_wait3A_258 = arith.constant 0 : i32
    %dma_wait3A_259 = tpu.memref_slice %arg25[%dma_wait3A_257, %dma_wait3A_258] : memref<1280x16xf32, #tpu.memory_space<vmem>> -> memref<640x16xf32, #tpu.memory_space<vmem>>
    %dma_wait3A_260 = arith.constant 2560 : i32
    %dma_wait3A_261 = tpu.memref_slice %arg19[%dma_wait3A_260] : memref<3200xi32, #tpu.memory_space<vmem>> -> memref<640xi32, #tpu.memory_space<vmem>>
    %dma_wait3A_262 = arith.constant 0 : i32
    %dma_wait3A_263 = arith.constant 0 : i32
    %dma_wait3A_264 = tpu.memref_slice %arg8[%dma_wait3A_262, %dma_wait3A_263] : memref<50000x16xf32, #tpu.memory_space<hbm>> -> memref<50000x16xf32, #tpu.memory_space<hbm>>
    tpu.wait_indirect_dma semaphore(%arg33 : memref<!tpu.dma_semaphore, #tpu.memory_space<semaphore_mem>>) src(%dma_wait3A_264 : memref<50000x16xf32, #tpu.memory_space<hbm>>) dst(%dma_wait3A_259 : memref<640x16xf32, #tpu.memory_space<vmem>>)
    %add3A_265 = arith.constant 2560 : i32
    %add3A_266 = arith.addi %mul3A_164, %add3A_265 : i32
    %dma_start3A_267 = arith.constant 0 : i32
    %dma_start3A_268 = arith.constant 0 : i32
    %dma_start3A_269 = tpu.memref_slice %arg25[%dma_start3A_267, %dma_start3A_268] : memref<1280x16xf32, #tpu.memory_space<vmem>> -> memref<640x16xf32, #tpu.memory_space<vmem>>
    %dma_start3A_270 = arith.constant 0 : i32
    %dma_start3A_271 = tpu.memref_slice %arg12[%add3A_266, %dma_start3A_270] : memref<102400x16xf32, #tpu.memory_space<hbm>> -> memref<640x16xf32, #tpu.memory_space<hbm>>
    %dma_start3A_272 = arith.constant 0 : i32
    %dma_start3A_273 = tpu.memref_slice %arg12[%add3A_266, %dma_start3A_272] : memref<102400x16xf32, #tpu.memory_space<hbm>> -> memref<640x16xf32, #tpu.memory_space<hbm>>
    %dma_start3A_274 = arith.constant 0 : i32
    %dma_start3A_275 = arith.constant 0 : i32
    %dma_start3A_276 = tpu.memref_slice %arg25[%dma_start3A_274, %dma_start3A_275] : memref<1280x16xf32, #tpu.memory_space<vmem>> -> memref<640x16xf32, #tpu.memory_space<vmem>>
    tpu.enqueue_dma source(%dma_start3A_276 : memref<640x16xf32, #tpu.memory_space<vmem>>) target(%dma_start3A_273 : memref<640x16xf32, #tpu.memory_space<hbm>>) target_semaphore(%arg37 : memref<!tpu.dma_semaphore, #tpu.memory_space<semaphore_mem>>)
    %dma_wait3A_277 = arith.constant 0 : i32
    %dma_wait3A_278 = tpu.memref_slice %arg28[%dma_wait3A_277] : memref<3200xf32, #tpu.memory_space<vmem>> -> memref<1280xf32, #tpu.memory_space<vmem>>
    %dma_wait3A_279 = arith.constant 0 : i32
    %dma_wait3A_280 = tpu.memref_slice %arg20[%dma_wait3A_279] : memref<3200xi32, #tpu.memory_space<vmem>> -> memref<1280xi32, #tpu.memory_space<vmem>>
    %dma_wait3A_281 = arith.constant 0 : i32
    %dma_wait3A_282 = tpu.memref_slice %arg10[%dma_wait3A_281] : memref<105472xf32, #tpu.memory_space<hbm>> -> memref<105472xf32, #tpu.memory_space<hbm>>
    tpu.wait_indirect_dma semaphore(%arg39 : memref<!tpu.dma_semaphore, #tpu.memory_space<semaphore_mem>>) src(%dma_wait3A_282 : memref<105472xf32, #tpu.memory_space<hbm>>) dst(%dma_wait3A_278 : memref<1280xf32, #tpu.memory_space<vmem>>)
    %dma_wait3A_283 = arith.constant 1280 : i32
    %dma_wait3A_284 = tpu.memref_slice %arg28[%dma_wait3A_283] : memref<3200xf32, #tpu.memory_space<vmem>> -> memref<1280xf32, #tpu.memory_space<vmem>>
    %dma_wait3A_285 = arith.constant 1280 : i32
    %dma_wait3A_286 = tpu.memref_slice %arg20[%dma_wait3A_285] : memref<3200xi32, #tpu.memory_space<vmem>> -> memref<1280xi32, #tpu.memory_space<vmem>>
    %dma_wait3A_287 = arith.constant 0 : i32
    %dma_wait3A_288 = tpu.memref_slice %arg10[%dma_wait3A_287] : memref<105472xf32, #tpu.memory_space<hbm>> -> memref<105472xf32, #tpu.memory_space<hbm>>
    tpu.wait_indirect_dma semaphore(%arg39 : memref<!tpu.dma_semaphore, #tpu.memory_space<semaphore_mem>>) src(%dma_wait3A_288 : memref<105472xf32, #tpu.memory_space<hbm>>) dst(%dma_wait3A_284 : memref<1280xf32, #tpu.memory_space<vmem>>)
    %dma_wait3A_289 = arith.constant 2560 : i32
    %dma_wait3A_290 = tpu.memref_slice %arg28[%dma_wait3A_289] : memref<3200xf32, #tpu.memory_space<vmem>> -> memref<640xf32, #tpu.memory_space<vmem>>
    %dma_wait3A_291 = arith.constant 2560 : i32
    %dma_wait3A_292 = tpu.memref_slice %arg20[%dma_wait3A_291] : memref<3200xi32, #tpu.memory_space<vmem>> -> memref<640xi32, #tpu.memory_space<vmem>>
    %dma_wait3A_293 = arith.constant 0 : i32
    %dma_wait3A_294 = tpu.memref_slice %arg10[%dma_wait3A_293] : memref<105472xf32, #tpu.memory_space<hbm>> -> memref<105472xf32, #tpu.memory_space<hbm>>
    tpu.wait_indirect_dma semaphore(%arg39 : memref<!tpu.dma_semaphore, #tpu.memory_space<semaphore_mem>>) src(%dma_wait3A_294 : memref<105472xf32, #tpu.memory_space<hbm>>) dst(%dma_wait3A_290 : memref<640xf32, #tpu.memory_space<vmem>>)
    %mul3A_295 = arith.constant 25 : i32
    %mul3A_296 = arith.muli %add3A, %mul3A_295 : i32
    %mul3A_297 = arith.constant 128 : i32
    %mul3A_298 = arith.muli %mul3A_296, %mul3A_297 : i32
    %dma_start3A_299 = tpu.memref_slice %arg15[%mul3A_298] : memref<102400xf32, #tpu.memory_space<hbm>> -> memref<3200xf32, #tpu.memory_space<hbm>>
    %dma_start3A_300 = tpu.memref_slice %arg15[%mul3A_298] : memref<102400xf32, #tpu.memory_space<hbm>> -> memref<3200xf32, #tpu.memory_space<hbm>>
    tpu.enqueue_dma source(%arg28 : memref<3200xf32, #tpu.memory_space<vmem>>) target(%dma_start3A_300 : memref<3200xf32, #tpu.memory_space<hbm>>) target_semaphore(%arg40 : memref<!tpu.dma_semaphore, #tpu.memory_space<semaphore_mem>>)
    %mul3A_301 = arith.constant 13 : i32
    %mul3A_302 = arith.muli %add3A, %mul3A_301 : i32
    %mul3A_303 = arith.constant 128 : i32
    %mul3A_304 = arith.muli %mul3A_302, %mul3A_303 : i32
    %dma_wait3A_305 = arith.constant 0 : i32
    %dma_wait3A_306 = arith.constant 0 : i32
    %dma_wait3A_307 = tpu.memref_slice %arg25[%dma_wait3A_305, %dma_wait3A_306] : memref<1280x16xf32, #tpu.memory_space<vmem>> -> memref<640x16xf32, #tpu.memory_space<vmem>>
    %dma_wait3A_308 = arith.constant 0 : i32
    %dma_wait3A_309 = tpu.memref_slice %arg12[%add3A_266, %dma_wait3A_308] : memref<102400x16xf32, #tpu.memory_space<hbm>> -> memref<640x16xf32, #tpu.memory_space<hbm>>
    %dma_wait3A_310 = arith.constant 0 : i32
    %dma_wait3A_311 = tpu.memref_slice %arg12[%add3A_266, %dma_wait3A_310] : memref<102400x16xf32, #tpu.memory_space<hbm>> -> memref<640x16xf32, #tpu.memory_space<hbm>>
    %dma_wait3A_312 = arith.constant 0 : i32
    %dma_wait3A_313 = arith.constant 0 : i32
    %dma_wait3A_314 = tpu.memref_slice %arg25[%dma_wait3A_312, %dma_wait3A_313] : memref<1280x16xf32, #tpu.memory_space<vmem>> -> memref<640x16xf32, #tpu.memory_space<vmem>>
    tpu.wait_dma2 semaphore(%arg37 : memref<!tpu.dma_semaphore, #tpu.memory_space<semaphore_mem>>) src(%dma_wait3A_314 : memref<640x16xf32, #tpu.memory_space<vmem>>) dst(%dma_wait3A_311 : memref<640x16xf32, #tpu.memory_space<hbm>>)
    %dma_start3A_315 = arith.constant 0 : i32
    %dma_start3A_316 = arith.constant 0 : i32
    %dma_start3A_317 = tpu.memref_slice %arg25[%dma_start3A_315, %dma_start3A_316] : memref<1280x16xf32, #tpu.memory_space<vmem>> -> memref<1280x16xf32, #tpu.memory_space<vmem>>
    %dma_start3A_318 = arith.constant 0 : i32
    %dma_start3A_319 = tpu.memref_slice %arg21[%dma_start3A_318] : memref<1664xi32, #tpu.memory_space<vmem>> -> memref<1280xi32, #tpu.memory_space<vmem>>
    %dma_start3A_320 = arith.constant 0 : i32
    %dma_start3A_321 = arith.constant 0 : i32
    %dma_start3A_322 = tpu.memref_slice %arg8[%dma_start3A_320, %dma_start3A_321] : memref<50000x16xf32, #tpu.memory_space<hbm>> -> memref<50000x16xf32, #tpu.memory_space<hbm>>
    tpu.enqueue_indirect_dma source(%dma_start3A_322 : memref<50000x16xf32, #tpu.memory_space<hbm>>) target(%dma_start3A_317 : memref<1280x16xf32, #tpu.memory_space<vmem>>) offsets(%dma_start3A_319 : memref<1280xi32, #tpu.memory_space<vmem>>) semaphore(%arg33 : memref<!tpu.dma_semaphore, #tpu.memory_space<semaphore_mem>>)
    %dma_start3A_323 = arith.constant 0 : i32
    %dma_start3A_324 = tpu.memref_slice %arg29[%dma_start3A_323] : memref<1664xf32, #tpu.memory_space<vmem>> -> memref<1280xf32, #tpu.memory_space<vmem>>
    %dma_start3A_325 = arith.constant 0 : i32
    %dma_start3A_326 = tpu.memref_slice %arg22[%dma_start3A_325] : memref<1664xi32, #tpu.memory_space<vmem>> -> memref<1280xi32, #tpu.memory_space<vmem>>
    %dma_start3A_327 = arith.constant 0 : i32
    %dma_start3A_328 = tpu.memref_slice %arg10[%dma_start3A_327] : memref<105472xf32, #tpu.memory_space<hbm>> -> memref<105472xf32, #tpu.memory_space<hbm>>
    tpu.enqueue_indirect_dma source(%dma_start3A_328 : memref<105472xf32, #tpu.memory_space<hbm>>) target(%dma_start3A_324 : memref<1280xf32, #tpu.memory_space<vmem>>) offsets(%dma_start3A_326 : memref<1280xi32, #tpu.memory_space<vmem>>) semaphore(%arg39 : memref<!tpu.dma_semaphore, #tpu.memory_space<semaphore_mem>>)
    %dma_wait3A_329 = arith.constant 0 : i32
    %dma_wait3A_330 = arith.constant 0 : i32
    %dma_wait3A_331 = tpu.memref_slice %arg26[%dma_wait3A_329, %dma_wait3A_330] : memref<1280x16xf32, #tpu.memory_space<vmem>> -> memref<1280x16xf32, #tpu.memory_space<vmem>>
    %dma_wait3A_332 = arith.constant 0 : i32
    %dma_wait3A_333 = tpu.memref_slice %arg12[%add3A_246, %dma_wait3A_332] : memref<102400x16xf32, #tpu.memory_space<hbm>> -> memref<1280x16xf32, #tpu.memory_space<hbm>>
    %dma_wait3A_334 = arith.constant 0 : i32
    %dma_wait3A_335 = tpu.memref_slice %arg12[%add3A_246, %dma_wait3A_334] : memref<102400x16xf32, #tpu.memory_space<hbm>> -> memref<1280x16xf32, #tpu.memory_space<hbm>>
    %dma_wait3A_336 = arith.constant 0 : i32
    %dma_wait3A_337 = arith.constant 0 : i32
    %dma_wait3A_338 = tpu.memref_slice %arg26[%dma_wait3A_336, %dma_wait3A_337] : memref<1280x16xf32, #tpu.memory_space<vmem>> -> memref<1280x16xf32, #tpu.memory_space<vmem>>
    tpu.wait_dma2 semaphore(%arg38 : memref<!tpu.dma_semaphore, #tpu.memory_space<semaphore_mem>>) src(%dma_wait3A_338 : memref<1280x16xf32, #tpu.memory_space<vmem>>) dst(%dma_wait3A_335 : memref<1280x16xf32, #tpu.memory_space<hbm>>)
    %dma_start3A_339 = arith.constant 0 : i32
    %dma_start3A_340 = arith.constant 0 : i32
    %dma_start3A_341 = tpu.memref_slice %arg26[%dma_start3A_339, %dma_start3A_340] : memref<1280x16xf32, #tpu.memory_space<vmem>> -> memref<384x16xf32, #tpu.memory_space<vmem>>
    %dma_start3A_342 = arith.constant 1280 : i32
    %dma_start3A_343 = tpu.memref_slice %arg21[%dma_start3A_342] : memref<1664xi32, #tpu.memory_space<vmem>> -> memref<384xi32, #tpu.memory_space<vmem>>
    %dma_start3A_344 = arith.constant 0 : i32
    %dma_start3A_345 = arith.constant 0 : i32
    %dma_start3A_346 = tpu.memref_slice %arg8[%dma_start3A_344, %dma_start3A_345] : memref<50000x16xf32, #tpu.memory_space<hbm>> -> memref<50000x16xf32, #tpu.memory_space<hbm>>
    tpu.enqueue_indirect_dma source(%dma_start3A_346 : memref<50000x16xf32, #tpu.memory_space<hbm>>) target(%dma_start3A_341 : memref<384x16xf32, #tpu.memory_space<vmem>>) offsets(%dma_start3A_343 : memref<384xi32, #tpu.memory_space<vmem>>) semaphore(%arg34 : memref<!tpu.dma_semaphore, #tpu.memory_space<semaphore_mem>>)
    %dma_start3A_347 = arith.constant 1280 : i32
    %dma_start3A_348 = tpu.memref_slice %arg29[%dma_start3A_347] : memref<1664xf32, #tpu.memory_space<vmem>> -> memref<384xf32, #tpu.memory_space<vmem>>
    %dma_start3A_349 = arith.constant 1280 : i32
    %dma_start3A_350 = tpu.memref_slice %arg22[%dma_start3A_349] : memref<1664xi32, #tpu.memory_space<vmem>> -> memref<384xi32, #tpu.memory_space<vmem>>
    %dma_start3A_351 = arith.constant 0 : i32
    %dma_start3A_352 = tpu.memref_slice %arg10[%dma_start3A_351] : memref<105472xf32, #tpu.memory_space<hbm>> -> memref<105472xf32, #tpu.memory_space<hbm>>
    tpu.enqueue_indirect_dma source(%dma_start3A_352 : memref<105472xf32, #tpu.memory_space<hbm>>) target(%dma_start3A_348 : memref<384xf32, #tpu.memory_space<vmem>>) offsets(%dma_start3A_350 : memref<384xi32, #tpu.memory_space<vmem>>) semaphore(%arg39 : memref<!tpu.dma_semaphore, #tpu.memory_space<semaphore_mem>>)
    %dma_wait3A_353 = arith.constant 0 : i32
    %dma_wait3A_354 = arith.constant 0 : i32
    %dma_wait3A_355 = tpu.memref_slice %arg25[%dma_wait3A_353, %dma_wait3A_354] : memref<1280x16xf32, #tpu.memory_space<vmem>> -> memref<1280x16xf32, #tpu.memory_space<vmem>>
    %dma_wait3A_356 = arith.constant 0 : i32
    %dma_wait3A_357 = tpu.memref_slice %arg21[%dma_wait3A_356] : memref<1664xi32, #tpu.memory_space<vmem>> -> memref<1280xi32, #tpu.memory_space<vmem>>
    %dma_wait3A_358 = arith.constant 0 : i32
    %dma_wait3A_359 = arith.constant 0 : i32
    %dma_wait3A_360 = tpu.memref_slice %arg8[%dma_wait3A_358, %dma_wait3A_359] : memref<50000x16xf32, #tpu.memory_space<hbm>> -> memref<50000x16xf32, #tpu.memory_space<hbm>>
    tpu.wait_indirect_dma semaphore(%arg33 : memref<!tpu.dma_semaphore, #tpu.memory_space<semaphore_mem>>) src(%dma_wait3A_360 : memref<50000x16xf32, #tpu.memory_space<hbm>>) dst(%dma_wait3A_355 : memref<1280x16xf32, #tpu.memory_space<vmem>>)
    %add3A_361 = arith.constant 0 : i32
    %add3A_362 = arith.addi %mul3A_304, %add3A_361 : i32
    %dma_start3A_363 = arith.constant 0 : i32
    %dma_start3A_364 = arith.constant 0 : i32
    %dma_start3A_365 = tpu.memref_slice %arg25[%dma_start3A_363, %dma_start3A_364] : memref<1280x16xf32, #tpu.memory_space<vmem>> -> memref<1280x16xf32, #tpu.memory_space<vmem>>
    %dma_start3A_366 = arith.constant 0 : i32
    %dma_start3A_367 = tpu.memref_slice %arg13[%add3A_362, %dma_start3A_366] : memref<53248x16xf32, #tpu.memory_space<hbm>> -> memref<1280x16xf32, #tpu.memory_space<hbm>>
    %dma_start3A_368 = arith.constant 0 : i32
    %dma_start3A_369 = tpu.memref_slice %arg13[%add3A_362, %dma_start3A_368] : memref<53248x16xf32, #tpu.memory_space<hbm>> -> memref<1280x16xf32, #tpu.memory_space<hbm>>
    %dma_start3A_370 = arith.constant 0 : i32
    %dma_start3A_371 = arith.constant 0 : i32
    %dma_start3A_372 = tpu.memref_slice %arg25[%dma_start3A_370, %dma_start3A_371] : memref<1280x16xf32, #tpu.memory_space<vmem>> -> memref<1280x16xf32, #tpu.memory_space<vmem>>
    tpu.enqueue_dma source(%dma_start3A_372 : memref<1280x16xf32, #tpu.memory_space<vmem>>) target(%dma_start3A_369 : memref<1280x16xf32, #tpu.memory_space<hbm>>) target_semaphore(%arg37 : memref<!tpu.dma_semaphore, #tpu.memory_space<semaphore_mem>>)
    %dma_wait3A_373 = arith.constant 0 : i32
    %dma_wait3A_374 = arith.constant 0 : i32
    %dma_wait3A_375 = tpu.memref_slice %arg26[%dma_wait3A_373, %dma_wait3A_374] : memref<1280x16xf32, #tpu.memory_space<vmem>> -> memref<384x16xf32, #tpu.memory_space<vmem>>
    %dma_wait3A_376 = arith.constant 1280 : i32
    %dma_wait3A_377 = tpu.memref_slice %arg21[%dma_wait3A_376] : memref<1664xi32, #tpu.memory_space<vmem>> -> memref<384xi32, #tpu.memory_space<vmem>>
    %dma_wait3A_378 = arith.constant 0 : i32
    %dma_wait3A_379 = arith.constant 0 : i32
    %dma_wait3A_380 = tpu.memref_slice %arg8[%dma_wait3A_378, %dma_wait3A_379] : memref<50000x16xf32, #tpu.memory_space<hbm>> -> memref<50000x16xf32, #tpu.memory_space<hbm>>
    tpu.wait_indirect_dma semaphore(%arg34 : memref<!tpu.dma_semaphore, #tpu.memory_space<semaphore_mem>>) src(%dma_wait3A_380 : memref<50000x16xf32, #tpu.memory_space<hbm>>) dst(%dma_wait3A_375 : memref<384x16xf32, #tpu.memory_space<vmem>>)
    %add3A_381 = arith.constant 1280 : i32
    %add3A_382 = arith.addi %mul3A_304, %add3A_381 : i32
    %dma_start3A_383 = arith.constant 0 : i32
    %dma_start3A_384 = arith.constant 0 : i32
    %dma_start3A_385 = tpu.memref_slice %arg26[%dma_start3A_383, %dma_start3A_384] : memref<1280x16xf32, #tpu.memory_space<vmem>> -> memref<384x16xf32, #tpu.memory_space<vmem>>
    %dma_start3A_386 = arith.constant 0 : i32
    %dma_start3A_387 = tpu.memref_slice %arg13[%add3A_382, %dma_start3A_386] : memref<53248x16xf32, #tpu.memory_space<hbm>> -> memref<384x16xf32, #tpu.memory_space<hbm>>
    %dma_start3A_388 = arith.constant 0 : i32
    %dma_start3A_389 = tpu.memref_slice %arg13[%add3A_382, %dma_start3A_388] : memref<53248x16xf32, #tpu.memory_space<hbm>> -> memref<384x16xf32, #tpu.memory_space<hbm>>
    %dma_start3A_390 = arith.constant 0 : i32
    %dma_start3A_391 = arith.constant 0 : i32
    %dma_start3A_392 = tpu.memref_slice %arg26[%dma_start3A_390, %dma_start3A_391] : memref<1280x16xf32, #tpu.memory_space<vmem>> -> memref<384x16xf32, #tpu.memory_space<vmem>>
    tpu.enqueue_dma source(%dma_start3A_392 : memref<384x16xf32, #tpu.memory_space<vmem>>) target(%dma_start3A_389 : memref<384x16xf32, #tpu.memory_space<hbm>>) target_semaphore(%arg38 : memref<!tpu.dma_semaphore, #tpu.memory_space<semaphore_mem>>)
    %dma_wait3A_393 = arith.constant 0 : i32
    %dma_wait3A_394 = tpu.memref_slice %arg29[%dma_wait3A_393] : memref<1664xf32, #tpu.memory_space<vmem>> -> memref<1280xf32, #tpu.memory_space<vmem>>
    %dma_wait3A_395 = arith.constant 0 : i32
    %dma_wait3A_396 = tpu.memref_slice %arg22[%dma_wait3A_395] : memref<1664xi32, #tpu.memory_space<vmem>> -> memref<1280xi32, #tpu.memory_space<vmem>>
    %dma_wait3A_397 = arith.constant 0 : i32
    %dma_wait3A_398 = tpu.memref_slice %arg10[%dma_wait3A_397] : memref<105472xf32, #tpu.memory_space<hbm>> -> memref<105472xf32, #tpu.memory_space<hbm>>
    tpu.wait_indirect_dma semaphore(%arg39 : memref<!tpu.dma_semaphore, #tpu.memory_space<semaphore_mem>>) src(%dma_wait3A_398 : memref<105472xf32, #tpu.memory_space<hbm>>) dst(%dma_wait3A_394 : memref<1280xf32, #tpu.memory_space<vmem>>)
    %dma_wait3A_399 = arith.constant 1280 : i32
    %dma_wait3A_400 = tpu.memref_slice %arg29[%dma_wait3A_399] : memref<1664xf32, #tpu.memory_space<vmem>> -> memref<384xf32, #tpu.memory_space<vmem>>
    %dma_wait3A_401 = arith.constant 1280 : i32
    %dma_wait3A_402 = tpu.memref_slice %arg22[%dma_wait3A_401] : memref<1664xi32, #tpu.memory_space<vmem>> -> memref<384xi32, #tpu.memory_space<vmem>>
    %dma_wait3A_403 = arith.constant 0 : i32
    %dma_wait3A_404 = tpu.memref_slice %arg10[%dma_wait3A_403] : memref<105472xf32, #tpu.memory_space<hbm>> -> memref<105472xf32, #tpu.memory_space<hbm>>
    tpu.wait_indirect_dma semaphore(%arg39 : memref<!tpu.dma_semaphore, #tpu.memory_space<semaphore_mem>>) src(%dma_wait3A_404 : memref<105472xf32, #tpu.memory_space<hbm>>) dst(%dma_wait3A_400 : memref<384xf32, #tpu.memory_space<vmem>>)
    %mul3A_405 = arith.constant 13 : i32
    %mul3A_406 = arith.muli %add3A, %mul3A_405 : i32
    %mul3A_407 = arith.constant 128 : i32
    %mul3A_408 = arith.muli %mul3A_406, %mul3A_407 : i32
    %dma_start3A_409 = tpu.memref_slice %arg16[%mul3A_408] : memref<53248xf32, #tpu.memory_space<hbm>> -> memref<1664xf32, #tpu.memory_space<hbm>>
    %dma_start3A_410 = tpu.memref_slice %arg16[%mul3A_408] : memref<53248xf32, #tpu.memory_space<hbm>> -> memref<1664xf32, #tpu.memory_space<hbm>>
    tpu.enqueue_dma source(%arg29 : memref<1664xf32, #tpu.memory_space<vmem>>) target(%dma_start3A_410 : memref<1664xf32, #tpu.memory_space<hbm>>) target_semaphore(%arg40 : memref<!tpu.dma_semaphore, #tpu.memory_space<semaphore_mem>>)
    %dma_wait3A_411 = arith.constant 0 : i32
    %dma_wait3A_412 = arith.constant 0 : i32
    %dma_wait3A_413 = tpu.memref_slice %arg23[%dma_wait3A_411, %dma_wait3A_412] : memref<896x32xf32, #tpu.memory_space<vmem>> -> memref<896x32xf32, #tpu.memory_space<vmem>>
    %dma_wait3A_414 = arith.constant 0 : i32
    %dma_wait3A_415 = tpu.memref_slice %arg11[%add3A_112, %dma_wait3A_414] : memref<53248x32xf32, #tpu.memory_space<hbm>> -> memref<896x32xf32, #tpu.memory_space<hbm>>
    %dma_wait3A_416 = arith.constant 0 : i32
    %dma_wait3A_417 = tpu.memref_slice %arg11[%add3A_112, %dma_wait3A_416] : memref<53248x32xf32, #tpu.memory_space<hbm>> -> memref<896x32xf32, #tpu.memory_space<hbm>>
    %dma_wait3A_418 = arith.constant 0 : i32
    %dma_wait3A_419 = arith.constant 0 : i32
    %dma_wait3A_420 = tpu.memref_slice %arg23[%dma_wait3A_418, %dma_wait3A_419] : memref<896x32xf32, #tpu.memory_space<vmem>> -> memref<896x32xf32, #tpu.memory_space<vmem>>
    tpu.wait_dma2 semaphore(%arg35 : memref<!tpu.dma_semaphore, #tpu.memory_space<semaphore_mem>>) src(%dma_wait3A_420 : memref<896x32xf32, #tpu.memory_space<vmem>>) dst(%dma_wait3A_417 : memref<896x32xf32, #tpu.memory_space<hbm>>)
    %dma_wait3A_421 = arith.constant 0 : i32
    %dma_wait3A_422 = arith.constant 0 : i32
    %dma_wait3A_423 = tpu.memref_slice %arg24[%dma_wait3A_421, %dma_wait3A_422] : memref<896x32xf32, #tpu.memory_space<vmem>> -> memref<768x32xf32, #tpu.memory_space<vmem>>
    %dma_wait3A_424 = arith.constant 0 : i32
    %dma_wait3A_425 = tpu.memref_slice %arg11[%add3A_132, %dma_wait3A_424] : memref<53248x32xf32, #tpu.memory_space<hbm>> -> memref<768x32xf32, #tpu.memory_space<hbm>>
    %dma_wait3A_426 = arith.constant 0 : i32
    %dma_wait3A_427 = tpu.memref_slice %arg11[%add3A_132, %dma_wait3A_426] : memref<53248x32xf32, #tpu.memory_space<hbm>> -> memref<768x32xf32, #tpu.memory_space<hbm>>
    %dma_wait3A_428 = arith.constant 0 : i32
    %dma_wait3A_429 = arith.constant 0 : i32
    %dma_wait3A_430 = tpu.memref_slice %arg24[%dma_wait3A_428, %dma_wait3A_429] : memref<896x32xf32, #tpu.memory_space<vmem>> -> memref<768x32xf32, #tpu.memory_space<vmem>>
    tpu.wait_dma2 semaphore(%arg36 : memref<!tpu.dma_semaphore, #tpu.memory_space<semaphore_mem>>) src(%dma_wait3A_430 : memref<768x32xf32, #tpu.memory_space<vmem>>) dst(%dma_wait3A_427 : memref<768x32xf32, #tpu.memory_space<hbm>>)
    %dma_wait3A_431 = arith.constant 0 : i32
    %dma_wait3A_432 = arith.constant 0 : i32
    %dma_wait3A_433 = tpu.memref_slice %arg25[%dma_wait3A_431, %dma_wait3A_432] : memref<1280x16xf32, #tpu.memory_space<vmem>> -> memref<1280x16xf32, #tpu.memory_space<vmem>>
    %dma_wait3A_434 = arith.constant 0 : i32
    %dma_wait3A_435 = tpu.memref_slice %arg13[%add3A_362, %dma_wait3A_434] : memref<53248x16xf32, #tpu.memory_space<hbm>> -> memref<1280x16xf32, #tpu.memory_space<hbm>>
    %dma_wait3A_436 = arith.constant 0 : i32
    %dma_wait3A_437 = tpu.memref_slice %arg13[%add3A_362, %dma_wait3A_436] : memref<53248x16xf32, #tpu.memory_space<hbm>> -> memref<1280x16xf32, #tpu.memory_space<hbm>>
    %dma_wait3A_438 = arith.constant 0 : i32
    %dma_wait3A_439 = arith.constant 0 : i32
    %dma_wait3A_440 = tpu.memref_slice %arg25[%dma_wait3A_438, %dma_wait3A_439] : memref<1280x16xf32, #tpu.memory_space<vmem>> -> memref<1280x16xf32, #tpu.memory_space<vmem>>
    tpu.wait_dma2 semaphore(%arg37 : memref<!tpu.dma_semaphore, #tpu.memory_space<semaphore_mem>>) src(%dma_wait3A_440 : memref<1280x16xf32, #tpu.memory_space<vmem>>) dst(%dma_wait3A_437 : memref<1280x16xf32, #tpu.memory_space<hbm>>)
    %dma_wait3A_441 = arith.constant 0 : i32
    %dma_wait3A_442 = arith.constant 0 : i32
    %dma_wait3A_443 = tpu.memref_slice %arg26[%dma_wait3A_441, %dma_wait3A_442] : memref<1280x16xf32, #tpu.memory_space<vmem>> -> memref<384x16xf32, #tpu.memory_space<vmem>>
    %dma_wait3A_444 = arith.constant 0 : i32
    %dma_wait3A_445 = tpu.memref_slice %arg13[%add3A_382, %dma_wait3A_444] : memref<53248x16xf32, #tpu.memory_space<hbm>> -> memref<384x16xf32, #tpu.memory_space<hbm>>
    %dma_wait3A_446 = arith.constant 0 : i32
    %dma_wait3A_447 = tpu.memref_slice %arg13[%add3A_382, %dma_wait3A_446] : memref<53248x16xf32, #tpu.memory_space<hbm>> -> memref<384x16xf32, #tpu.memory_space<hbm>>
    %dma_wait3A_448 = arith.constant 0 : i32
    %dma_wait3A_449 = arith.constant 0 : i32
    %dma_wait3A_450 = tpu.memref_slice %arg26[%dma_wait3A_448, %dma_wait3A_449] : memref<1280x16xf32, #tpu.memory_space<vmem>> -> memref<384x16xf32, #tpu.memory_space<vmem>>
    tpu.wait_dma2 semaphore(%arg38 : memref<!tpu.dma_semaphore, #tpu.memory_space<semaphore_mem>>) src(%dma_wait3A_450 : memref<384x16xf32, #tpu.memory_space<vmem>>) dst(%dma_wait3A_447 : memref<384x16xf32, #tpu.memory_space<hbm>>)
    %dma_wait3A_451 = tpu.memref_slice %arg14[%mul3A_158] : memref<53248xf32, #tpu.memory_space<hbm>> -> memref<1664xf32, #tpu.memory_space<hbm>>
    %dma_wait3A_452 = tpu.memref_slice %arg14[%mul3A_158] : memref<53248xf32, #tpu.memory_space<hbm>> -> memref<1664xf32, #tpu.memory_space<hbm>>
    tpu.wait_dma2 semaphore(%arg40 : memref<!tpu.dma_semaphore, #tpu.memory_space<semaphore_mem>>) src(%arg27 : memref<1664xf32, #tpu.memory_space<vmem>>) dst(%dma_wait3A_452 : memref<1664xf32, #tpu.memory_space<hbm>>)
    %dma_wait3A_453 = tpu.memref_slice %arg15[%mul3A_298] : memref<102400xf32, #tpu.memory_space<hbm>> -> memref<3200xf32, #tpu.memory_space<hbm>>
    %dma_wait3A_454 = tpu.memref_slice %arg15[%mul3A_298] : memref<102400xf32, #tpu.memory_space<hbm>> -> memref<3200xf32, #tpu.memory_space<hbm>>
    tpu.wait_dma2 semaphore(%arg40 : memref<!tpu.dma_semaphore, #tpu.memory_space<semaphore_mem>>) src(%arg28 : memref<3200xf32, #tpu.memory_space<vmem>>) dst(%dma_wait3A_454 : memref<3200xf32, #tpu.memory_space<hbm>>)
    %dma_wait3A_455 = tpu.memref_slice %arg16[%mul3A_408] : memref<53248xf32, #tpu.memory_space<hbm>> -> memref<1664xf32, #tpu.memory_space<hbm>>
    %dma_wait3A_456 = tpu.memref_slice %arg16[%mul3A_408] : memref<53248xf32, #tpu.memory_space<hbm>> -> memref<1664xf32, #tpu.memory_space<hbm>>
    tpu.wait_dma2 semaphore(%arg40 : memref<!tpu.dma_semaphore, #tpu.memory_space<semaphore_mem>>) src(%arg29 : memref<1664xf32, #tpu.memory_space<vmem>>) dst(%dma_wait3A_456 : memref<1664xf32, #tpu.memory_space<hbm>>)
    return
  }
}

module attributes {stable_mosaic.version = 14 : i64} {
  func.func @_colsum_kernel(%arg0: i32, %arg1: memref<5000x32xf32, #tpu.memory_space<vmem>>, %arg2: memref<1x32xf32, #tpu.memory_space<vmem>>) attributes {dimension_semantics = [#tpu.dimension_semantics<arbitrary>], iteration_bounds = array<i64: 1>, scalar_prefetch = 0 : i64, scratch_operands = 0 : i64, tpu.core_type = #tpu.core_type<tc>, window_params = [{transform_indices = @transform_0, window_bounds = array<i64: 5000, 32>}, {pipeline_mode = #tpu.pipeline_mode<synchronous>, transform_indices = @transform_1, window_bounds = array<i64: 1, 32>}]} {
    %eq3A = arith.constant 0 : i32
    %eq3A_0 = arith.cmpi eq, %arg0, %eq3A : i32
    %convert_element_type3A = arith.extui %eq3A_0 : i1 to i32
    %cond3A = arith.constant 0 : i32
    %cond3A_1 = arith.cmpi ne, %convert_element_type3A, %cond3A : i32
    scf.if %cond3A_1 {
      %broadcast_in_dim3A_10 = arith.constant 0.000000e+00 : f32
      %broadcast_in_dim3A_11 = vector.broadcast %broadcast_in_dim3A_10 : f32 to vector<1x32xf32>
      %swap3A_12 = arith.constant 0 : index
      %swap3A_13 = arith.constant 0 : index
      %swap3A_14 = vector.load %arg2[%swap3A_12, %swap3A_13] : memref<1x32xf32, #tpu.memory_space<vmem>>, vector<1x32xf32>
      tpu.vector_store %arg2[%swap3A_12, %swap3A_13], %broadcast_in_dim3A_11 {strides = array<i32>} : memref<1x32xf32, #tpu.memory_space<vmem>>, vector<1x32xf32>,
    } else {
    }
    %get3A = arith.constant 0 : index
    %get3A_2 = arith.constant 0 : index
    %get3A_3 = vector.load %arg2[%get3A, %get3A_2] : memref<1x32xf32, #tpu.memory_space<vmem>>, vector<1x32xf32>
    %get3A_4 = arith.constant 0 : index
    %get3A_5 = arith.constant 0 : index
    %get3A_6 = vector.load %arg1[%get3A_4, %get3A_5] : memref<5000x32xf32, #tpu.memory_space<vmem>>, vector<5000x32xf32>
    %reduce_sum3A = arith.constant dense<0.000000e+00> : vector<32xf32>
    %reduce_sum3A_7 = vector.multi_reduction <add>, %get3A_6, %reduce_sum3A [0] : vector<5000x32xf32> to vector<32xf32>
    %broadcast_in_dim3A = vector.shape_cast %reduce_sum3A_7 : vector<32xf32> to vector<1x32xf32>
    %add3A = arith.addf %get3A_3, %broadcast_in_dim3A : vector<1x32xf32>
    %swap3A = arith.constant 0 : index
    %swap3A_8 = arith.constant 0 : index
    %swap3A_9 = vector.load %arg2[%swap3A, %swap3A_8] : memref<1x32xf32, #tpu.memory_space<vmem>>, vector<1x32xf32>
    tpu.vector_store %arg2[%swap3A, %swap3A_8], %add3A {strides = array<i32>} : memref<1x32xf32, #tpu.memory_space<vmem>>, vector<1x32xf32>,
    return
  }
  func.func @transform_0(%arg0: i32) -> (i32, i32) {
    %c0_i32 = arith.constant 0 : i32
    %c0_i32_0 = arith.constant 0 : i32
    return %arg0, %c0_i32 : i32, i32
  }
  func.func @transform_1(%arg0: i32) -> (i32, i32) {
    %c0_i32 = arith.constant 0 : i32
    %c0_i32_0 = arith.constant 0 : i32
    %c0_i32_1 = arith.constant 0 : i32
    return %c0_i32, %c0_i32_0 : i32, i32
  }
}

module attributes {stable_mosaic.version = 14 : i64} {
  func.func @_colsum_kernel(%arg0: i32, %arg1: memref<2000x16xf32, #tpu.memory_space<vmem>>, %arg2: memref<1x16xf32, #tpu.memory_space<vmem>>) attributes {dimension_semantics = [#tpu.dimension_semantics<arbitrary>], iteration_bounds = array<i64: 25>, scalar_prefetch = 0 : i64, scratch_operands = 0 : i64, tpu.core_type = #tpu.core_type<tc>, window_params = [{transform_indices = @transform_0, window_bounds = array<i64: 2000, 16>}, {pipeline_mode = #tpu.pipeline_mode<synchronous>, transform_indices = @transform_1, window_bounds = array<i64: 1, 16>}]} {
    %eq3A = arith.constant 0 : i32
    %eq3A_0 = arith.cmpi eq, %arg0, %eq3A : i32
    %convert_element_type3A = arith.extui %eq3A_0 : i1 to i32
    %cond3A = arith.constant 0 : i32
    %cond3A_1 = arith.cmpi ne, %convert_element_type3A, %cond3A : i32
    scf.if %cond3A_1 {
      %broadcast_in_dim3A_10 = arith.constant 0.000000e+00 : f32
      %broadcast_in_dim3A_11 = vector.broadcast %broadcast_in_dim3A_10 : f32 to vector<1x16xf32>
      %swap3A_12 = arith.constant 0 : index
      %swap3A_13 = arith.constant 0 : index
      %swap3A_14 = vector.load %arg2[%swap3A_12, %swap3A_13] : memref<1x16xf32, #tpu.memory_space<vmem>>, vector<1x16xf32>
      tpu.vector_store %arg2[%swap3A_12, %swap3A_13], %broadcast_in_dim3A_11 {strides = array<i32>} : memref<1x16xf32, #tpu.memory_space<vmem>>, vector<1x16xf32>,
    } else {
    }
    %get3A = arith.constant 0 : index
    %get3A_2 = arith.constant 0 : index
    %get3A_3 = vector.load %arg2[%get3A, %get3A_2] : memref<1x16xf32, #tpu.memory_space<vmem>>, vector<1x16xf32>
    %get3A_4 = arith.constant 0 : index
    %get3A_5 = arith.constant 0 : index
    %get3A_6 = vector.load %arg1[%get3A_4, %get3A_5] : memref<2000x16xf32, #tpu.memory_space<vmem>>, vector<2000x16xf32>
    %reduce_sum3A = arith.constant dense<0.000000e+00> : vector<16xf32>
    %reduce_sum3A_7 = vector.multi_reduction <add>, %get3A_6, %reduce_sum3A [0] : vector<2000x16xf32> to vector<16xf32>
    %broadcast_in_dim3A = vector.shape_cast %reduce_sum3A_7 : vector<16xf32> to vector<1x16xf32>
    %add3A = arith.addf %get3A_3, %broadcast_in_dim3A : vector<1x16xf32>
    %swap3A = arith.constant 0 : index
    %swap3A_8 = arith.constant 0 : index
    %swap3A_9 = vector.load %arg2[%swap3A, %swap3A_8] : memref<1x16xf32, #tpu.memory_space<vmem>>, vector<1x16xf32>
    tpu.vector_store %arg2[%swap3A, %swap3A_8], %add3A {strides = array<i32>} : memref<1x16xf32, #tpu.memory_space<vmem>>, vector<1x16xf32>,
    return
  }
  func.func @transform_0(%arg0: i32) -> (i32, i32) {
    %c0_i32 = arith.constant 0 : i32
    %c0_i32_0 = arith.constant 0 : i32
    return %arg0, %c0_i32 : i32, i32
  }
  func.func @transform_1(%arg0: i32) -> (i32, i32) {
    %c0_i32 = arith.constant 0 : i32
    %c0_i32_0 = arith.constant 0 : i32
    %c0_i32_1 = arith.constant 0 : i32
    return %c0_i32, %c0_i32_0 : i32, i32
  }
}

module attributes {stable_mosaic.version = 14 : i64} {
  func.func @_edge_reduce_kernel(%arg0: i32, %arg1: memref<4096x16xf32, #tpu.memory_space<vmem>>, %arg2: memref<4096x32xf32, #tpu.memory_space<vmem>>, %arg3: memref<4096x1xf32, #tpu.memory_space<vmem>>, %arg4: memref<16x64xf32, #tpu.memory_space<vmem>>, %arg5: memref<1x64xf32, #tpu.memory_space<vmem>>, %arg6: memref<32x65xf32, #tpu.memory_space<vmem>>) attributes {dimension_semantics = [#tpu.dimension_semantics<arbitrary>], iteration_bounds = array<i64: 13>, scalar_prefetch = 0 : i64, scratch_operands = 0 : i64, tpu.core_type = #tpu.core_type<tc>, window_params = [{transform_indices = @transform_0, window_bounds = array<i64: 4096, 16>}, {transform_indices = @transform_1, window_bounds = array<i64: 4096, 32>}, {transform_indices = @transform_2, window_bounds = array<i64: 4096, 1>}, {pipeline_mode = #tpu.pipeline_mode<synchronous>, transform_indices = @transform_3, window_bounds = array<i64: 16, 64>}, {pipeline_mode = #tpu.pipeline_mode<synchronous>, transform_indices = @transform_4, window_bounds = array<i64: 1, 64>}, {pipeline_mode = #tpu.pipeline_mode<synchronous>, transform_indices = @transform_5, window_bounds = array<i64: 32, 65>}]} {
    %get3A = arith.constant 0 : index
    %get3A_0 = arith.constant 0 : index
    %get3A_1 = vector.load %arg3[%get3A, %get3A_0] : memref<4096x1xf32, #tpu.memory_space<vmem>>, vector<4096x1xf32>
    %gt3A = arith.constant 0.000000e+00 : f32
    %gt3A_2 = vector.broadcast %gt3A : f32 to vector<4096x1xf32>
    %gt3A_3 = arith.cmpf ogt, %get3A_1, %gt3A_2 : vector<4096x1xf32>
    %max3A = arith.constant 1.000000e+00 : f32
    %max3A_4 = vector.broadcast %max3A : f32 to vector<4096x1xf32>
    %max3A_5 = arith.maximumf %get3A_1, %max3A_4 : vector<4096x1xf32>
    %div3A = arith.constant 1.000000e+00 : f32
    %div3A_6 = vector.broadcast %div3A : f32 to vector<4096x1xf32>
    %div3A_7 = arith.divf %div3A_6, %max3A_5 : vector<4096x1xf32>
    %jit3A = arith.constant 0.000000e+00 : f32
    %broadcast_in_dim3A = vector.broadcast %jit3A : f32 to vector<4096x1xf32>
    %select_n3A = arith.select %gt3A_3, %div3A_7, %broadcast_in_dim3A : vector<4096x1xi1>, vector<4096x1xf32>
    %get3A_8 = arith.constant 0 : index
    %get3A_9 = arith.constant 0 : index
    %get3A_10 = vector.load %arg1[%get3A_8, %get3A_9] : memref<4096x16xf32, #tpu.memory_space<vmem>>, vector<4096x16xf32>
    %get3A_11 = arith.constant 0 : index
    %get3A_12 = arith.constant 0 : index
    %get3A_13 = vector.load %arg4[%get3A_11, %get3A_12] : memref<16x64xf32, #tpu.memory_space<vmem>>, vector<16x64xf32>
    %dot_general3A = arith.constant dense<0.000000e+00> : vector<4096x64xf32>
    %dot_general3A_14 = tpu.matmul %get3A_10, %get3A_13, %dot_general3A {dimension_numbers = #tpu.dot_dimension_numbers<[1], [0], [0], [1], [0, 0, 1, 1], [], []>, precision = #tpu.contract_precision<fp32>, transpose_lhs_hint = false} : vector<4096x16xf32>, vector<16x64xf32>, vector<4096x64xf32> -> vector<4096x64xf32>
    %get3A_15 = arith.constant 0 : index
    %get3A_16 = arith.constant 0 : index
    %get3A_17 = vector.load %arg5[%get3A_15, %get3A_16] : memref<1x64xf32, #tpu.memory_space<vmem>>, vector<1x64xf32>
    %add3A = vector.broadcast %get3A_17 : vector<1x64xf32> to vector<4096x64xf32>
    %add3A_18 = arith.addf %dot_general3A_14, %add3A : vector<4096x64xf32>
    %max3A_19 = arith.constant 0.000000e+00 : f32
    %max3A_20 = vector.broadcast %max3A_19 : f32 to vector<4096x64xf32>
    %max3A_21 = arith.maximumf %add3A_18, %max3A_20 : vector<4096x64xf32>
    %mul3A = vector.broadcast %select_n3A : vector<4096x1xf32> to vector<4096x64xf32>
    %mul3A_22 = arith.mulf %max3A_21, %mul3A : vector<4096x64xf32>
    %concatenate3A = tpu.concatenate %mul3A_22, %select_n3A in 1 : vector<4096x64xf32>, vector<4096x1xf32> -> vector<4096x65xf32>
    %get3A_23 = arith.constant 0 : index
    %get3A_24 = arith.constant 0 : index
    %get3A_25 = vector.load %arg2[%get3A_23, %get3A_24] : memref<4096x32xf32, #tpu.memory_space<vmem>>, vector<4096x32xf32>
    %dot_general3A_26 = arith.constant dense<0.000000e+00> : vector<32x65xf32>
    %dot_general3A_27 = tpu.matmul %get3A_25, %concatenate3A, %dot_general3A_26 {dimension_numbers = #tpu.dot_dimension_numbers<[0], [0], [1], [1], [0, 1, 1, 1], [], []>, precision = #tpu.contract_precision<fp32>, transpose_lhs_hint = true} : vector<4096x32xf32>, vector<4096x65xf32>, vector<32x65xf32> -> vector<32x65xf32>
    %eq3A = arith.constant 0 : i32
    %eq3A_28 = arith.cmpi eq, %arg0, %eq3A : i32
    %convert_element_type3A = arith.extui %eq3A_28 : i1 to i32
    %cond3A = arith.constant 0 : i32
    %cond3A_29 = arith.cmpi ne, %convert_element_type3A, %cond3A : i32
    scf.if %cond3A_29 {
      %broadcast_in_dim3A_36 = arith.constant 0.000000e+00 : f32
      %broadcast_in_dim3A_37 = vector.broadcast %broadcast_in_dim3A_36 : f32 to vector<32x65xf32>
      %swap3A_38 = arith.constant 0 : index
      %swap3A_39 = arith.constant 0 : index
      %swap3A_40 = vector.load %arg6[%swap3A_38, %swap3A_39] : memref<32x65xf32, #tpu.memory_space<vmem>>, vector<32x65xf32>
      tpu.vector_store %arg6[%swap3A_38, %swap3A_39], %broadcast_in_dim3A_37 {strides = array<i32>} : memref<32x65xf32, #tpu.memory_space<vmem>>, vector<32x65xf32>,
    } else {
    }
    %get3A_30 = arith.constant 0 : index
    %get3A_31 = arith.constant 0 : index
    %get3A_32 = vector.load %arg6[%get3A_30, %get3A_31] : memref<32x65xf32, #tpu.memory_space<vmem>>, vector<32x65xf32>
    %add3A_33 = arith.addf %get3A_32, %dot_general3A_27 : vector<32x65xf32>
    %swap3A = arith.constant 0 : index
    %swap3A_34 = arith.constant 0 : index
    %swap3A_35 = vector.load %arg6[%swap3A, %swap3A_34] : memref<32x65xf32, #tpu.memory_space<vmem>>, vector<32x65xf32>
    tpu.vector_store %arg6[%swap3A, %swap3A_34], %add3A_33 {strides = array<i32>} : memref<32x65xf32, #tpu.memory_space<vmem>>, vector<32x65xf32>,
    return
  }
  func.func @transform_0(%arg0: i32) -> (i32, i32) {
    %c0_i32 = arith.constant 0 : i32
    %c0_i32_0 = arith.constant 0 : i32
    return %arg0, %c0_i32 : i32, i32
  }
  func.func @transform_1(%arg0: i32) -> (i32, i32) {
    %c0_i32 = arith.constant 0 : i32
    %c0_i32_0 = arith.constant 0 : i32
    return %arg0, %c0_i32 : i32, i32
  }
  func.func @transform_2(%arg0: i32) -> (i32, i32) {
    %c0_i32 = arith.constant 0 : i32
    %c0_i32_0 = arith.constant 0 : i32
    return %arg0, %c0_i32 : i32, i32
  }
  func.func @transform_3(%arg0: i32) -> (i32, i32) {
    %c0_i32 = arith.constant 0 : i32
    %c0_i32_0 = arith.constant 0 : i32
    %c0_i32_1 = arith.constant 0 : i32
    return %c0_i32, %c0_i32_0 : i32, i32
  }
  func.func @transform_4(%arg0: i32) -> (i32, i32) {
    %c0_i32 = arith.constant 0 : i32
    %c0_i32_0 = arith.constant 0 : i32
    %c0_i32_1 = arith.constant 0 : i32
    return %c0_i32, %c0_i32_0 : i32, i32
  }
  func.func @transform_5(%arg0: i32) -> (i32, i32) {
    %c0_i32 = arith.constant 0 : i32
    %c0_i32_0 = arith.constant 0 : i32
    %c0_i32_1 = arith.constant 0 : i32
    return %c0_i32, %c0_i32_0 : i32, i32
  }
}

module attributes {stable_mosaic.version = 14 : i64} {
  func.func @_edge_reduce_kernel(%arg0: i32, %arg1: memref<4096x16xf32, #tpu.memory_space<vmem>>, %arg2: memref<4096x16xf32, #tpu.memory_space<vmem>>, %arg3: memref<4096x1xf32, #tpu.memory_space<vmem>>, %arg4: memref<16x64xf32, #tpu.memory_space<vmem>>, %arg5: memref<1x64xf32, #tpu.memory_space<vmem>>, %arg6: memref<16x65xf32, #tpu.memory_space<vmem>>) attributes {dimension_semantics = [#tpu.dimension_semantics<arbitrary>], iteration_bounds = array<i64: 13>, scalar_prefetch = 0 : i64, scratch_operands = 0 : i64, tpu.core_type = #tpu.core_type<tc>, window_params = [{transform_indices = @transform_0, window_bounds = array<i64: 4096, 16>}, {transform_indices = @transform_1, window_bounds = array<i64: 4096, 16>}, {transform_indices = @transform_2, window_bounds = array<i64: 4096, 1>}, {pipeline_mode = #tpu.pipeline_mode<synchronous>, transform_indices = @transform_3, window_bounds = array<i64: 16, 64>}, {pipeline_mode = #tpu.pipeline_mode<synchronous>, transform_indices = @transform_4, window_bounds = array<i64: 1, 64>}, {pipeline_mode = #tpu.pipeline_mode<synchronous>, transform_indices = @transform_5, window_bounds = array<i64: 16, 65>}]} {
    %get3A = arith.constant 0 : index
    %get3A_0 = arith.constant 0 : index
    %get3A_1 = vector.load %arg3[%get3A, %get3A_0] : memref<4096x1xf32, #tpu.memory_space<vmem>>, vector<4096x1xf32>
    %gt3A = arith.constant 0.000000e+00 : f32
    %gt3A_2 = vector.broadcast %gt3A : f32 to vector<4096x1xf32>
    %gt3A_3 = arith.cmpf ogt, %get3A_1, %gt3A_2 : vector<4096x1xf32>
    %max3A = arith.constant 1.000000e+00 : f32
    %max3A_4 = vector.broadcast %max3A : f32 to vector<4096x1xf32>
    %max3A_5 = arith.maximumf %get3A_1, %max3A_4 : vector<4096x1xf32>
    %div3A = arith.constant 1.000000e+00 : f32
    %div3A_6 = vector.broadcast %div3A : f32 to vector<4096x1xf32>
    %div3A_7 = arith.divf %div3A_6, %max3A_5 : vector<4096x1xf32>
    %jit3A = arith.constant 0.000000e+00 : f32
    %broadcast_in_dim3A = vector.broadcast %jit3A : f32 to vector<4096x1xf32>
    %select_n3A = arith.select %gt3A_3, %div3A_7, %broadcast_in_dim3A : vector<4096x1xi1>, vector<4096x1xf32>
    %get3A_8 = arith.constant 0 : index
    %get3A_9 = arith.constant 0 : index
    %get3A_10 = vector.load %arg1[%get3A_8, %get3A_9] : memref<4096x16xf32, #tpu.memory_space<vmem>>, vector<4096x16xf32>
    %get3A_11 = arith.constant 0 : index
    %get3A_12 = arith.constant 0 : index
    %get3A_13 = vector.load %arg4[%get3A_11, %get3A_12] : memref<16x64xf32, #tpu.memory_space<vmem>>, vector<16x64xf32>
    %dot_general3A = arith.constant dense<0.000000e+00> : vector<4096x64xf32>
    %dot_general3A_14 = tpu.matmul %get3A_10, %get3A_13, %dot_general3A {dimension_numbers = #tpu.dot_dimension_numbers<[1], [0], [0], [1], [0, 0, 1, 1], [], []>, precision = #tpu.contract_precision<fp32>, transpose_lhs_hint = false} : vector<4096x16xf32>, vector<16x64xf32>, vector<4096x64xf32> -> vector<4096x64xf32>
    %get3A_15 = arith.constant 0 : index
    %get3A_16 = arith.constant 0 : index
    %get3A_17 = vector.load %arg5[%get3A_15, %get3A_16] : memref<1x64xf32, #tpu.memory_space<vmem>>, vector<1x64xf32>
    %add3A = vector.broadcast %get3A_17 : vector<1x64xf32> to vector<4096x64xf32>
    %add3A_18 = arith.addf %dot_general3A_14, %add3A : vector<4096x64xf32>
    %max3A_19 = arith.constant 0.000000e+00 : f32
    %max3A_20 = vector.broadcast %max3A_19 : f32 to vector<4096x64xf32>
    %max3A_21 = arith.maximumf %add3A_18, %max3A_20 : vector<4096x64xf32>
    %mul3A = vector.broadcast %select_n3A : vector<4096x1xf32> to vector<4096x64xf32>
    %mul3A_22 = arith.mulf %max3A_21, %mul3A : vector<4096x64xf32>
    %concatenate3A = tpu.concatenate %mul3A_22, %select_n3A in 1 : vector<4096x64xf32>, vector<4096x1xf32> -> vector<4096x65xf32>
    %get3A_23 = arith.constant 0 : index
    %get3A_24 = arith.constant 0 : index
    %get3A_25 = vector.load %arg2[%get3A_23, %get3A_24] : memref<4096x16xf32, #tpu.memory_space<vmem>>, vector<4096x16xf32>
    %dot_general3A_26 = arith.constant dense<0.000000e+00> : vector<16x65xf32>
    %dot_general3A_27 = tpu.matmul %get3A_25, %concatenate3A, %dot_general3A_26 {dimension_numbers = #tpu.dot_dimension_numbers<[0], [0], [1], [1], [0, 1, 1, 1], [], []>, precision = #tpu.contract_precision<fp32>, transpose_lhs_hint = true} : vector<4096x16xf32>, vector<4096x65xf32>, vector<16x65xf32> -> vector<16x65xf32>
    %eq3A = arith.constant 0 : i32
    %eq3A_28 = arith.cmpi eq, %arg0, %eq3A : i32
    %convert_element_type3A = arith.extui %eq3A_28 : i1 to i32
    %cond3A = arith.constant 0 : i32
    %cond3A_29 = arith.cmpi ne, %convert_element_type3A, %cond3A : i32
    scf.if %cond3A_29 {
      %broadcast_in_dim3A_36 = arith.constant 0.000000e+00 : f32
      %broadcast_in_dim3A_37 = vector.broadcast %broadcast_in_dim3A_36 : f32 to vector<16x65xf32>
      %swap3A_38 = arith.constant 0 : index
      %swap3A_39 = arith.constant 0 : index
      %swap3A_40 = vector.load %arg6[%swap3A_38, %swap3A_39] : memref<16x65xf32, #tpu.memory_space<vmem>>, vector<16x65xf32>
      tpu.vector_store %arg6[%swap3A_38, %swap3A_39], %broadcast_in_dim3A_37 {strides = array<i32>} : memref<16x65xf32, #tpu.memory_space<vmem>>, vector<16x65xf32>,
    } else {
    }
    %get3A_30 = arith.constant 0 : index
    %get3A_31 = arith.constant 0 : index
    %get3A_32 = vector.load %arg6[%get3A_30, %get3A_31] : memref<16x65xf32, #tpu.memory_space<vmem>>, vector<16x65xf32>
    %add3A_33 = arith.addf %get3A_32, %dot_general3A_27 : vector<16x65xf32>
    %swap3A = arith.constant 0 : index
    %swap3A_34 = arith.constant 0 : index
    %swap3A_35 = vector.load %arg6[%swap3A, %swap3A_34] : memref<16x65xf32, #tpu.memory_space<vmem>>, vector<16x65xf32>
    tpu.vector_store %arg6[%swap3A, %swap3A_34], %add3A_33 {strides = array<i32>} : memref<16x65xf32, #tpu.memory_space<vmem>>, vector<16x65xf32>,
    return
  }
  func.func @transform_0(%arg0: i32) -> (i32, i32) {
    %c0_i32 = arith.constant 0 : i32
    %c0_i32_0 = arith.constant 0 : i32
    return %arg0, %c0_i32 : i32, i32
  }
  func.func @transform_1(%arg0: i32) -> (i32, i32) {
    %c0_i32 = arith.constant 0 : i32
    %c0_i32_0 = arith.constant 0 : i32
    return %arg0, %c0_i32 : i32, i32
  }
  func.func @transform_2(%arg0: i32) -> (i32, i32) {
    %c0_i32 = arith.constant 0 : i32
    %c0_i32_0 = arith.constant 0 : i32
    return %arg0, %c0_i32 : i32, i32
  }
  func.func @transform_3(%arg0: i32) -> (i32, i32) {
    %c0_i32 = arith.constant 0 : i32
    %c0_i32_0 = arith.constant 0 : i32
    %c0_i32_1 = arith.constant 0 : i32
    return %c0_i32, %c0_i32_0 : i32, i32
  }
  func.func @transform_4(%arg0: i32) -> (i32, i32) {
    %c0_i32 = arith.constant 0 : i32
    %c0_i32_0 = arith.constant 0 : i32
    %c0_i32_1 = arith.constant 0 : i32
    return %c0_i32, %c0_i32_0 : i32, i32
  }
  func.func @transform_5(%arg0: i32) -> (i32, i32) {
    %c0_i32 = arith.constant 0 : i32
    %c0_i32_0 = arith.constant 0 : i32
    %c0_i32_1 = arith.constant 0 : i32
    return %c0_i32, %c0_i32_0 : i32, i32
  }
}

module attributes {stable_mosaic.version = 14 : i64} {
  func.func @_edge_reduce_kernel(%arg0: i32, %arg1: memref<4096x16xf32, #tpu.memory_space<vmem>>, %arg2: memref<4096x16xf32, #tpu.memory_space<vmem>>, %arg3: memref<4096x1xf32, #tpu.memory_space<vmem>>, %arg4: memref<16x64xf32, #tpu.memory_space<vmem>>, %arg5: memref<1x64xf32, #tpu.memory_space<vmem>>, %arg6: memref<16x65xf32, #tpu.memory_space<vmem>>) attributes {dimension_semantics = [#tpu.dimension_semantics<arbitrary>], iteration_bounds = array<i64: 25>, scalar_prefetch = 0 : i64, scratch_operands = 0 : i64, tpu.core_type = #tpu.core_type<tc>, window_params = [{transform_indices = @transform_0, window_bounds = array<i64: 4096, 16>}, {transform_indices = @transform_1, window_bounds = array<i64: 4096, 16>}, {transform_indices = @transform_2, window_bounds = array<i64: 4096, 1>}, {pipeline_mode = #tpu.pipeline_mode<synchronous>, transform_indices = @transform_3, window_bounds = array<i64: 16, 64>}, {pipeline_mode = #tpu.pipeline_mode<synchronous>, transform_indices = @transform_4, window_bounds = array<i64: 1, 64>}, {pipeline_mode = #tpu.pipeline_mode<synchronous>, transform_indices = @transform_5, window_bounds = array<i64: 16, 65>}]} {
    %get3A = arith.constant 0 : index
    %get3A_0 = arith.constant 0 : index
    %get3A_1 = vector.load %arg3[%get3A, %get3A_0] : memref<4096x1xf32, #tpu.memory_space<vmem>>, vector<4096x1xf32>
    %gt3A = arith.constant 0.000000e+00 : f32
    %gt3A_2 = vector.broadcast %gt3A : f32 to vector<4096x1xf32>
    %gt3A_3 = arith.cmpf ogt, %get3A_1, %gt3A_2 : vector<4096x1xf32>
    %max3A = arith.constant 1.000000e+00 : f32
    %max3A_4 = vector.broadcast %max3A : f32 to vector<4096x1xf32>
    %max3A_5 = arith.maximumf %get3A_1, %max3A_4 : vector<4096x1xf32>
    %div3A = arith.constant 1.000000e+00 : f32
    %div3A_6 = vector.broadcast %div3A : f32 to vector<4096x1xf32>
    %div3A_7 = arith.divf %div3A_6, %max3A_5 : vector<4096x1xf32>
    %jit3A = arith.constant 0.000000e+00 : f32
    %broadcast_in_dim3A = vector.broadcast %jit3A : f32 to vector<4096x1xf32>
    %select_n3A = arith.select %gt3A_3, %div3A_7, %broadcast_in_dim3A : vector<4096x1xi1>, vector<4096x1xf32>
    %get3A_8 = arith.constant 0 : index
    %get3A_9 = arith.constant 0 : index
    %get3A_10 = vector.load %arg1[%get3A_8, %get3A_9] : memref<4096x16xf32, #tpu.memory_space<vmem>>, vector<4096x16xf32>
    %get3A_11 = arith.constant 0 : index
    %get3A_12 = arith.constant 0 : index
    %get3A_13 = vector.load %arg4[%get3A_11, %get3A_12] : memref<16x64xf32, #tpu.memory_space<vmem>>, vector<16x64xf32>
    %dot_general3A = arith.constant dense<0.000000e+00> : vector<4096x64xf32>
    %dot_general3A_14 = tpu.matmul %get3A_10, %get3A_13, %dot_general3A {dimension_numbers = #tpu.dot_dimension_numbers<[1], [0], [0], [1], [0, 0, 1, 1], [], []>, precision = #tpu.contract_precision<fp32>, transpose_lhs_hint = false} : vector<4096x16xf32>, vector<16x64xf32>, vector<4096x64xf32> -> vector<4096x64xf32>
    %get3A_15 = arith.constant 0 : index
    %get3A_16 = arith.constant 0 : index
    %get3A_17 = vector.load %arg5[%get3A_15, %get3A_16] : memref<1x64xf32, #tpu.memory_space<vmem>>, vector<1x64xf32>
    %add3A = vector.broadcast %get3A_17 : vector<1x64xf32> to vector<4096x64xf32>
    %add3A_18 = arith.addf %dot_general3A_14, %add3A : vector<4096x64xf32>
    %max3A_19 = arith.constant 0.000000e+00 : f32
    %max3A_20 = vector.broadcast %max3A_19 : f32 to vector<4096x64xf32>
    %max3A_21 = arith.maximumf %add3A_18, %max3A_20 : vector<4096x64xf32>
    %mul3A = vector.broadcast %select_n3A : vector<4096x1xf32> to vector<4096x64xf32>
    %mul3A_22 = arith.mulf %max3A_21, %mul3A : vector<4096x64xf32>
    %concatenate3A = tpu.concatenate %mul3A_22, %select_n3A in 1 : vector<4096x64xf32>, vector<4096x1xf32> -> vector<4096x65xf32>
    %get3A_23 = arith.constant 0 : index
    %get3A_24 = arith.constant 0 : index
    %get3A_25 = vector.load %arg2[%get3A_23, %get3A_24] : memref<4096x16xf32, #tpu.memory_space<vmem>>, vector<4096x16xf32>
    %dot_general3A_26 = arith.constant dense<0.000000e+00> : vector<16x65xf32>
    %dot_general3A_27 = tpu.matmul %get3A_25, %concatenate3A, %dot_general3A_26 {dimension_numbers = #tpu.dot_dimension_numbers<[0], [0], [1], [1], [0, 1, 1, 1], [], []>, precision = #tpu.contract_precision<fp32>, transpose_lhs_hint = true} : vector<4096x16xf32>, vector<4096x65xf32>, vector<16x65xf32> -> vector<16x65xf32>
    %eq3A = arith.constant 0 : i32
    %eq3A_28 = arith.cmpi eq, %arg0, %eq3A : i32
    %convert_element_type3A = arith.extui %eq3A_28 : i1 to i32
    %cond3A = arith.constant 0 : i32
    %cond3A_29 = arith.cmpi ne, %convert_element_type3A, %cond3A : i32
    scf.if %cond3A_29 {
      %broadcast_in_dim3A_36 = arith.constant 0.000000e+00 : f32
      %broadcast_in_dim3A_37 = vector.broadcast %broadcast_in_dim3A_36 : f32 to vector<16x65xf32>
      %swap3A_38 = arith.constant 0 : index
      %swap3A_39 = arith.constant 0 : index
      %swap3A_40 = vector.load %arg6[%swap3A_38, %swap3A_39] : memref<16x65xf32, #tpu.memory_space<vmem>>, vector<16x65xf32>
      tpu.vector_store %arg6[%swap3A_38, %swap3A_39], %broadcast_in_dim3A_37 {strides = array<i32>} : memref<16x65xf32, #tpu.memory_space<vmem>>, vector<16x65xf32>,
    } else {
    }
    %get3A_30 = arith.constant 0 : index
    %get3A_31 = arith.constant 0 : index
    %get3A_32 = vector.load %arg6[%get3A_30, %get3A_31] : memref<16x65xf32, #tpu.memory_space<vmem>>, vector<16x65xf32>
    %add3A_33 = arith.addf %get3A_32, %dot_general3A_27 : vector<16x65xf32>
    %swap3A = arith.constant 0 : index
    %swap3A_34 = arith.constant 0 : index
    %swap3A_35 = vector.load %arg6[%swap3A, %swap3A_34] : memref<16x65xf32, #tpu.memory_space<vmem>>, vector<16x65xf32>
    tpu.vector_store %arg6[%swap3A, %swap3A_34], %add3A_33 {strides = array<i32>} : memref<16x65xf32, #tpu.memory_space<vmem>>, vector<16x65xf32>,
    return
  }
  func.func @transform_0(%arg0: i32) -> (i32, i32) {
    %c0_i32 = arith.constant 0 : i32
    %c0_i32_0 = arith.constant 0 : i32
    return %arg0, %c0_i32 : i32, i32
  }
  func.func @transform_1(%arg0: i32) -> (i32, i32) {
    %c0_i32 = arith.constant 0 : i32
    %c0_i32_0 = arith.constant 0 : i32
    return %arg0, %c0_i32 : i32, i32
  }
  func.func @transform_2(%arg0: i32) -> (i32, i32) {
    %c0_i32 = arith.constant 0 : i32
    %c0_i32_0 = arith.constant 0 : i32
    return %arg0, %c0_i32 : i32, i32
  }
  func.func @transform_3(%arg0: i32) -> (i32, i32) {
    %c0_i32 = arith.constant 0 : i32
    %c0_i32_0 = arith.constant 0 : i32
    %c0_i32_1 = arith.constant 0 : i32
    return %c0_i32, %c0_i32_0 : i32, i32
  }
  func.func @transform_4(%arg0: i32) -> (i32, i32) {
    %c0_i32 = arith.constant 0 : i32
    %c0_i32_0 = arith.constant 0 : i32
    %c0_i32_1 = arith.constant 0 : i32
    return %c0_i32, %c0_i32_0 : i32, i32
  }
  func.func @transform_5(%arg0: i32) -> (i32, i32) {
    %c0_i32 = arith.constant 0 : i32
    %c0_i32_0 = arith.constant 0 : i32
    %c0_i32_1 = arith.constant 0 : i32
    return %c0_i32, %c0_i32_0 : i32, i32
  }
}

module attributes {stable_mosaic.version = 14 : i64} {
  func.func @_head_kernel(%arg0: memref<32x65xf32, #tpu.memory_space<vmem>>, %arg1: memref<16x65xf32, #tpu.memory_space<vmem>>, %arg2: memref<16x65xf32, #tpu.memory_space<vmem>>, %arg3: memref<1x16xf32, #tpu.memory_space<vmem>>, %arg4: memref<1x32xf32, #tpu.memory_space<vmem>>, %arg5: memref<2048x16xf32, #tpu.memory_space<vmem>>, %arg6: memref<1024x16xf32, #tpu.memory_space<vmem>>, %arg7: memref<1024x32xf32, #tpu.memory_space<vmem>>, %arg8: memref<32x16xf32, #tpu.memory_space<vmem>>, %arg9: memref<16x16xf32, #tpu.memory_space<vmem>>, %arg10: memref<16x32xf32, #tpu.memory_space<vmem>>, %arg11: memref<16x16xf32, #tpu.memory_space<vmem>>, %arg12: memref<16x16xf32, #tpu.memory_space<vmem>>, %arg13: memref<32x32xf32, #tpu.memory_space<vmem>>, %arg14: memref<16x64xf32, #tpu.memory_space<vmem>>, %arg15: memref<1x64xf32, #tpu.memory_space<vmem>>, %arg16: memref<32x64xf32, #tpu.memory_space<vmem>>, %arg17: memref<1x64xf32, #tpu.memory_space<vmem>>, %arg18: memref<128x64xf32, #tpu.memory_space<vmem>>, %arg19: memref<1x64xf32, #tpu.memory_space<vmem>>, %arg20: memref<64x1xf32, #tpu.memory_space<vmem>>, %arg21: memref<1x1xf32, #tpu.memory_space<vmem>>, %arg22: memref<1x1xf32, #tpu.memory_space<vmem>>) attributes {dimension_semantics = [], scalar_prefetch = 0 : i64, scratch_operands = 0 : i64, tpu.core_type = #tpu.core_type<tc>} {
    %broadcast_in_dim3A = arith.constant 0.000000e+00 : f32
    %broadcast_in_dim3A_0 = vector.broadcast %broadcast_in_dim3A : f32 to vector<1x16xf32>
    %get3A = arith.constant 0 : index
    %get3A_1 = arith.constant 0 : index
    %get3A_2 = vector.load %arg0[%get3A, %get3A_1] : memref<32x65xf32, #tpu.memory_space<vmem>>, vector<1x64xf32>
    %get3A_3 = arith.constant 0 : index
    %get3A_4 = arith.constant 0 : index
    %get3A_5 = vector.load %arg5[%get3A_3, %get3A_4] : memref<2048x16xf32, #tpu.memory_space<vmem>>, vector<64x16xf32>
    %dot_general3A = arith.constant dense<0.000000e+00> : vector<1x16xf32>
    %dot_general3A_6 = tpu.matmul %get3A_2, %get3A_5, %dot_general3A {dimension_numbers = #tpu.dot_dimension_numbers<[1], [0], [0], [1], [0, 0, 1, 1], [], []>, precision = #tpu.contract_precision<fp32>, transpose_lhs_hint = false} : vector<1x64xf32>, vector<64x16xf32>, vector<1x16xf32> -> vector<1x16xf32>
    %add3A = arith.addf %broadcast_in_dim3A_0, %dot_general3A_6 : vector<1x16xf32>
    %get3A_7 = arith.constant 0 : index
    %get3A_8 = arith.constant 64 : index
    %get3A_9 = vector.load %arg0[%get3A_7, %get3A_8] : memref<32x65xf32, #tpu.memory_space<vmem>>, vector<1x1xf32>
    %get3A_10 = arith.constant 0 : index
    %get3A_11 = arith.constant 0 : index
    %get3A_12 = vector.load %arg8[%get3A_10, %get3A_11] : memref<32x16xf32, #tpu.memory_space<vmem>>, vector<1x16xf32>
    %mul3A = vector.broadcast %get3A_9 : vector<1x1xf32> to vector<1x16xf32>
    %mul3A_13 = arith.mulf %mul3A, %get3A_12 : vector<1x16xf32>
    %add3A_14 = arith.addf %add3A, %mul3A_13 : vector<1x16xf32>
    %get3A_15 = arith.constant 1 : index
    %get3A_16 = arith.constant 0 : index
    %get3A_17 = vector.load %arg0[%get3A_15, %get3A_16] : memref<32x65xf32, #tpu.memory_space<vmem>>, vector<1x64xf32>
    %get3A_18 = arith.constant 64 : index
    %get3A_19 = arith.constant 0 : index
    %get3A_20 = vector.load %arg5[%get3A_18, %get3A_19] : memref<2048x16xf32, #tpu.memory_space<vmem>>, vector<64x16xf32>
    %dot_general3A_21 = arith.constant dense<0.000000e+00> : vector<1x16xf32>
    %dot_general3A_22 = tpu.matmul %get3A_17, %get3A_20, %dot_general3A_21 {dimension_numbers = #tpu.dot_dimension_numbers<[1], [0], [0], [1], [0, 0, 1, 1], [], []>, precision = #tpu.contract_precision<fp32>, transpose_lhs_hint = false} : vector<1x64xf32>, vector<64x16xf32>, vector<1x16xf32> -> vector<1x16xf32>
    %add3A_23 = arith.addf %add3A_14, %dot_general3A_22 : vector<1x16xf32>
    %get3A_24 = arith.constant 1 : index
    %get3A_25 = arith.constant 64 : index
    %get3A_26 = vector.load %arg0[%get3A_24, %get3A_25] : memref<32x65xf32, #tpu.memory_space<vmem>>, vector<1x1xf32>
    %get3A_27 = arith.constant 1 : index
    %get3A_28 = arith.constant 0 : index
    %get3A_29 = vector.load %arg8[%get3A_27, %get3A_28] : memref<32x16xf32, #tpu.memory_space<vmem>>, vector<1x16xf32>
    %mul3A_30 = vector.broadcast %get3A_26 : vector<1x1xf32> to vector<1x16xf32>
    %mul3A_31 = arith.mulf %mul3A_30, %get3A_29 : vector<1x16xf32>
    %add3A_32 = arith.addf %add3A_23, %mul3A_31 : vector<1x16xf32>
    %get3A_33 = arith.constant 2 : index
    %get3A_34 = arith.constant 0 : index
    %get3A_35 = vector.load %arg0[%get3A_33, %get3A_34] : memref<32x65xf32, #tpu.memory_space<vmem>>, vector<1x64xf32>
    %get3A_36 = arith.constant 128 : index
    %get3A_37 = arith.constant 0 : index
    %get3A_38 = vector.load %arg5[%get3A_36, %get3A_37] : memref<2048x16xf32, #tpu.memory_space<vmem>>, vector<64x16xf32>
    %dot_general3A_39 = arith.constant dense<0.000000e+00> : vector<1x16xf32>
    %dot_general3A_40 = tpu.matmul %get3A_35, %get3A_38, %dot_general3A_39 {dimension_numbers = #tpu.dot_dimension_numbers<[1], [0], [0], [1], [0, 0, 1, 1], [], []>, precision = #tpu.contract_precision<fp32>, transpose_lhs_hint = false} : vector<1x64xf32>, vector<64x16xf32>, vector<1x16xf32> -> vector<1x16xf32>
    %add3A_41 = arith.addf %add3A_32, %dot_general3A_40 : vector<1x16xf32>
    %get3A_42 = arith.constant 2 : index
    %get3A_43 = arith.constant 64 : index
    %get3A_44 = vector.load %arg0[%get3A_42, %get3A_43] : memref<32x65xf32, #tpu.memory_space<vmem>>, vector<1x1xf32>
    %get3A_45 = arith.constant 2 : index
    %get3A_46 = arith.constant 0 : index
    %get3A_47 = vector.load %arg8[%get3A_45, %get3A_46] : memref<32x16xf32, #tpu.memory_space<vmem>>, vector<1x16xf32>
    %mul3A_48 = vector.broadcast %get3A_44 : vector<1x1xf32> to vector<1x16xf32>
    %mul3A_49 = arith.mulf %mul3A_48, %get3A_47 : vector<1x16xf32>
    %add3A_50 = arith.addf %add3A_41, %mul3A_49 : vector<1x16xf32>
    %get3A_51 = arith.constant 3 : index
    %get3A_52 = arith.constant 0 : index
    %get3A_53 = vector.load %arg0[%get3A_51, %get3A_52] : memref<32x65xf32, #tpu.memory_space<vmem>>, vector<1x64xf32>
    %get3A_54 = arith.constant 192 : index
    %get3A_55 = arith.constant 0 : index
    %get3A_56 = vector.load %arg5[%get3A_54, %get3A_55] : memref<2048x16xf32, #tpu.memory_space<vmem>>, vector<64x16xf32>
    %dot_general3A_57 = arith.constant dense<0.000000e+00> : vector<1x16xf32>
    %dot_general3A_58 = tpu.matmul %get3A_53, %get3A_56, %dot_general3A_57 {dimension_numbers = #tpu.dot_dimension_numbers<[1], [0], [0], [1], [0, 0, 1, 1], [], []>, precision = #tpu.contract_precision<fp32>, transpose_lhs_hint = false} : vector<1x64xf32>, vector<64x16xf32>, vector<1x16xf32> -> vector<1x16xf32>
    %add3A_59 = arith.addf %add3A_50, %dot_general3A_58 : vector<1x16xf32>
    %get3A_60 = arith.constant 3 : index
    %get3A_61 = arith.constant 64 : index
    %get3A_62 = vector.load %arg0[%get3A_60, %get3A_61] : memref<32x65xf32, #tpu.memory_space<vmem>>, vector<1x1xf32>
    %get3A_63 = arith.constant 3 : index
    %get3A_64 = arith.constant 0 : index
    %get3A_65 = vector.load %arg8[%get3A_63, %get3A_64] : memref<32x16xf32, #tpu.memory_space<vmem>>, vector<1x16xf32>
    %mul3A_66 = vector.broadcast %get3A_62 : vector<1x1xf32> to vector<1x16xf32>
    %mul3A_67 = arith.mulf %mul3A_66, %get3A_65 : vector<1x16xf32>
    %add3A_68 = arith.addf %add3A_59, %mul3A_67 : vector<1x16xf32>
    %get3A_69 = arith.constant 4 : index
    %get3A_70 = arith.constant 0 : index
    %get3A_71 = vector.load %arg0[%get3A_69, %get3A_70] : memref<32x65xf32, #tpu.memory_space<vmem>>, vector<1x64xf32>
    %get3A_72 = arith.constant 256 : index
    %get3A_73 = arith.constant 0 : index
    %get3A_74 = vector.load %arg5[%get3A_72, %get3A_73] : memref<2048x16xf32, #tpu.memory_space<vmem>>, vector<64x16xf32>
    %dot_general3A_75 = arith.constant dense<0.000000e+00> : vector<1x16xf32>
    %dot_general3A_76 = tpu.matmul %get3A_71, %get3A_74, %dot_general3A_75 {dimension_numbers = #tpu.dot_dimension_numbers<[1], [0], [0], [1], [0, 0, 1, 1], [], []>, precision = #tpu.contract_precision<fp32>, transpose_lhs_hint = false} : vector<1x64xf32>, vector<64x16xf32>, vector<1x16xf32> -> vector<1x16xf32>
    %add3A_77 = arith.addf %add3A_68, %dot_general3A_76 : vector<1x16xf32>
    %get3A_78 = arith.constant 4 : index
    %get3A_79 = arith.constant 64 : index
    %get3A_80 = vector.load %arg0[%get3A_78, %get3A_79] : memref<32x65xf32, #tpu.memory_space<vmem>>, vector<1x1xf32>
    %get3A_81 = arith.constant 4 : index
    %get3A_82 = arith.constant 0 : index
    %get3A_83 = vector.load %arg8[%get3A_81, %get3A_82] : memref<32x16xf32, #tpu.memory_space<vmem>>, vector<1x16xf32>
    %mul3A_84 = vector.broadcast %get3A_80 : vector<1x1xf32> to vector<1x16xf32>
    %mul3A_85 = arith.mulf %mul3A_84, %get3A_83 : vector<1x16xf32>
    %add3A_86 = arith.addf %add3A_77, %mul3A_85 : vector<1x16xf32>
    %get3A_87 = arith.constant 5 : index
    %get3A_88 = arith.constant 0 : index
    %get3A_89 = vector.load %arg0[%get3A_87, %get3A_88] : memref<32x65xf32, #tpu.memory_space<vmem>>, vector<1x64xf32>
    %get3A_90 = arith.constant 320 : index
    %get3A_91 = arith.constant 0 : index
    %get3A_92 = vector.load %arg5[%get3A_90, %get3A_91] : memref<2048x16xf32, #tpu.memory_space<vmem>>, vector<64x16xf32>
    %dot_general3A_93 = arith.constant dense<0.000000e+00> : vector<1x16xf32>
    %dot_general3A_94 = tpu.matmul %get3A_89, %get3A_92, %dot_general3A_93 {dimension_numbers = #tpu.dot_dimension_numbers<[1], [0], [0], [1], [0, 0, 1, 1], [], []>, precision = #tpu.contract_precision<fp32>, transpose_lhs_hint = false} : vector<1x64xf32>, vector<64x16xf32>, vector<1x16xf32> -> vector<1x16xf32>
    %add3A_95 = arith.addf %add3A_86, %dot_general3A_94 : vector<1x16xf32>
    %get3A_96 = arith.constant 5 : index
    %get3A_97 = arith.constant 64 : index
    %get3A_98 = vector.load %arg0[%get3A_96, %get3A_97] : memref<32x65xf32, #tpu.memory_space<vmem>>, vector<1x1xf32>
    %get3A_99 = arith.constant 5 : index
    %get3A_100 = arith.constant 0 : index
    %get3A_101 = vector.load %arg8[%get3A_99, %get3A_100] : memref<32x16xf32, #tpu.memory_space<vmem>>, vector<1x16xf32>
    %mul3A_102 = vector.broadcast %get3A_98 : vector<1x1xf32> to vector<1x16xf32>
    %mul3A_103 = arith.mulf %mul3A_102, %get3A_101 : vector<1x16xf32>
    %add3A_104 = arith.addf %add3A_95, %mul3A_103 : vector<1x16xf32>
    %get3A_105 = arith.constant 6 : index
    %get3A_106 = arith.constant 0 : index
    %get3A_107 = vector.load %arg0[%get3A_105, %get3A_106] : memref<32x65xf32, #tpu.memory_space<vmem>>, vector<1x64xf32>
    %get3A_108 = arith.constant 384 : index
    %get3A_109 = arith.constant 0 : index
    %get3A_110 = vector.load %arg5[%get3A_108, %get3A_109] : memref<2048x16xf32, #tpu.memory_space<vmem>>, vector<64x16xf32>
    %dot_general3A_111 = arith.constant dense<0.000000e+00> : vector<1x16xf32>
    %dot_general3A_112 = tpu.matmul %get3A_107, %get3A_110, %dot_general3A_111 {dimension_numbers = #tpu.dot_dimension_numbers<[1], [0], [0], [1], [0, 0, 1, 1], [], []>, precision = #tpu.contract_precision<fp32>, transpose_lhs_hint = false} : vector<1x64xf32>, vector<64x16xf32>, vector<1x16xf32> -> vector<1x16xf32>
    %add3A_113 = arith.addf %add3A_104, %dot_general3A_112 : vector<1x16xf32>
    %get3A_114 = arith.constant 6 : index
    %get3A_115 = arith.constant 64 : index
    %get3A_116 = vector.load %arg0[%get3A_114, %get3A_115] : memref<32x65xf32, #tpu.memory_space<vmem>>, vector<1x1xf32>
    %get3A_117 = arith.constant 6 : index
    %get3A_118 = arith.constant 0 : index
    %get3A_119 = vector.load %arg8[%get3A_117, %get3A_118] : memref<32x16xf32, #tpu.memory_space<vmem>>, vector<1x16xf32>
    %mul3A_120 = vector.broadcast %get3A_116 : vector<1x1xf32> to vector<1x16xf32>
    %mul3A_121 = arith.mulf %mul3A_120, %get3A_119 : vector<1x16xf32>
    %add3A_122 = arith.addf %add3A_113, %mul3A_121 : vector<1x16xf32>
    %get3A_123 = arith.constant 7 : index
    %get3A_124 = arith.constant 0 : index
    %get3A_125 = vector.load %arg0[%get3A_123, %get3A_124] : memref<32x65xf32, #tpu.memory_space<vmem>>, vector<1x64xf32>
    %get3A_126 = arith.constant 448 : index
    %get3A_127 = arith.constant 0 : index
    %get3A_128 = vector.load %arg5[%get3A_126, %get3A_127] : memref<2048x16xf32, #tpu.memory_space<vmem>>, vector<64x16xf32>
    %dot_general3A_129 = arith.constant dense<0.000000e+00> : vector<1x16xf32>
    %dot_general3A_130 = tpu.matmul %get3A_125, %get3A_128, %dot_general3A_129 {dimension_numbers = #tpu.dot_dimension_numbers<[1], [0], [0], [1], [0, 0, 1, 1], [], []>, precision = #tpu.contract_precision<fp32>, transpose_lhs_hint = false} : vector<1x64xf32>, vector<64x16xf32>, vector<1x16xf32> -> vector<1x16xf32>
    %add3A_131 = arith.addf %add3A_122, %dot_general3A_130 : vector<1x16xf32>
    %get3A_132 = arith.constant 7 : index
    %get3A_133 = arith.constant 64 : index
    %get3A_134 = vector.load %arg0[%get3A_132, %get3A_133] : memref<32x65xf32, #tpu.memory_space<vmem>>, vector<1x1xf32>
    %get3A_135 = arith.constant 7 : index
    %get3A_136 = arith.constant 0 : index
    %get3A_137 = vector.load %arg8[%get3A_135, %get3A_136] : memref<32x16xf32, #tpu.memory_space<vmem>>, vector<1x16xf32>
    %mul3A_138 = vector.broadcast %get3A_134 : vector<1x1xf32> to vector<1x16xf32>
    %mul3A_139 = arith.mulf %mul3A_138, %get3A_137 : vector<1x16xf32>
    %add3A_140 = arith.addf %add3A_131, %mul3A_139 : vector<1x16xf32>
    %get3A_141 = arith.constant 8 : index
    %get3A_142 = arith.constant 0 : index
    %get3A_143 = vector.load %arg0[%get3A_141, %get3A_142] : memref<32x65xf32, #tpu.memory_space<vmem>>, vector<1x64xf32>
    %get3A_144 = arith.constant 512 : index
    %get3A_145 = arith.constant 0 : index
    %get3A_146 = vector.load %arg5[%get3A_144, %get3A_145] : memref<2048x16xf32, #tpu.memory_space<vmem>>, vector<64x16xf32>
    %dot_general3A_147 = arith.constant dense<0.000000e+00> : vector<1x16xf32>
    %dot_general3A_148 = tpu.matmul %get3A_143, %get3A_146, %dot_general3A_147 {dimension_numbers = #tpu.dot_dimension_numbers<[1], [0], [0], [1], [0, 0, 1, 1], [], []>, precision = #tpu.contract_precision<fp32>, transpose_lhs_hint = false} : vector<1x64xf32>, vector<64x16xf32>, vector<1x16xf32> -> vector<1x16xf32>
    %add3A_149 = arith.addf %add3A_140, %dot_general3A_148 : vector<1x16xf32>
    %get3A_150 = arith.constant 8 : index
    %get3A_151 = arith.constant 64 : index
    %get3A_152 = vector.load %arg0[%get3A_150, %get3A_151] : memref<32x65xf32, #tpu.memory_space<vmem>>, vector<1x1xf32>
    %get3A_153 = arith.constant 8 : index
    %get3A_154 = arith.constant 0 : index
    %get3A_155 = vector.load %arg8[%get3A_153, %get3A_154] : memref<32x16xf32, #tpu.memory_space<vmem>>, vector<1x16xf32>
    %mul3A_156 = vector.broadcast %get3A_152 : vector<1x1xf32> to vector<1x16xf32>
    %mul3A_157 = arith.mulf %mul3A_156, %get3A_155 : vector<1x16xf32>
    %add3A_158 = arith.addf %add3A_149, %mul3A_157 : vector<1x16xf32>
    %get3A_159 = arith.constant 9 : index
    %get3A_160 = arith.constant 0 : index
    %get3A_161 = vector.load %arg0[%get3A_159, %get3A_160] : memref<32x65xf32, #tpu.memory_space<vmem>>, vector<1x64xf32>
    %get3A_162 = arith.constant 576 : index
    %get3A_163 = arith.constant 0 : index
    %get3A_164 = vector.load %arg5[%get3A_162, %get3A_163] : memref<2048x16xf32, #tpu.memory_space<vmem>>, vector<64x16xf32>
    %dot_general3A_165 = arith.constant dense<0.000000e+00> : vector<1x16xf32>
    %dot_general3A_166 = tpu.matmul %get3A_161, %get3A_164, %dot_general3A_165 {dimension_numbers = #tpu.dot_dimension_numbers<[1], [0], [0], [1], [0, 0, 1, 1], [], []>, precision = #tpu.contract_precision<fp32>, transpose_lhs_hint = false} : vector<1x64xf32>, vector<64x16xf32>, vector<1x16xf32> -> vector<1x16xf32>
    %add3A_167 = arith.addf %add3A_158, %dot_general3A_166 : vector<1x16xf32>
    %get3A_168 = arith.constant 9 : index
    %get3A_169 = arith.constant 64 : index
    %get3A_170 = vector.load %arg0[%get3A_168, %get3A_169] : memref<32x65xf32, #tpu.memory_space<vmem>>, vector<1x1xf32>
    %get3A_171 = arith.constant 9 : index
    %get3A_172 = arith.constant 0 : index
    %get3A_173 = vector.load %arg8[%get3A_171, %get3A_172] : memref<32x16xf32, #tpu.memory_space<vmem>>, vector<1x16xf32>
    %mul3A_174 = vector.broadcast %get3A_170 : vector<1x1xf32> to vector<1x16xf32>
    %mul3A_175 = arith.mulf %mul3A_174, %get3A_173 : vector<1x16xf32>
    %add3A_176 = arith.addf %add3A_167, %mul3A_175 : vector<1x16xf32>
    %get3A_177 = arith.constant 10 : index
    %get3A_178 = arith.constant 0 : index
    %get3A_179 = vector.load %arg0[%get3A_177, %get3A_178] : memref<32x65xf32, #tpu.memory_space<vmem>>, vector<1x64xf32>
    %get3A_180 = arith.constant 640 : index
    %get3A_181 = arith.constant 0 : index
    %get3A_182 = vector.load %arg5[%get3A_180, %get3A_181] : memref<2048x16xf32, #tpu.memory_space<vmem>>, vector<64x16xf32>
    %dot_general3A_183 = arith.constant dense<0.000000e+00> : vector<1x16xf32>
    %dot_general3A_184 = tpu.matmul %get3A_179, %get3A_182, %dot_general3A_183 {dimension_numbers = #tpu.dot_dimension_numbers<[1], [0], [0], [1], [0, 0, 1, 1], [], []>, precision = #tpu.contract_precision<fp32>, transpose_lhs_hint = false} : vector<1x64xf32>, vector<64x16xf32>, vector<1x16xf32> -> vector<1x16xf32>
    %add3A_185 = arith.addf %add3A_176, %dot_general3A_184 : vector<1x16xf32>
    %get3A_186 = arith.constant 10 : index
    %get3A_187 = arith.constant 64 : index
    %get3A_188 = vector.load %arg0[%get3A_186, %get3A_187] : memref<32x65xf32, #tpu.memory_space<vmem>>, vector<1x1xf32>
    %get3A_189 = arith.constant 10 : index
    %get3A_190 = arith.constant 0 : index
    %get3A_191 = vector.load %arg8[%get3A_189, %get3A_190] : memref<32x16xf32, #tpu.memory_space<vmem>>, vector<1x16xf32>
    %mul3A_192 = vector.broadcast %get3A_188 : vector<1x1xf32> to vector<1x16xf32>
    %mul3A_193 = arith.mulf %mul3A_192, %get3A_191 : vector<1x16xf32>
    %add3A_194 = arith.addf %add3A_185, %mul3A_193 : vector<1x16xf32>
    %get3A_195 = arith.constant 11 : index
    %get3A_196 = arith.constant 0 : index
    %get3A_197 = vector.load %arg0[%get3A_195, %get3A_196] : memref<32x65xf32, #tpu.memory_space<vmem>>, vector<1x64xf32>
    %get3A_198 = arith.constant 704 : index
    %get3A_199 = arith.constant 0 : index
    %get3A_200 = vector.load %arg5[%get3A_198, %get3A_199] : memref<2048x16xf32, #tpu.memory_space<vmem>>, vector<64x16xf32>
    %dot_general3A_201 = arith.constant dense<0.000000e+00> : vector<1x16xf32>
    %dot_general3A_202 = tpu.matmul %get3A_197, %get3A_200, %dot_general3A_201 {dimension_numbers = #tpu.dot_dimension_numbers<[1], [0], [0], [1], [0, 0, 1, 1], [], []>, precision = #tpu.contract_precision<fp32>, transpose_lhs_hint = false} : vector<1x64xf32>, vector<64x16xf32>, vector<1x16xf32> -> vector<1x16xf32>
    %add3A_203 = arith.addf %add3A_194, %dot_general3A_202 : vector<1x16xf32>
    %get3A_204 = arith.constant 11 : index
    %get3A_205 = arith.constant 64 : index
    %get3A_206 = vector.load %arg0[%get3A_204, %get3A_205] : memref<32x65xf32, #tpu.memory_space<vmem>>, vector<1x1xf32>
    %get3A_207 = arith.constant 11 : index
    %get3A_208 = arith.constant 0 : index
    %get3A_209 = vector.load %arg8[%get3A_207, %get3A_208] : memref<32x16xf32, #tpu.memory_space<vmem>>, vector<1x16xf32>
    %mul3A_210 = vector.broadcast %get3A_206 : vector<1x1xf32> to vector<1x16xf32>
    %mul3A_211 = arith.mulf %mul3A_210, %get3A_209 : vector<1x16xf32>
    %add3A_212 = arith.addf %add3A_203, %mul3A_211 : vector<1x16xf32>
    %get3A_213 = arith.constant 12 : index
    %get3A_214 = arith.constant 0 : index
    %get3A_215 = vector.load %arg0[%get3A_213, %get3A_214] : memref<32x65xf32, #tpu.memory_space<vmem>>, vector<1x64xf32>
    %get3A_216 = arith.constant 768 : index
    %get3A_217 = arith.constant 0 : index
    %get3A_218 = vector.load %arg5[%get3A_216, %get3A_217] : memref<2048x16xf32, #tpu.memory_space<vmem>>, vector<64x16xf32>
    %dot_general3A_219 = arith.constant dense<0.000000e+00> : vector<1x16xf32>
    %dot_general3A_220 = tpu.matmul %get3A_215, %get3A_218, %dot_general3A_219 {dimension_numbers = #tpu.dot_dimension_numbers<[1], [0], [0], [1], [0, 0, 1, 1], [], []>, precision = #tpu.contract_precision<fp32>, transpose_lhs_hint = false} : vector<1x64xf32>, vector<64x16xf32>, vector<1x16xf32> -> vector<1x16xf32>
    %add3A_221 = arith.addf %add3A_212, %dot_general3A_220 : vector<1x16xf32>
    %get3A_222 = arith.constant 12 : index
    %get3A_223 = arith.constant 64 : index
    %get3A_224 = vector.load %arg0[%get3A_222, %get3A_223] : memref<32x65xf32, #tpu.memory_space<vmem>>, vector<1x1xf32>
    %get3A_225 = arith.constant 12 : index
    %get3A_226 = arith.constant 0 : index
    %get3A_227 = vector.load %arg8[%get3A_225, %get3A_226] : memref<32x16xf32, #tpu.memory_space<vmem>>, vector<1x16xf32>
    %mul3A_228 = vector.broadcast %get3A_224 : vector<1x1xf32> to vector<1x16xf32>
    %mul3A_229 = arith.mulf %mul3A_228, %get3A_227 : vector<1x16xf32>
    %add3A_230 = arith.addf %add3A_221, %mul3A_229 : vector<1x16xf32>
    %get3A_231 = arith.constant 13 : index
    %get3A_232 = arith.constant 0 : index
    %get3A_233 = vector.load %arg0[%get3A_231, %get3A_232] : memref<32x65xf32, #tpu.memory_space<vmem>>, vector<1x64xf32>
    %get3A_234 = arith.constant 832 : index
    %get3A_235 = arith.constant 0 : index
    %get3A_236 = vector.load %arg5[%get3A_234, %get3A_235] : memref<2048x16xf32, #tpu.memory_space<vmem>>, vector<64x16xf32>
    %dot_general3A_237 = arith.constant dense<0.000000e+00> : vector<1x16xf32>
    %dot_general3A_238 = tpu.matmul %get3A_233, %get3A_236, %dot_general3A_237 {dimension_numbers = #tpu.dot_dimension_numbers<[1], [0], [0], [1], [0, 0, 1, 1], [], []>, precision = #tpu.contract_precision<fp32>, transpose_lhs_hint = false} : vector<1x64xf32>, vector<64x16xf32>, vector<1x16xf32> -> vector<1x16xf32>
    %add3A_239 = arith.addf %add3A_230, %dot_general3A_238 : vector<1x16xf32>
    %get3A_240 = arith.constant 13 : index
    %get3A_241 = arith.constant 64 : index
    %get3A_242 = vector.load %arg0[%get3A_240, %get3A_241] : memref<32x65xf32, #tpu.memory_space<vmem>>, vector<1x1xf32>
    %get3A_243 = arith.constant 13 : index
    %get3A_244 = arith.constant 0 : index
    %get3A_245 = vector.load %arg8[%get3A_243, %get3A_244] : memref<32x16xf32, #tpu.memory_space<vmem>>, vector<1x16xf32>
    %mul3A_246 = vector.broadcast %get3A_242 : vector<1x1xf32> to vector<1x16xf32>
    %mul3A_247 = arith.mulf %mul3A_246, %get3A_245 : vector<1x16xf32>
    %add3A_248 = arith.addf %add3A_239, %mul3A_247 : vector<1x16xf32>
    %get3A_249 = arith.constant 14 : index
    %get3A_250 = arith.constant 0 : index
    %get3A_251 = vector.load %arg0[%get3A_249, %get3A_250] : memref<32x65xf32, #tpu.memory_space<vmem>>, vector<1x64xf32>
    %get3A_252 = arith.constant 896 : index
    %get3A_253 = arith.constant 0 : index
    %get3A_254 = vector.load %arg5[%get3A_252, %get3A_253] : memref<2048x16xf32, #tpu.memory_space<vmem>>, vector<64x16xf32>
    %dot_general3A_255 = arith.constant dense<0.000000e+00> : vector<1x16xf32>
    %dot_general3A_256 = tpu.matmul %get3A_251, %get3A_254, %dot_general3A_255 {dimension_numbers = #tpu.dot_dimension_numbers<[1], [0], [0], [1], [0, 0, 1, 1], [], []>, precision = #tpu.contract_precision<fp32>, transpose_lhs_hint = false} : vector<1x64xf32>, vector<64x16xf32>, vector<1x16xf32> -> vector<1x16xf32>
    %add3A_257 = arith.addf %add3A_248, %dot_general3A_256 : vector<1x16xf32>
    %get3A_258 = arith.constant 14 : index
    %get3A_259 = arith.constant 64 : index
    %get3A_260 = vector.load %arg0[%get3A_258, %get3A_259] : memref<32x65xf32, #tpu.memory_space<vmem>>, vector<1x1xf32>
    %get3A_261 = arith.constant 14 : index
    %get3A_262 = arith.constant 0 : index
    %get3A_263 = vector.load %arg8[%get3A_261, %get3A_262] : memref<32x16xf32, #tpu.memory_space<vmem>>, vector<1x16xf32>
    %mul3A_264 = vector.broadcast %get3A_260 : vector<1x1xf32> to vector<1x16xf32>
    %mul3A_265 = arith.mulf %mul3A_264, %get3A_263 : vector<1x16xf32>
    %add3A_266 = arith.addf %add3A_257, %mul3A_265 : vector<1x16xf32>
    %get3A_267 = arith.constant 15 : index
    %get3A_268 = arith.constant 0 : index
    %get3A_269 = vector.load %arg0[%get3A_267, %get3A_268] : memref<32x65xf32, #tpu.memory_space<vmem>>, vector<1x64xf32>
    %get3A_270 = arith.constant 960 : index
    %get3A_271 = arith.constant 0 : index
    %get3A_272 = vector.load %arg5[%get3A_270, %get3A_271] : memref<2048x16xf32, #tpu.memory_space<vmem>>, vector<64x16xf32>
    %dot_general3A_273 = arith.constant dense<0.000000e+00> : vector<1x16xf32>
    %dot_general3A_274 = tpu.matmul %get3A_269, %get3A_272, %dot_general3A_273 {dimension_numbers = #tpu.dot_dimension_numbers<[1], [0], [0], [1], [0, 0, 1, 1], [], []>, precision = #tpu.contract_precision<fp32>, transpose_lhs_hint = false} : vector<1x64xf32>, vector<64x16xf32>, vector<1x16xf32> -> vector<1x16xf32>
    %add3A_275 = arith.addf %add3A_266, %dot_general3A_274 : vector<1x16xf32>
    %get3A_276 = arith.constant 15 : index
    %get3A_277 = arith.constant 64 : index
    %get3A_278 = vector.load %arg0[%get3A_276, %get3A_277] : memref<32x65xf32, #tpu.memory_space<vmem>>, vector<1x1xf32>
    %get3A_279 = arith.constant 15 : index
    %get3A_280 = arith.constant 0 : index
    %get3A_281 = vector.load %arg8[%get3A_279, %get3A_280] : memref<32x16xf32, #tpu.memory_space<vmem>>, vector<1x16xf32>
    %mul3A_282 = vector.broadcast %get3A_278 : vector<1x1xf32> to vector<1x16xf32>
    %mul3A_283 = arith.mulf %mul3A_282, %get3A_281 : vector<1x16xf32>
    %add3A_284 = arith.addf %add3A_275, %mul3A_283 : vector<1x16xf32>
    %get3A_285 = arith.constant 16 : index
    %get3A_286 = arith.constant 0 : index
    %get3A_287 = vector.load %arg0[%get3A_285, %get3A_286] : memref<32x65xf32, #tpu.memory_space<vmem>>, vector<1x64xf32>
    %get3A_288 = arith.constant 1024 : index
    %get3A_289 = arith.constant 0 : index
    %get3A_290 = vector.load %arg5[%get3A_288, %get3A_289] : memref<2048x16xf32, #tpu.memory_space<vmem>>, vector<64x16xf32>
    %dot_general3A_291 = arith.constant dense<0.000000e+00> : vector<1x16xf32>
    %dot_general3A_292 = tpu.matmul %get3A_287, %get3A_290, %dot_general3A_291 {dimension_numbers = #tpu.dot_dimension_numbers<[1], [0], [0], [1], [0, 0, 1, 1], [], []>, precision = #tpu.contract_precision<fp32>, transpose_lhs_hint = false} : vector<1x64xf32>, vector<64x16xf32>, vector<1x16xf32> -> vector<1x16xf32>
    %add3A_293 = arith.addf %add3A_284, %dot_general3A_292 : vector<1x16xf32>
    %get3A_294 = arith.constant 16 : index
    %get3A_295 = arith.constant 64 : index
    %get3A_296 = vector.load %arg0[%get3A_294, %get3A_295] : memref<32x65xf32, #tpu.memory_space<vmem>>, vector<1x1xf32>
    %get3A_297 = arith.constant 16 : index
    %get3A_298 = arith.constant 0 : index
    %get3A_299 = vector.load %arg8[%get3A_297, %get3A_298] : memref<32x16xf32, #tpu.memory_space<vmem>>, vector<1x16xf32>
    %mul3A_300 = vector.broadcast %get3A_296 : vector<1x1xf32> to vector<1x16xf32>
    %mul3A_301 = arith.mulf %mul3A_300, %get3A_299 : vector<1x16xf32>
    %add3A_302 = arith.addf %add3A_293, %mul3A_301 : vector<1x16xf32>
    %get3A_303 = arith.constant 17 : index
    %get3A_304 = arith.constant 0 : index
    %get3A_305 = vector.load %arg0[%get3A_303, %get3A_304] : memref<32x65xf32, #tpu.memory_space<vmem>>, vector<1x64xf32>
    %get3A_306 = arith.constant 1088 : index
    %get3A_307 = arith.constant 0 : index
    %get3A_308 = vector.load %arg5[%get3A_306, %get3A_307] : memref<2048x16xf32, #tpu.memory_space<vmem>>, vector<64x16xf32>
    %dot_general3A_309 = arith.constant dense<0.000000e+00> : vector<1x16xf32>
    %dot_general3A_310 = tpu.matmul %get3A_305, %get3A_308, %dot_general3A_309 {dimension_numbers = #tpu.dot_dimension_numbers<[1], [0], [0], [1], [0, 0, 1, 1], [], []>, precision = #tpu.contract_precision<fp32>, transpose_lhs_hint = false} : vector<1x64xf32>, vector<64x16xf32>, vector<1x16xf32> -> vector<1x16xf32>
    %add3A_311 = arith.addf %add3A_302, %dot_general3A_310 : vector<1x16xf32>
    %get3A_312 = arith.constant 17 : index
    %get3A_313 = arith.constant 64 : index
    %get3A_314 = vector.load %arg0[%get3A_312, %get3A_313] : memref<32x65xf32, #tpu.memory_space<vmem>>, vector<1x1xf32>
    %get3A_315 = arith.constant 17 : index
    %get3A_316 = arith.constant 0 : index
    %get3A_317 = vector.load %arg8[%get3A_315, %get3A_316] : memref<32x16xf32, #tpu.memory_space<vmem>>, vector<1x16xf32>
    %mul3A_318 = vector.broadcast %get3A_314 : vector<1x1xf32> to vector<1x16xf32>
    %mul3A_319 = arith.mulf %mul3A_318, %get3A_317 : vector<1x16xf32>
    %add3A_320 = arith.addf %add3A_311, %mul3A_319 : vector<1x16xf32>
    %get3A_321 = arith.constant 18 : index
    %get3A_322 = arith.constant 0 : index
    %get3A_323 = vector.load %arg0[%get3A_321, %get3A_322] : memref<32x65xf32, #tpu.memory_space<vmem>>, vector<1x64xf32>
    %get3A_324 = arith.constant 1152 : index
    %get3A_325 = arith.constant 0 : index
    %get3A_326 = vector.load %arg5[%get3A_324, %get3A_325] : memref<2048x16xf32, #tpu.memory_space<vmem>>, vector<64x16xf32>
    %dot_general3A_327 = arith.constant dense<0.000000e+00> : vector<1x16xf32>
    %dot_general3A_328 = tpu.matmul %get3A_323, %get3A_326, %dot_general3A_327 {dimension_numbers = #tpu.dot_dimension_numbers<[1], [0], [0], [1], [0, 0, 1, 1], [], []>, precision = #tpu.contract_precision<fp32>, transpose_lhs_hint = false} : vector<1x64xf32>, vector<64x16xf32>, vector<1x16xf32> -> vector<1x16xf32>
    %add3A_329 = arith.addf %add3A_320, %dot_general3A_328 : vector<1x16xf32>
    %get3A_330 = arith.constant 18 : index
    %get3A_331 = arith.constant 64 : index
    %get3A_332 = vector.load %arg0[%get3A_330, %get3A_331] : memref<32x65xf32, #tpu.memory_space<vmem>>, vector<1x1xf32>
    %get3A_333 = arith.constant 18 : index
    %get3A_334 = arith.constant 0 : index
    %get3A_335 = vector.load %arg8[%get3A_333, %get3A_334] : memref<32x16xf32, #tpu.memory_space<vmem>>, vector<1x16xf32>
    %mul3A_336 = vector.broadcast %get3A_332 : vector<1x1xf32> to vector<1x16xf32>
    %mul3A_337 = arith.mulf %mul3A_336, %get3A_335 : vector<1x16xf32>
    %add3A_338 = arith.addf %add3A_329, %mul3A_337 : vector<1x16xf32>
    %get3A_339 = arith.constant 19 : index
    %get3A_340 = arith.constant 0 : index
    %get3A_341 = vector.load %arg0[%get3A_339, %get3A_340] : memref<32x65xf32, #tpu.memory_space<vmem>>, vector<1x64xf32>
    %get3A_342 = arith.constant 1216 : index
    %get3A_343 = arith.constant 0 : index
    %get3A_344 = vector.load %arg5[%get3A_342, %get3A_343] : memref<2048x16xf32, #tpu.memory_space<vmem>>, vector<64x16xf32>
    %dot_general3A_345 = arith.constant dense<0.000000e+00> : vector<1x16xf32>
    %dot_general3A_346 = tpu.matmul %get3A_341, %get3A_344, %dot_general3A_345 {dimension_numbers = #tpu.dot_dimension_numbers<[1], [0], [0], [1], [0, 0, 1, 1], [], []>, precision = #tpu.contract_precision<fp32>, transpose_lhs_hint = false} : vector<1x64xf32>, vector<64x16xf32>, vector<1x16xf32> -> vector<1x16xf32>
    %add3A_347 = arith.addf %add3A_338, %dot_general3A_346 : vector<1x16xf32>
    %get3A_348 = arith.constant 19 : index
    %get3A_349 = arith.constant 64 : index
    %get3A_350 = vector.load %arg0[%get3A_348, %get3A_349] : memref<32x65xf32, #tpu.memory_space<vmem>>, vector<1x1xf32>
    %get3A_351 = arith.constant 19 : index
    %get3A_352 = arith.constant 0 : index
    %get3A_353 = vector.load %arg8[%get3A_351, %get3A_352] : memref<32x16xf32, #tpu.memory_space<vmem>>, vector<1x16xf32>
    %mul3A_354 = vector.broadcast %get3A_350 : vector<1x1xf32> to vector<1x16xf32>
    %mul3A_355 = arith.mulf %mul3A_354, %get3A_353 : vector<1x16xf32>
    %add3A_356 = arith.addf %add3A_347, %mul3A_355 : vector<1x16xf32>
    %get3A_357 = arith.constant 20 : index
    %get3A_358 = arith.constant 0 : index
    %get3A_359 = vector.load %arg0[%get3A_357, %get3A_358] : memref<32x65xf32, #tpu.memory_space<vmem>>, vector<1x64xf32>
    %get3A_360 = arith.constant 1280 : index
    %get3A_361 = arith.constant 0 : index
    %get3A_362 = vector.load %arg5[%get3A_360, %get3A_361] : memref<2048x16xf32, #tpu.memory_space<vmem>>, vector<64x16xf32>
    %dot_general3A_363 = arith.constant dense<0.000000e+00> : vector<1x16xf32>
    %dot_general3A_364 = tpu.matmul %get3A_359, %get3A_362, %dot_general3A_363 {dimension_numbers = #tpu.dot_dimension_numbers<[1], [0], [0], [1], [0, 0, 1, 1], [], []>, precision = #tpu.contract_precision<fp32>, transpose_lhs_hint = false} : vector<1x64xf32>, vector<64x16xf32>, vector<1x16xf32> -> vector<1x16xf32>
    %add3A_365 = arith.addf %add3A_356, %dot_general3A_364 : vector<1x16xf32>
    %get3A_366 = arith.constant 20 : index
    %get3A_367 = arith.constant 64 : index
    %get3A_368 = vector.load %arg0[%get3A_366, %get3A_367] : memref<32x65xf32, #tpu.memory_space<vmem>>, vector<1x1xf32>
    %get3A_369 = arith.constant 20 : index
    %get3A_370 = arith.constant 0 : index
    %get3A_371 = vector.load %arg8[%get3A_369, %get3A_370] : memref<32x16xf32, #tpu.memory_space<vmem>>, vector<1x16xf32>
    %mul3A_372 = vector.broadcast %get3A_368 : vector<1x1xf32> to vector<1x16xf32>
    %mul3A_373 = arith.mulf %mul3A_372, %get3A_371 : vector<1x16xf32>
    %add3A_374 = arith.addf %add3A_365, %mul3A_373 : vector<1x16xf32>
    %get3A_375 = arith.constant 21 : index
    %get3A_376 = arith.constant 0 : index
    %get3A_377 = vector.load %arg0[%get3A_375, %get3A_376] : memref<32x65xf32, #tpu.memory_space<vmem>>, vector<1x64xf32>
    %get3A_378 = arith.constant 1344 : index
    %get3A_379 = arith.constant 0 : index
    %get3A_380 = vector.load %arg5[%get3A_378, %get3A_379] : memref<2048x16xf32, #tpu.memory_space<vmem>>, vector<64x16xf32>
    %dot_general3A_381 = arith.constant dense<0.000000e+00> : vector<1x16xf32>
    %dot_general3A_382 = tpu.matmul %get3A_377, %get3A_380, %dot_general3A_381 {dimension_numbers = #tpu.dot_dimension_numbers<[1], [0], [0], [1], [0, 0, 1, 1], [], []>, precision = #tpu.contract_precision<fp32>, transpose_lhs_hint = false} : vector<1x64xf32>, vector<64x16xf32>, vector<1x16xf32> -> vector<1x16xf32>
    %add3A_383 = arith.addf %add3A_374, %dot_general3A_382 : vector<1x16xf32>
    %get3A_384 = arith.constant 21 : index
    %get3A_385 = arith.constant 64 : index
    %get3A_386 = vector.load %arg0[%get3A_384, %get3A_385] : memref<32x65xf32, #tpu.memory_space<vmem>>, vector<1x1xf32>
    %get3A_387 = arith.constant 21 : index
    %get3A_388 = arith.constant 0 : index
    %get3A_389 = vector.load %arg8[%get3A_387, %get3A_388] : memref<32x16xf32, #tpu.memory_space<vmem>>, vector<1x16xf32>
    %mul3A_390 = vector.broadcast %get3A_386 : vector<1x1xf32> to vector<1x16xf32>
    %mul3A_391 = arith.mulf %mul3A_390, %get3A_389 : vector<1x16xf32>
    %add3A_392 = arith.addf %add3A_383, %mul3A_391 : vector<1x16xf32>
    %get3A_393 = arith.constant 22 : index
    %get3A_394 = arith.constant 0 : index
    %get3A_395 = vector.load %arg0[%get3A_393, %get3A_394] : memref<32x65xf32, #tpu.memory_space<vmem>>, vector<1x64xf32>
    %get3A_396 = arith.constant 1408 : index
    %get3A_397 = arith.constant 0 : index
    %get3A_398 = vector.load %arg5[%get3A_396, %get3A_397] : memref<2048x16xf32, #tpu.memory_space<vmem>>, vector<64x16xf32>
    %dot_general3A_399 = arith.constant dense<0.000000e+00> : vector<1x16xf32>
    %dot_general3A_400 = tpu.matmul %get3A_395, %get3A_398, %dot_general3A_399 {dimension_numbers = #tpu.dot_dimension_numbers<[1], [0], [0], [1], [0, 0, 1, 1], [], []>, precision = #tpu.contract_precision<fp32>, transpose_lhs_hint = false} : vector<1x64xf32>, vector<64x16xf32>, vector<1x16xf32> -> vector<1x16xf32>
    %add3A_401 = arith.addf %add3A_392, %dot_general3A_400 : vector<1x16xf32>
    %get3A_402 = arith.constant 22 : index
    %get3A_403 = arith.constant 64 : index
    %get3A_404 = vector.load %arg0[%get3A_402, %get3A_403] : memref<32x65xf32, #tpu.memory_space<vmem>>, vector<1x1xf32>
    %get3A_405 = arith.constant 22 : index
    %get3A_406 = arith.constant 0 : index
    %get3A_407 = vector.load %arg8[%get3A_405, %get3A_406] : memref<32x16xf32, #tpu.memory_space<vmem>>, vector<1x16xf32>
    %mul3A_408 = vector.broadcast %get3A_404 : vector<1x1xf32> to vector<1x16xf32>
    %mul3A_409 = arith.mulf %mul3A_408, %get3A_407 : vector<1x16xf32>
    %add3A_410 = arith.addf %add3A_401, %mul3A_409 : vector<1x16xf32>
    %get3A_411 = arith.constant 23 : index
    %get3A_412 = arith.constant 0 : index
    %get3A_413 = vector.load %arg0[%get3A_411, %get3A_412] : memref<32x65xf32, #tpu.memory_space<vmem>>, vector<1x64xf32>
    %get3A_414 = arith.constant 1472 : index
    %get3A_415 = arith.constant 0 : index
    %get3A_416 = vector.load %arg5[%get3A_414, %get3A_415] : memref<2048x16xf32, #tpu.memory_space<vmem>>, vector<64x16xf32>
    %dot_general3A_417 = arith.constant dense<0.000000e+00> : vector<1x16xf32>
    %dot_general3A_418 = tpu.matmul %get3A_413, %get3A_416, %dot_general3A_417 {dimension_numbers = #tpu.dot_dimension_numbers<[1], [0], [0], [1], [0, 0, 1, 1], [], []>, precision = #tpu.contract_precision<fp32>, transpose_lhs_hint = false} : vector<1x64xf32>, vector<64x16xf32>, vector<1x16xf32> -> vector<1x16xf32>
    %add3A_419 = arith.addf %add3A_410, %dot_general3A_418 : vector<1x16xf32>
    %get3A_420 = arith.constant 23 : index
    %get3A_421 = arith.constant 64 : index
    %get3A_422 = vector.load %arg0[%get3A_420, %get3A_421] : memref<32x65xf32, #tpu.memory_space<vmem>>, vector<1x1xf32>
    %get3A_423 = arith.constant 23 : index
    %get3A_424 = arith.constant 0 : index
    %get3A_425 = vector.load %arg8[%get3A_423, %get3A_424] : memref<32x16xf32, #tpu.memory_space<vmem>>, vector<1x16xf32>
    %mul3A_426 = vector.broadcast %get3A_422 : vector<1x1xf32> to vector<1x16xf32>
    %mul3A_427 = arith.mulf %mul3A_426, %get3A_425 : vector<1x16xf32>
    %add3A_428 = arith.addf %add3A_419, %mul3A_427 : vector<1x16xf32>
    %get3A_429 = arith.constant 24 : index
    %get3A_430 = arith.constant 0 : index
    %get3A_431 = vector.load %arg0[%get3A_429, %get3A_430] : memref<32x65xf32, #tpu.memory_space<vmem>>, vector<1x64xf32>
    %get3A_432 = arith.constant 1536 : index
    %get3A_433 = arith.constant 0 : index
    %get3A_434 = vector.load %arg5[%get3A_432, %get3A_433] : memref<2048x16xf32, #tpu.memory_space<vmem>>, vector<64x16xf32>
    %dot_general3A_435 = arith.constant dense<0.000000e+00> : vector<1x16xf32>
    %dot_general3A_436 = tpu.matmul %get3A_431, %get3A_434, %dot_general3A_435 {dimension_numbers = #tpu.dot_dimension_numbers<[1], [0], [0], [1], [0, 0, 1, 1], [], []>, precision = #tpu.contract_precision<fp32>, transpose_lhs_hint = false} : vector<1x64xf32>, vector<64x16xf32>, vector<1x16xf32> -> vector<1x16xf32>
    %add3A_437 = arith.addf %add3A_428, %dot_general3A_436 : vector<1x16xf32>
    %get3A_438 = arith.constant 24 : index
    %get3A_439 = arith.constant 64 : index
    %get3A_440 = vector.load %arg0[%get3A_438, %get3A_439] : memref<32x65xf32, #tpu.memory_space<vmem>>, vector<1x1xf32>
    %get3A_441 = arith.constant 24 : index
    %get3A_442 = arith.constant 0 : index
    %get3A_443 = vector.load %arg8[%get3A_441, %get3A_442] : memref<32x16xf32, #tpu.memory_space<vmem>>, vector<1x16xf32>
    %mul3A_444 = vector.broadcast %get3A_440 : vector<1x1xf32> to vector<1x16xf32>
    %mul3A_445 = arith.mulf %mul3A_444, %get3A_443 : vector<1x16xf32>
    %add3A_446 = arith.addf %add3A_437, %mul3A_445 : vector<1x16xf32>
    %get3A_447 = arith.constant 25 : index
    %get3A_448 = arith.constant 0 : index
    %get3A_449 = vector.load %arg0[%get3A_447, %get3A_448] : memref<32x65xf32, #tpu.memory_space<vmem>>, vector<1x64xf32>
    %get3A_450 = arith.constant 1600 : index
    %get3A_451 = arith.constant 0 : index
    %get3A_452 = vector.load %arg5[%get3A_450, %get3A_451] : memref<2048x16xf32, #tpu.memory_space<vmem>>, vector<64x16xf32>
    %dot_general3A_453 = arith.constant dense<0.000000e+00> : vector<1x16xf32>
    %dot_general3A_454 = tpu.matmul %get3A_449, %get3A_452, %dot_general3A_453 {dimension_numbers = #tpu.dot_dimension_numbers<[1], [0], [0], [1], [0, 0, 1, 1], [], []>, precision = #tpu.contract_precision<fp32>, transpose_lhs_hint = false} : vector<1x64xf32>, vector<64x16xf32>, vector<1x16xf32> -> vector<1x16xf32>
    %add3A_455 = arith.addf %add3A_446, %dot_general3A_454 : vector<1x16xf32>
    %get3A_456 = arith.constant 25 : index
    %get3A_457 = arith.constant 64 : index
    %get3A_458 = vector.load %arg0[%get3A_456, %get3A_457] : memref<32x65xf32, #tpu.memory_space<vmem>>, vector<1x1xf32>
    %get3A_459 = arith.constant 25 : index
    %get3A_460 = arith.constant 0 : index
    %get3A_461 = vector.load %arg8[%get3A_459, %get3A_460] : memref<32x16xf32, #tpu.memory_space<vmem>>, vector<1x16xf32>
    %mul3A_462 = vector.broadcast %get3A_458 : vector<1x1xf32> to vector<1x16xf32>
    %mul3A_463 = arith.mulf %mul3A_462, %get3A_461 : vector<1x16xf32>
    %add3A_464 = arith.addf %add3A_455, %mul3A_463 : vector<1x16xf32>
    %get3A_465 = arith.constant 26 : index
    %get3A_466 = arith.constant 0 : index
    %get3A_467 = vector.load %arg0[%get3A_465, %get3A_466] : memref<32x65xf32, #tpu.memory_space<vmem>>, vector<1x64xf32>
    %get3A_468 = arith.constant 1664 : index
    %get3A_469 = arith.constant 0 : index
    %get3A_470 = vector.load %arg5[%get3A_468, %get3A_469] : memref<2048x16xf32, #tpu.memory_space<vmem>>, vector<64x16xf32>
    %dot_general3A_471 = arith.constant dense<0.000000e+00> : vector<1x16xf32>
    %dot_general3A_472 = tpu.matmul %get3A_467, %get3A_470, %dot_general3A_471 {dimension_numbers = #tpu.dot_dimension_numbers<[1], [0], [0], [1], [0, 0, 1, 1], [], []>, precision = #tpu.contract_precision<fp32>, transpose_lhs_hint = false} : vector<1x64xf32>, vector<64x16xf32>, vector<1x16xf32> -> vector<1x16xf32>
    %add3A_473 = arith.addf %add3A_464, %dot_general3A_472 : vector<1x16xf32>
    %get3A_474 = arith.constant 26 : index
    %get3A_475 = arith.constant 64 : index
    %get3A_476 = vector.load %arg0[%get3A_474, %get3A_475] : memref<32x65xf32, #tpu.memory_space<vmem>>, vector<1x1xf32>
    %get3A_477 = arith.constant 26 : index
    %get3A_478 = arith.constant 0 : index
    %get3A_479 = vector.load %arg8[%get3A_477, %get3A_478] : memref<32x16xf32, #tpu.memory_space<vmem>>, vector<1x16xf32>
    %mul3A_480 = vector.broadcast %get3A_476 : vector<1x1xf32> to vector<1x16xf32>
    %mul3A_481 = arith.mulf %mul3A_480, %get3A_479 : vector<1x16xf32>
    %add3A_482 = arith.addf %add3A_473, %mul3A_481 : vector<1x16xf32>
    %get3A_483 = arith.constant 27 : index
    %get3A_484 = arith.constant 0 : index
    %get3A_485 = vector.load %arg0[%get3A_483, %get3A_484] : memref<32x65xf32, #tpu.memory_space<vmem>>, vector<1x64xf32>
    %get3A_486 = arith.constant 1728 : index
    %get3A_487 = arith.constant 0 : index
    %get3A_488 = vector.load %arg5[%get3A_486, %get3A_487] : memref<2048x16xf32, #tpu.memory_space<vmem>>, vector<64x16xf32>
    %dot_general3A_489 = arith.constant dense<0.000000e+00> : vector<1x16xf32>
    %dot_general3A_490 = tpu.matmul %get3A_485, %get3A_488, %dot_general3A_489 {dimension_numbers = #tpu.dot_dimension_numbers<[1], [0], [0], [1], [0, 0, 1, 1], [], []>, precision = #tpu.contract_precision<fp32>, transpose_lhs_hint = false} : vector<1x64xf32>, vector<64x16xf32>, vector<1x16xf32> -> vector<1x16xf32>
    %add3A_491 = arith.addf %add3A_482, %dot_general3A_490 : vector<1x16xf32>
    %get3A_492 = arith.constant 27 : index
    %get3A_493 = arith.constant 64 : index
    %get3A_494 = vector.load %arg0[%get3A_492, %get3A_493] : memref<32x65xf32, #tpu.memory_space<vmem>>, vector<1x1xf32>
    %get3A_495 = arith.constant 27 : index
    %get3A_496 = arith.constant 0 : index
    %get3A_497 = vector.load %arg8[%get3A_495, %get3A_496] : memref<32x16xf32, #tpu.memory_space<vmem>>, vector<1x16xf32>
    %mul3A_498 = vector.broadcast %get3A_494 : vector<1x1xf32> to vector<1x16xf32>
    %mul3A_499 = arith.mulf %mul3A_498, %get3A_497 : vector<1x16xf32>
    %add3A_500 = arith.addf %add3A_491, %mul3A_499 : vector<1x16xf32>
    %get3A_501 = arith.constant 28 : index
    %get3A_502 = arith.constant 0 : index
    %get3A_503 = vector.load %arg0[%get3A_501, %get3A_502] : memref<32x65xf32, #tpu.memory_space<vmem>>, vector<1x64xf32>
    %get3A_504 = arith.constant 1792 : index
    %get3A_505 = arith.constant 0 : index
    %get3A_506 = vector.load %arg5[%get3A_504, %get3A_505] : memref<2048x16xf32, #tpu.memory_space<vmem>>, vector<64x16xf32>
    %dot_general3A_507 = arith.constant dense<0.000000e+00> : vector<1x16xf32>
    %dot_general3A_508 = tpu.matmul %get3A_503, %get3A_506, %dot_general3A_507 {dimension_numbers = #tpu.dot_dimension_numbers<[1], [0], [0], [1], [0, 0, 1, 1], [], []>, precision = #tpu.contract_precision<fp32>, transpose_lhs_hint = false} : vector<1x64xf32>, vector<64x16xf32>, vector<1x16xf32> -> vector<1x16xf32>
    %add3A_509 = arith.addf %add3A_500, %dot_general3A_508 : vector<1x16xf32>
    %get3A_510 = arith.constant 28 : index
    %get3A_511 = arith.constant 64 : index
    %get3A_512 = vector.load %arg0[%get3A_510, %get3A_511] : memref<32x65xf32, #tpu.memory_space<vmem>>, vector<1x1xf32>
    %get3A_513 = arith.constant 28 : index
    %get3A_514 = arith.constant 0 : index
    %get3A_515 = vector.load %arg8[%get3A_513, %get3A_514] : memref<32x16xf32, #tpu.memory_space<vmem>>, vector<1x16xf32>
    %mul3A_516 = vector.broadcast %get3A_512 : vector<1x1xf32> to vector<1x16xf32>
    %mul3A_517 = arith.mulf %mul3A_516, %get3A_515 : vector<1x16xf32>
    %add3A_518 = arith.addf %add3A_509, %mul3A_517 : vector<1x16xf32>
    %get3A_519 = arith.constant 29 : index
    %get3A_520 = arith.constant 0 : index
    %get3A_521 = vector.load %arg0[%get3A_519, %get3A_520] : memref<32x65xf32, #tpu.memory_space<vmem>>, vector<1x64xf32>
    %get3A_522 = arith.constant 1856 : index
    %get3A_523 = arith.constant 0 : index
    %get3A_524 = vector.load %arg5[%get3A_522, %get3A_523] : memref<2048x16xf32, #tpu.memory_space<vmem>>, vector<64x16xf32>
    %dot_general3A_525 = arith.constant dense<0.000000e+00> : vector<1x16xf32>
    %dot_general3A_526 = tpu.matmul %get3A_521, %get3A_524, %dot_general3A_525 {dimension_numbers = #tpu.dot_dimension_numbers<[1], [0], [0], [1], [0, 0, 1, 1], [], []>, precision = #tpu.contract_precision<fp32>, transpose_lhs_hint = false} : vector<1x64xf32>, vector<64x16xf32>, vector<1x16xf32> -> vector<1x16xf32>
    %add3A_527 = arith.addf %add3A_518, %dot_general3A_526 : vector<1x16xf32>
    %get3A_528 = arith.constant 29 : index
    %get3A_529 = arith.constant 64 : index
    %get3A_530 = vector.load %arg0[%get3A_528, %get3A_529] : memref<32x65xf32, #tpu.memory_space<vmem>>, vector<1x1xf32>
    %get3A_531 = arith.constant 29 : index
    %get3A_532 = arith.constant 0 : index
    %get3A_533 = vector.load %arg8[%get3A_531, %get3A_532] : memref<32x16xf32, #tpu.memory_space<vmem>>, vector<1x16xf32>
    %mul3A_534 = vector.broadcast %get3A_530 : vector<1x1xf32> to vector<1x16xf32>
    %mul3A_535 = arith.mulf %mul3A_534, %get3A_533 : vector<1x16xf32>
    %add3A_536 = arith.addf %add3A_527, %mul3A_535 : vector<1x16xf32>
    %get3A_537 = arith.constant 30 : index
    %get3A_538 = arith.constant 0 : index
    %get3A_539 = vector.load %arg0[%get3A_537, %get3A_538] : memref<32x65xf32, #tpu.memory_space<vmem>>, vector<1x64xf32>
    %get3A_540 = arith.constant 1920 : index
    %get3A_541 = arith.constant 0 : index
    %get3A_542 = vector.load %arg5[%get3A_540, %get3A_541] : memref<2048x16xf32, #tpu.memory_space<vmem>>, vector<64x16xf32>
    %dot_general3A_543 = arith.constant dense<0.000000e+00> : vector<1x16xf32>
    %dot_general3A_544 = tpu.matmul %get3A_539, %get3A_542, %dot_general3A_543 {dimension_numbers = #tpu.dot_dimension_numbers<[1], [0], [0], [1], [0, 0, 1, 1], [], []>, precision = #tpu.contract_precision<fp32>, transpose_lhs_hint = false} : vector<1x64xf32>, vector<64x16xf32>, vector<1x16xf32> -> vector<1x16xf32>
    %add3A_545 = arith.addf %add3A_536, %dot_general3A_544 : vector<1x16xf32>
    %get3A_546 = arith.constant 30 : index
    %get3A_547 = arith.constant 64 : index
    %get3A_548 = vector.load %arg0[%get3A_546, %get3A_547] : memref<32x65xf32, #tpu.memory_space<vmem>>, vector<1x1xf32>
    %get3A_549 = arith.constant 30 : index
    %get3A_550 = arith.constant 0 : index
    %get3A_551 = vector.load %arg8[%get3A_549, %get3A_550] : memref<32x16xf32, #tpu.memory_space<vmem>>, vector<1x16xf32>
    %mul3A_552 = vector.broadcast %get3A_548 : vector<1x1xf32> to vector<1x16xf32>
    %mul3A_553 = arith.mulf %mul3A_552, %get3A_551 : vector<1x16xf32>
    %add3A_554 = arith.addf %add3A_545, %mul3A_553 : vector<1x16xf32>
    %get3A_555 = arith.constant 31 : index
    %get3A_556 = arith.constant 0 : index
    %get3A_557 = vector.load %arg0[%get3A_555, %get3A_556] : memref<32x65xf32, #tpu.memory_space<vmem>>, vector<1x64xf32>
    %get3A_558 = arith.constant 1984 : index
    %get3A_559 = arith.constant 0 : index
    %get3A_560 = vector.load %arg5[%get3A_558, %get3A_559] : memref<2048x16xf32, #tpu.memory_space<vmem>>, vector<64x16xf32>
    %dot_general3A_561 = arith.constant dense<0.000000e+00> : vector<1x16xf32>
    %dot_general3A_562 = tpu.matmul %get3A_557, %get3A_560, %dot_general3A_561 {dimension_numbers = #tpu.dot_dimension_numbers<[1], [0], [0], [1], [0, 0, 1, 1], [], []>, precision = #tpu.contract_precision<fp32>, transpose_lhs_hint = false} : vector<1x64xf32>, vector<64x16xf32>, vector<1x16xf32> -> vector<1x16xf32>
    %add3A_563 = arith.addf %add3A_554, %dot_general3A_562 : vector<1x16xf32>
    %get3A_564 = arith.constant 31 : index
    %get3A_565 = arith.constant 64 : index
    %get3A_566 = vector.load %arg0[%get3A_564, %get3A_565] : memref<32x65xf32, #tpu.memory_space<vmem>>, vector<1x1xf32>
    %get3A_567 = arith.constant 31 : index
    %get3A_568 = arith.constant 0 : index
    %get3A_569 = vector.load %arg8[%get3A_567, %get3A_568] : memref<32x16xf32, #tpu.memory_space<vmem>>, vector<1x16xf32>
    %mul3A_570 = vector.broadcast %get3A_566 : vector<1x1xf32> to vector<1x16xf32>
    %mul3A_571 = arith.mulf %mul3A_570, %get3A_569 : vector<1x16xf32>
    %add3A_572 = arith.addf %add3A_563, %mul3A_571 : vector<1x16xf32>
    %div3A = arith.constant 5.000000e+04 : f32
    %div3A_573 = vector.broadcast %div3A : f32 to vector<1x16xf32>
    %div3A_574 = arith.divf %add3A_572, %div3A_573 : vector<1x16xf32>
    %broadcast_in_dim3A_575 = arith.constant 0.000000e+00 : f32
    %broadcast_in_dim3A_576 = vector.broadcast %broadcast_in_dim3A_575 : f32 to vector<1x16xf32>
    %get3A_577 = arith.constant 0 : index
    %get3A_578 = arith.constant 0 : index
    %get3A_579 = vector.load %arg1[%get3A_577, %get3A_578] : memref<16x65xf32, #tpu.memory_space<vmem>>, vector<1x64xf32>
    %get3A_580 = arith.constant 0 : index
    %get3A_581 = arith.constant 0 : index
    %get3A_582 = vector.load %arg6[%get3A_580, %get3A_581] : memref<1024x16xf32, #tpu.memory_space<vmem>>, vector<64x16xf32>
    %dot_general3A_583 = arith.constant dense<0.000000e+00> : vector<1x16xf32>
    %dot_general3A_584 = tpu.matmul %get3A_579, %get3A_582, %dot_general3A_583 {dimension_numbers = #tpu.dot_dimension_numbers<[1], [0], [0], [1], [0, 0, 1, 1], [], []>, precision = #tpu.contract_precision<fp32>, transpose_lhs_hint = false} : vector<1x64xf32>, vector<64x16xf32>, vector<1x16xf32> -> vector<1x16xf32>
    %add3A_585 = arith.addf %broadcast_in_dim3A_576, %dot_general3A_584 : vector<1x16xf32>
    %get3A_586 = arith.constant 0 : index
    %get3A_587 = arith.constant 64 : index
    %get3A_588 = vector.load %arg1[%get3A_586, %get3A_587] : memref<16x65xf32, #tpu.memory_space<vmem>>, vector<1x1xf32>
    %get3A_589 = arith.constant 0 : index
    %get3A_590 = arith.constant 0 : index
    %get3A_591 = vector.load %arg9[%get3A_589, %get3A_590] : memref<16x16xf32, #tpu.memory_space<vmem>>, vector<1x16xf32>
    %mul3A_592 = vector.broadcast %get3A_588 : vector<1x1xf32> to vector<1x16xf32>
    %mul3A_593 = arith.mulf %mul3A_592, %get3A_591 : vector<1x16xf32>
    %add3A_594 = arith.addf %add3A_585, %mul3A_593 : vector<1x16xf32>
    %get3A_595 = arith.constant 1 : index
    %get3A_596 = arith.constant 0 : index
    %get3A_597 = vector.load %arg1[%get3A_595, %get3A_596] : memref<16x65xf32, #tpu.memory_space<vmem>>, vector<1x64xf32>
    %get3A_598 = arith.constant 64 : index
    %get3A_599 = arith.constant 0 : index
    %get3A_600 = vector.load %arg6[%get3A_598, %get3A_599] : memref<1024x16xf32, #tpu.memory_space<vmem>>, vector<64x16xf32>
    %dot_general3A_601 = arith.constant dense<0.000000e+00> : vector<1x16xf32>
    %dot_general3A_602 = tpu.matmul %get3A_597, %get3A_600, %dot_general3A_601 {dimension_numbers = #tpu.dot_dimension_numbers<[1], [0], [0], [1], [0, 0, 1, 1], [], []>, precision = #tpu.contract_precision<fp32>, transpose_lhs_hint = false} : vector<1x64xf32>, vector<64x16xf32>, vector<1x16xf32> -> vector<1x16xf32>
    %add3A_603 = arith.addf %add3A_594, %dot_general3A_602 : vector<1x16xf32>
    %get3A_604 = arith.constant 1 : index
    %get3A_605 = arith.constant 64 : index
    %get3A_606 = vector.load %arg1[%get3A_604, %get3A_605] : memref<16x65xf32, #tpu.memory_space<vmem>>, vector<1x1xf32>
    %get3A_607 = arith.constant 1 : index
    %get3A_608 = arith.constant 0 : index
    %get3A_609 = vector.load %arg9[%get3A_607, %get3A_608] : memref<16x16xf32, #tpu.memory_space<vmem>>, vector<1x16xf32>
    %mul3A_610 = vector.broadcast %get3A_606 : vector<1x1xf32> to vector<1x16xf32>
    %mul3A_611 = arith.mulf %mul3A_610, %get3A_609 : vector<1x16xf32>
    %add3A_612 = arith.addf %add3A_603, %mul3A_611 : vector<1x16xf32>
    %get3A_613 = arith.constant 2 : index
    %get3A_614 = arith.constant 0 : index
    %get3A_615 = vector.load %arg1[%get3A_613, %get3A_614] : memref<16x65xf32, #tpu.memory_space<vmem>>, vector<1x64xf32>
    %get3A_616 = arith.constant 128 : index
    %get3A_617 = arith.constant 0 : index
    %get3A_618 = vector.load %arg6[%get3A_616, %get3A_617] : memref<1024x16xf32, #tpu.memory_space<vmem>>, vector<64x16xf32>
    %dot_general3A_619 = arith.constant dense<0.000000e+00> : vector<1x16xf32>
    %dot_general3A_620 = tpu.matmul %get3A_615, %get3A_618, %dot_general3A_619 {dimension_numbers = #tpu.dot_dimension_numbers<[1], [0], [0], [1], [0, 0, 1, 1], [], []>, precision = #tpu.contract_precision<fp32>, transpose_lhs_hint = false} : vector<1x64xf32>, vector<64x16xf32>, vector<1x16xf32> -> vector<1x16xf32>
    %add3A_621 = arith.addf %add3A_612, %dot_general3A_620 : vector<1x16xf32>
    %get3A_622 = arith.constant 2 : index
    %get3A_623 = arith.constant 64 : index
    %get3A_624 = vector.load %arg1[%get3A_622, %get3A_623] : memref<16x65xf32, #tpu.memory_space<vmem>>, vector<1x1xf32>
    %get3A_625 = arith.constant 2 : index
    %get3A_626 = arith.constant 0 : index
    %get3A_627 = vector.load %arg9[%get3A_625, %get3A_626] : memref<16x16xf32, #tpu.memory_space<vmem>>, vector<1x16xf32>
    %mul3A_628 = vector.broadcast %get3A_624 : vector<1x1xf32> to vector<1x16xf32>
    %mul3A_629 = arith.mulf %mul3A_628, %get3A_627 : vector<1x16xf32>
    %add3A_630 = arith.addf %add3A_621, %mul3A_629 : vector<1x16xf32>
    %get3A_631 = arith.constant 3 : index
    %get3A_632 = arith.constant 0 : index
    %get3A_633 = vector.load %arg1[%get3A_631, %get3A_632] : memref<16x65xf32, #tpu.memory_space<vmem>>, vector<1x64xf32>
    %get3A_634 = arith.constant 192 : index
    %get3A_635 = arith.constant 0 : index
    %get3A_636 = vector.load %arg6[%get3A_634, %get3A_635] : memref<1024x16xf32, #tpu.memory_space<vmem>>, vector<64x16xf32>
    %dot_general3A_637 = arith.constant dense<0.000000e+00> : vector<1x16xf32>
    %dot_general3A_638 = tpu.matmul %get3A_633, %get3A_636, %dot_general3A_637 {dimension_numbers = #tpu.dot_dimension_numbers<[1], [0], [0], [1], [0, 0, 1, 1], [], []>, precision = #tpu.contract_precision<fp32>, transpose_lhs_hint = false} : vector<1x64xf32>, vector<64x16xf32>, vector<1x16xf32> -> vector<1x16xf32>
    %add3A_639 = arith.addf %add3A_630, %dot_general3A_638 : vector<1x16xf32>
    %get3A_640 = arith.constant 3 : index
    %get3A_641 = arith.constant 64 : index
    %get3A_642 = vector.load %arg1[%get3A_640, %get3A_641] : memref<16x65xf32, #tpu.memory_space<vmem>>, vector<1x1xf32>
    %get3A_643 = arith.constant 3 : index
    %get3A_644 = arith.constant 0 : index
    %get3A_645 = vector.load %arg9[%get3A_643, %get3A_644] : memref<16x16xf32, #tpu.memory_space<vmem>>, vector<1x16xf32>
    %mul3A_646 = vector.broadcast %get3A_642 : vector<1x1xf32> to vector<1x16xf32>
    %mul3A_647 = arith.mulf %mul3A_646, %get3A_645 : vector<1x16xf32>
    %add3A_648 = arith.addf %add3A_639, %mul3A_647 : vector<1x16xf32>
    %get3A_649 = arith.constant 4 : index
    %get3A_650 = arith.constant 0 : index
    %get3A_651 = vector.load %arg1[%get3A_649, %get3A_650] : memref<16x65xf32, #tpu.memory_space<vmem>>, vector<1x64xf32>
    %get3A_652 = arith.constant 256 : index
    %get3A_653 = arith.constant 0 : index
    %get3A_654 = vector.load %arg6[%get3A_652, %get3A_653] : memref<1024x16xf32, #tpu.memory_space<vmem>>, vector<64x16xf32>
    %dot_general3A_655 = arith.constant dense<0.000000e+00> : vector<1x16xf32>
    %dot_general3A_656 = tpu.matmul %get3A_651, %get3A_654, %dot_general3A_655 {dimension_numbers = #tpu.dot_dimension_numbers<[1], [0], [0], [1], [0, 0, 1, 1], [], []>, precision = #tpu.contract_precision<fp32>, transpose_lhs_hint = false} : vector<1x64xf32>, vector<64x16xf32>, vector<1x16xf32> -> vector<1x16xf32>
    %add3A_657 = arith.addf %add3A_648, %dot_general3A_656 : vector<1x16xf32>
    %get3A_658 = arith.constant 4 : index
    %get3A_659 = arith.constant 64 : index
    %get3A_660 = vector.load %arg1[%get3A_658, %get3A_659] : memref<16x65xf32, #tpu.memory_space<vmem>>, vector<1x1xf32>
    %get3A_661 = arith.constant 4 : index
    %get3A_662 = arith.constant 0 : index
    %get3A_663 = vector.load %arg9[%get3A_661, %get3A_662] : memref<16x16xf32, #tpu.memory_space<vmem>>, vector<1x16xf32>
    %mul3A_664 = vector.broadcast %get3A_660 : vector<1x1xf32> to vector<1x16xf32>
    %mul3A_665 = arith.mulf %mul3A_664, %get3A_663 : vector<1x16xf32>
    %add3A_666 = arith.addf %add3A_657, %mul3A_665 : vector<1x16xf32>
    %get3A_667 = arith.constant 5 : index
    %get3A_668 = arith.constant 0 : index
    %get3A_669 = vector.load %arg1[%get3A_667, %get3A_668] : memref<16x65xf32, #tpu.memory_space<vmem>>, vector<1x64xf32>
    %get3A_670 = arith.constant 320 : index
    %get3A_671 = arith.constant 0 : index
    %get3A_672 = vector.load %arg6[%get3A_670, %get3A_671] : memref<1024x16xf32, #tpu.memory_space<vmem>>, vector<64x16xf32>
    %dot_general3A_673 = arith.constant dense<0.000000e+00> : vector<1x16xf32>
    %dot_general3A_674 = tpu.matmul %get3A_669, %get3A_672, %dot_general3A_673 {dimension_numbers = #tpu.dot_dimension_numbers<[1], [0], [0], [1], [0, 0, 1, 1], [], []>, precision = #tpu.contract_precision<fp32>, transpose_lhs_hint = false} : vector<1x64xf32>, vector<64x16xf32>, vector<1x16xf32> -> vector<1x16xf32>
    %add3A_675 = arith.addf %add3A_666, %dot_general3A_674 : vector<1x16xf32>
    %get3A_676 = arith.constant 5 : index
    %get3A_677 = arith.constant 64 : index
    %get3A_678 = vector.load %arg1[%get3A_676, %get3A_677] : memref<16x65xf32, #tpu.memory_space<vmem>>, vector<1x1xf32>
    %get3A_679 = arith.constant 5 : index
    %get3A_680 = arith.constant 0 : index
    %get3A_681 = vector.load %arg9[%get3A_679, %get3A_680] : memref<16x16xf32, #tpu.memory_space<vmem>>, vector<1x16xf32>
    %mul3A_682 = vector.broadcast %get3A_678 : vector<1x1xf32> to vector<1x16xf32>
    %mul3A_683 = arith.mulf %mul3A_682, %get3A_681 : vector<1x16xf32>
    %add3A_684 = arith.addf %add3A_675, %mul3A_683 : vector<1x16xf32>
    %get3A_685 = arith.constant 6 : index
    %get3A_686 = arith.constant 0 : index
    %get3A_687 = vector.load %arg1[%get3A_685, %get3A_686] : memref<16x65xf32, #tpu.memory_space<vmem>>, vector<1x64xf32>
    %get3A_688 = arith.constant 384 : index
    %get3A_689 = arith.constant 0 : index
    %get3A_690 = vector.load %arg6[%get3A_688, %get3A_689] : memref<1024x16xf32, #tpu.memory_space<vmem>>, vector<64x16xf32>
    %dot_general3A_691 = arith.constant dense<0.000000e+00> : vector<1x16xf32>
    %dot_general3A_692 = tpu.matmul %get3A_687, %get3A_690, %dot_general3A_691 {dimension_numbers = #tpu.dot_dimension_numbers<[1], [0], [0], [1], [0, 0, 1, 1], [], []>, precision = #tpu.contract_precision<fp32>, transpose_lhs_hint = false} : vector<1x64xf32>, vector<64x16xf32>, vector<1x16xf32> -> vector<1x16xf32>
    %add3A_693 = arith.addf %add3A_684, %dot_general3A_692 : vector<1x16xf32>
    %get3A_694 = arith.constant 6 : index
    %get3A_695 = arith.constant 64 : index
    %get3A_696 = vector.load %arg1[%get3A_694, %get3A_695] : memref<16x65xf32, #tpu.memory_space<vmem>>, vector<1x1xf32>
    %get3A_697 = arith.constant 6 : index
    %get3A_698 = arith.constant 0 : index
    %get3A_699 = vector.load %arg9[%get3A_697, %get3A_698] : memref<16x16xf32, #tpu.memory_space<vmem>>, vector<1x16xf32>
    %mul3A_700 = vector.broadcast %get3A_696 : vector<1x1xf32> to vector<1x16xf32>
    %mul3A_701 = arith.mulf %mul3A_700, %get3A_699 : vector<1x16xf32>
    %add3A_702 = arith.addf %add3A_693, %mul3A_701 : vector<1x16xf32>
    %get3A_703 = arith.constant 7 : index
    %get3A_704 = arith.constant 0 : index
    %get3A_705 = vector.load %arg1[%get3A_703, %get3A_704] : memref<16x65xf32, #tpu.memory_space<vmem>>, vector<1x64xf32>
    %get3A_706 = arith.constant 448 : index
    %get3A_707 = arith.constant 0 : index
    %get3A_708 = vector.load %arg6[%get3A_706, %get3A_707] : memref<1024x16xf32, #tpu.memory_space<vmem>>, vector<64x16xf32>
    %dot_general3A_709 = arith.constant dense<0.000000e+00> : vector<1x16xf32>
    %dot_general3A_710 = tpu.matmul %get3A_705, %get3A_708, %dot_general3A_709 {dimension_numbers = #tpu.dot_dimension_numbers<[1], [0], [0], [1], [0, 0, 1, 1], [], []>, precision = #tpu.contract_precision<fp32>, transpose_lhs_hint = false} : vector<1x64xf32>, vector<64x16xf32>, vector<1x16xf32> -> vector<1x16xf32>
    %add3A_711 = arith.addf %add3A_702, %dot_general3A_710 : vector<1x16xf32>
    %get3A_712 = arith.constant 7 : index
    %get3A_713 = arith.constant 64 : index
    %get3A_714 = vector.load %arg1[%get3A_712, %get3A_713] : memref<16x65xf32, #tpu.memory_space<vmem>>, vector<1x1xf32>
    %get3A_715 = arith.constant 7 : index
    %get3A_716 = arith.constant 0 : index
    %get3A_717 = vector.load %arg9[%get3A_715, %get3A_716] : memref<16x16xf32, #tpu.memory_space<vmem>>, vector<1x16xf32>
    %mul3A_718 = vector.broadcast %get3A_714 : vector<1x1xf32> to vector<1x16xf32>
    %mul3A_719 = arith.mulf %mul3A_718, %get3A_717 : vector<1x16xf32>
    %add3A_720 = arith.addf %add3A_711, %mul3A_719 : vector<1x16xf32>
    %get3A_721 = arith.constant 8 : index
    %get3A_722 = arith.constant 0 : index
    %get3A_723 = vector.load %arg1[%get3A_721, %get3A_722] : memref<16x65xf32, #tpu.memory_space<vmem>>, vector<1x64xf32>
    %get3A_724 = arith.constant 512 : index
    %get3A_725 = arith.constant 0 : index
    %get3A_726 = vector.load %arg6[%get3A_724, %get3A_725] : memref<1024x16xf32, #tpu.memory_space<vmem>>, vector<64x16xf32>
    %dot_general3A_727 = arith.constant dense<0.000000e+00> : vector<1x16xf32>
    %dot_general3A_728 = tpu.matmul %get3A_723, %get3A_726, %dot_general3A_727 {dimension_numbers = #tpu.dot_dimension_numbers<[1], [0], [0], [1], [0, 0, 1, 1], [], []>, precision = #tpu.contract_precision<fp32>, transpose_lhs_hint = false} : vector<1x64xf32>, vector<64x16xf32>, vector<1x16xf32> -> vector<1x16xf32>
    %add3A_729 = arith.addf %add3A_720, %dot_general3A_728 : vector<1x16xf32>
    %get3A_730 = arith.constant 8 : index
    %get3A_731 = arith.constant 64 : index
    %get3A_732 = vector.load %arg1[%get3A_730, %get3A_731] : memref<16x65xf32, #tpu.memory_space<vmem>>, vector<1x1xf32>
    %get3A_733 = arith.constant 8 : index
    %get3A_734 = arith.constant 0 : index
    %get3A_735 = vector.load %arg9[%get3A_733, %get3A_734] : memref<16x16xf32, #tpu.memory_space<vmem>>, vector<1x16xf32>
    %mul3A_736 = vector.broadcast %get3A_732 : vector<1x1xf32> to vector<1x16xf32>
    %mul3A_737 = arith.mulf %mul3A_736, %get3A_735 : vector<1x16xf32>
    %add3A_738 = arith.addf %add3A_729, %mul3A_737 : vector<1x16xf32>
    %get3A_739 = arith.constant 9 : index
    %get3A_740 = arith.constant 0 : index
    %get3A_741 = vector.load %arg1[%get3A_739, %get3A_740] : memref<16x65xf32, #tpu.memory_space<vmem>>, vector<1x64xf32>
    %get3A_742 = arith.constant 576 : index
    %get3A_743 = arith.constant 0 : index
    %get3A_744 = vector.load %arg6[%get3A_742, %get3A_743] : memref<1024x16xf32, #tpu.memory_space<vmem>>, vector<64x16xf32>
    %dot_general3A_745 = arith.constant dense<0.000000e+00> : vector<1x16xf32>
    %dot_general3A_746 = tpu.matmul %get3A_741, %get3A_744, %dot_general3A_745 {dimension_numbers = #tpu.dot_dimension_numbers<[1], [0], [0], [1], [0, 0, 1, 1], [], []>, precision = #tpu.contract_precision<fp32>, transpose_lhs_hint = false} : vector<1x64xf32>, vector<64x16xf32>, vector<1x16xf32> -> vector<1x16xf32>
    %add3A_747 = arith.addf %add3A_738, %dot_general3A_746 : vector<1x16xf32>
    %get3A_748 = arith.constant 9 : index
    %get3A_749 = arith.constant 64 : index
    %get3A_750 = vector.load %arg1[%get3A_748, %get3A_749] : memref<16x65xf32, #tpu.memory_space<vmem>>, vector<1x1xf32>
    %get3A_751 = arith.constant 9 : index
    %get3A_752 = arith.constant 0 : index
    %get3A_753 = vector.load %arg9[%get3A_751, %get3A_752] : memref<16x16xf32, #tpu.memory_space<vmem>>, vector<1x16xf32>
    %mul3A_754 = vector.broadcast %get3A_750 : vector<1x1xf32> to vector<1x16xf32>
    %mul3A_755 = arith.mulf %mul3A_754, %get3A_753 : vector<1x16xf32>
    %add3A_756 = arith.addf %add3A_747, %mul3A_755 : vector<1x16xf32>
    %get3A_757 = arith.constant 10 : index
    %get3A_758 = arith.constant 0 : index
    %get3A_759 = vector.load %arg1[%get3A_757, %get3A_758] : memref<16x65xf32, #tpu.memory_space<vmem>>, vector<1x64xf32>
    %get3A_760 = arith.constant 640 : index
    %get3A_761 = arith.constant 0 : index
    %get3A_762 = vector.load %arg6[%get3A_760, %get3A_761] : memref<1024x16xf32, #tpu.memory_space<vmem>>, vector<64x16xf32>
    %dot_general3A_763 = arith.constant dense<0.000000e+00> : vector<1x16xf32>
    %dot_general3A_764 = tpu.matmul %get3A_759, %get3A_762, %dot_general3A_763 {dimension_numbers = #tpu.dot_dimension_numbers<[1], [0], [0], [1], [0, 0, 1, 1], [], []>, precision = #tpu.contract_precision<fp32>, transpose_lhs_hint = false} : vector<1x64xf32>, vector<64x16xf32>, vector<1x16xf32> -> vector<1x16xf32>
    %add3A_765 = arith.addf %add3A_756, %dot_general3A_764 : vector<1x16xf32>
    %get3A_766 = arith.constant 10 : index
    %get3A_767 = arith.constant 64 : index
    %get3A_768 = vector.load %arg1[%get3A_766, %get3A_767] : memref<16x65xf32, #tpu.memory_space<vmem>>, vector<1x1xf32>
    %get3A_769 = arith.constant 10 : index
    %get3A_770 = arith.constant 0 : index
    %get3A_771 = vector.load %arg9[%get3A_769, %get3A_770] : memref<16x16xf32, #tpu.memory_space<vmem>>, vector<1x16xf32>
    %mul3A_772 = vector.broadcast %get3A_768 : vector<1x1xf32> to vector<1x16xf32>
    %mul3A_773 = arith.mulf %mul3A_772, %get3A_771 : vector<1x16xf32>
    %add3A_774 = arith.addf %add3A_765, %mul3A_773 : vector<1x16xf32>
    %get3A_775 = arith.constant 11 : index
    %get3A_776 = arith.constant 0 : index
    %get3A_777 = vector.load %arg1[%get3A_775, %get3A_776] : memref<16x65xf32, #tpu.memory_space<vmem>>, vector<1x64xf32>
    %get3A_778 = arith.constant 704 : index
    %get3A_779 = arith.constant 0 : index
    %get3A_780 = vector.load %arg6[%get3A_778, %get3A_779] : memref<1024x16xf32, #tpu.memory_space<vmem>>, vector<64x16xf32>
    %dot_general3A_781 = arith.constant dense<0.000000e+00> : vector<1x16xf32>
    %dot_general3A_782 = tpu.matmul %get3A_777, %get3A_780, %dot_general3A_781 {dimension_numbers = #tpu.dot_dimension_numbers<[1], [0], [0], [1], [0, 0, 1, 1], [], []>, precision = #tpu.contract_precision<fp32>, transpose_lhs_hint = false} : vector<1x64xf32>, vector<64x16xf32>, vector<1x16xf32> -> vector<1x16xf32>
    %add3A_783 = arith.addf %add3A_774, %dot_general3A_782 : vector<1x16xf32>
    %get3A_784 = arith.constant 11 : index
    %get3A_785 = arith.constant 64 : index
    %get3A_786 = vector.load %arg1[%get3A_784, %get3A_785] : memref<16x65xf32, #tpu.memory_space<vmem>>, vector<1x1xf32>
    %get3A_787 = arith.constant 11 : index
    %get3A_788 = arith.constant 0 : index
    %get3A_789 = vector.load %arg9[%get3A_787, %get3A_788] : memref<16x16xf32, #tpu.memory_space<vmem>>, vector<1x16xf32>
    %mul3A_790 = vector.broadcast %get3A_786 : vector<1x1xf32> to vector<1x16xf32>
    %mul3A_791 = arith.mulf %mul3A_790, %get3A_789 : vector<1x16xf32>
    %add3A_792 = arith.addf %add3A_783, %mul3A_791 : vector<1x16xf32>
    %get3A_793 = arith.constant 12 : index
    %get3A_794 = arith.constant 0 : index
    %get3A_795 = vector.load %arg1[%get3A_793, %get3A_794] : memref<16x65xf32, #tpu.memory_space<vmem>>, vector<1x64xf32>
    %get3A_796 = arith.constant 768 : index
    %get3A_797 = arith.constant 0 : index
    %get3A_798 = vector.load %arg6[%get3A_796, %get3A_797] : memref<1024x16xf32, #tpu.memory_space<vmem>>, vector<64x16xf32>
    %dot_general3A_799 = arith.constant dense<0.000000e+00> : vector<1x16xf32>
    %dot_general3A_800 = tpu.matmul %get3A_795, %get3A_798, %dot_general3A_799 {dimension_numbers = #tpu.dot_dimension_numbers<[1], [0], [0], [1], [0, 0, 1, 1], [], []>, precision = #tpu.contract_precision<fp32>, transpose_lhs_hint = false} : vector<1x64xf32>, vector<64x16xf32>, vector<1x16xf32> -> vector<1x16xf32>
    %add3A_801 = arith.addf %add3A_792, %dot_general3A_800 : vector<1x16xf32>
    %get3A_802 = arith.constant 12 : index
    %get3A_803 = arith.constant 64 : index
    %get3A_804 = vector.load %arg1[%get3A_802, %get3A_803] : memref<16x65xf32, #tpu.memory_space<vmem>>, vector<1x1xf32>
    %get3A_805 = arith.constant 12 : index
    %get3A_806 = arith.constant 0 : index
    %get3A_807 = vector.load %arg9[%get3A_805, %get3A_806] : memref<16x16xf32, #tpu.memory_space<vmem>>, vector<1x16xf32>
    %mul3A_808 = vector.broadcast %get3A_804 : vector<1x1xf32> to vector<1x16xf32>
    %mul3A_809 = arith.mulf %mul3A_808, %get3A_807 : vector<1x16xf32>
    %add3A_810 = arith.addf %add3A_801, %mul3A_809 : vector<1x16xf32>
    %get3A_811 = arith.constant 13 : index
    %get3A_812 = arith.constant 0 : index
    %get3A_813 = vector.load %arg1[%get3A_811, %get3A_812] : memref<16x65xf32, #tpu.memory_space<vmem>>, vector<1x64xf32>
    %get3A_814 = arith.constant 832 : index
    %get3A_815 = arith.constant 0 : index
    %get3A_816 = vector.load %arg6[%get3A_814, %get3A_815] : memref<1024x16xf32, #tpu.memory_space<vmem>>, vector<64x16xf32>
    %dot_general3A_817 = arith.constant dense<0.000000e+00> : vector<1x16xf32>
    %dot_general3A_818 = tpu.matmul %get3A_813, %get3A_816, %dot_general3A_817 {dimension_numbers = #tpu.dot_dimension_numbers<[1], [0], [0], [1], [0, 0, 1, 1], [], []>, precision = #tpu.contract_precision<fp32>, transpose_lhs_hint = false} : vector<1x64xf32>, vector<64x16xf32>, vector<1x16xf32> -> vector<1x16xf32>
    %add3A_819 = arith.addf %add3A_810, %dot_general3A_818 : vector<1x16xf32>
    %get3A_820 = arith.constant 13 : index
    %get3A_821 = arith.constant 64 : index
    %get3A_822 = vector.load %arg1[%get3A_820, %get3A_821] : memref<16x65xf32, #tpu.memory_space<vmem>>, vector<1x1xf32>
    %get3A_823 = arith.constant 13 : index
    %get3A_824 = arith.constant 0 : index
    %get3A_825 = vector.load %arg9[%get3A_823, %get3A_824] : memref<16x16xf32, #tpu.memory_space<vmem>>, vector<1x16xf32>
    %mul3A_826 = vector.broadcast %get3A_822 : vector<1x1xf32> to vector<1x16xf32>
    %mul3A_827 = arith.mulf %mul3A_826, %get3A_825 : vector<1x16xf32>
    %add3A_828 = arith.addf %add3A_819, %mul3A_827 : vector<1x16xf32>
    %get3A_829 = arith.constant 14 : index
    %get3A_830 = arith.constant 0 : index
    %get3A_831 = vector.load %arg1[%get3A_829, %get3A_830] : memref<16x65xf32, #tpu.memory_space<vmem>>, vector<1x64xf32>
    %get3A_832 = arith.constant 896 : index
    %get3A_833 = arith.constant 0 : index
    %get3A_834 = vector.load %arg6[%get3A_832, %get3A_833] : memref<1024x16xf32, #tpu.memory_space<vmem>>, vector<64x16xf32>
    %dot_general3A_835 = arith.constant dense<0.000000e+00> : vector<1x16xf32>
    %dot_general3A_836 = tpu.matmul %get3A_831, %get3A_834, %dot_general3A_835 {dimension_numbers = #tpu.dot_dimension_numbers<[1], [0], [0], [1], [0, 0, 1, 1], [], []>, precision = #tpu.contract_precision<fp32>, transpose_lhs_hint = false} : vector<1x64xf32>, vector<64x16xf32>, vector<1x16xf32> -> vector<1x16xf32>
    %add3A_837 = arith.addf %add3A_828, %dot_general3A_836 : vector<1x16xf32>
    %get3A_838 = arith.constant 14 : index
    %get3A_839 = arith.constant 64 : index
    %get3A_840 = vector.load %arg1[%get3A_838, %get3A_839] : memref<16x65xf32, #tpu.memory_space<vmem>>, vector<1x1xf32>
    %get3A_841 = arith.constant 14 : index
    %get3A_842 = arith.constant 0 : index
    %get3A_843 = vector.load %arg9[%get3A_841, %get3A_842] : memref<16x16xf32, #tpu.memory_space<vmem>>, vector<1x16xf32>
    %mul3A_844 = vector.broadcast %get3A_840 : vector<1x1xf32> to vector<1x16xf32>
    %mul3A_845 = arith.mulf %mul3A_844, %get3A_843 : vector<1x16xf32>
    %add3A_846 = arith.addf %add3A_837, %mul3A_845 : vector<1x16xf32>
    %get3A_847 = arith.constant 15 : index
    %get3A_848 = arith.constant 0 : index
    %get3A_849 = vector.load %arg1[%get3A_847, %get3A_848] : memref<16x65xf32, #tpu.memory_space<vmem>>, vector<1x64xf32>
    %get3A_850 = arith.constant 960 : index
    %get3A_851 = arith.constant 0 : index
    %get3A_852 = vector.load %arg6[%get3A_850, %get3A_851] : memref<1024x16xf32, #tpu.memory_space<vmem>>, vector<64x16xf32>
    %dot_general3A_853 = arith.constant dense<0.000000e+00> : vector<1x16xf32>
    %dot_general3A_854 = tpu.matmul %get3A_849, %get3A_852, %dot_general3A_853 {dimension_numbers = #tpu.dot_dimension_numbers<[1], [0], [0], [1], [0, 0, 1, 1], [], []>, precision = #tpu.contract_precision<fp32>, transpose_lhs_hint = false} : vector<1x64xf32>, vector<64x16xf32>, vector<1x16xf32> -> vector<1x16xf32>
    %add3A_855 = arith.addf %add3A_846, %dot_general3A_854 : vector<1x16xf32>
    %get3A_856 = arith.constant 15 : index
    %get3A_857 = arith.constant 64 : index
    %get3A_858 = vector.load %arg1[%get3A_856, %get3A_857] : memref<16x65xf32, #tpu.memory_space<vmem>>, vector<1x1xf32>
    %get3A_859 = arith.constant 15 : index
    %get3A_860 = arith.constant 0 : index
    %get3A_861 = vector.load %arg9[%get3A_859, %get3A_860] : memref<16x16xf32, #tpu.memory_space<vmem>>, vector<1x16xf32>
    %mul3A_862 = vector.broadcast %get3A_858 : vector<1x1xf32> to vector<1x16xf32>
    %mul3A_863 = arith.mulf %mul3A_862, %get3A_861 : vector<1x16xf32>
    %add3A_864 = arith.addf %add3A_855, %mul3A_863 : vector<1x16xf32>
    %div3A_865 = arith.constant 5.000000e+04 : f32
    %div3A_866 = vector.broadcast %div3A_865 : f32 to vector<1x16xf32>
    %div3A_867 = arith.divf %add3A_864, %div3A_866 : vector<1x16xf32>
    %broadcast_in_dim3A_868 = arith.constant 0.000000e+00 : f32
    %broadcast_in_dim3A_869 = vector.broadcast %broadcast_in_dim3A_868 : f32 to vector<1x32xf32>
    %get3A_870 = arith.constant 0 : index
    %get3A_871 = arith.constant 0 : index
    %get3A_872 = vector.load %arg2[%get3A_870, %get3A_871] : memref<16x65xf32, #tpu.memory_space<vmem>>, vector<1x64xf32>
    %get3A_873 = arith.constant 0 : index
    %get3A_874 = arith.constant 0 : index
    %get3A_875 = vector.load %arg7[%get3A_873, %get3A_874] : memref<1024x32xf32, #tpu.memory_space<vmem>>, vector<64x32xf32>
    %dot_general3A_876 = arith.constant dense<0.000000e+00> : vector<1x32xf32>
    %dot_general3A_877 = tpu.matmul %get3A_872, %get3A_875, %dot_general3A_876 {dimension_numbers = #tpu.dot_dimension_numbers<[1], [0], [0], [1], [0, 0, 1, 1], [], []>, precision = #tpu.contract_precision<fp32>, transpose_lhs_hint = false} : vector<1x64xf32>, vector<64x32xf32>, vector<1x32xf32> -> vector<1x32xf32>
    %add3A_878 = arith.addf %broadcast_in_dim3A_869, %dot_general3A_877 : vector<1x32xf32>
    %get3A_879 = arith.constant 0 : index
    %get3A_880 = arith.constant 64 : index
    %get3A_881 = vector.load %arg2[%get3A_879, %get3A_880] : memref<16x65xf32, #tpu.memory_space<vmem>>, vector<1x1xf32>
    %get3A_882 = arith.constant 0 : index
    %get3A_883 = arith.constant 0 : index
    %get3A_884 = vector.load %arg10[%get3A_882, %get3A_883] : memref<16x32xf32, #tpu.memory_space<vmem>>, vector<1x32xf32>
    %mul3A_885 = vector.broadcast %get3A_881 : vector<1x1xf32> to vector<1x32xf32>
    %mul3A_886 = arith.mulf %mul3A_885, %get3A_884 : vector<1x32xf32>
    %add3A_887 = arith.addf %add3A_878, %mul3A_886 : vector<1x32xf32>
    %get3A_888 = arith.constant 1 : index
    %get3A_889 = arith.constant 0 : index
    %get3A_890 = vector.load %arg2[%get3A_888, %get3A_889] : memref<16x65xf32, #tpu.memory_space<vmem>>, vector<1x64xf32>
    %get3A_891 = arith.constant 64 : index
    %get3A_892 = arith.constant 0 : index
    %get3A_893 = vector.load %arg7[%get3A_891, %get3A_892] : memref<1024x32xf32, #tpu.memory_space<vmem>>, vector<64x32xf32>
    %dot_general3A_894 = arith.constant dense<0.000000e+00> : vector<1x32xf32>
    %dot_general3A_895 = tpu.matmul %get3A_890, %get3A_893, %dot_general3A_894 {dimension_numbers = #tpu.dot_dimension_numbers<[1], [0], [0], [1], [0, 0, 1, 1], [], []>, precision = #tpu.contract_precision<fp32>, transpose_lhs_hint = false} : vector<1x64xf32>, vector<64x32xf32>, vector<1x32xf32> -> vector<1x32xf32>
    %add3A_896 = arith.addf %add3A_887, %dot_general3A_895 : vector<1x32xf32>
    %get3A_897 = arith.constant 1 : index
    %get3A_898 = arith.constant 64 : index
    %get3A_899 = vector.load %arg2[%get3A_897, %get3A_898] : memref<16x65xf32, #tpu.memory_space<vmem>>, vector<1x1xf32>
    %get3A_900 = arith.constant 1 : index
    %get3A_901 = arith.constant 0 : index
    %get3A_902 = vector.load %arg10[%get3A_900, %get3A_901] : memref<16x32xf32, #tpu.memory_space<vmem>>, vector<1x32xf32>
    %mul3A_903 = vector.broadcast %get3A_899 : vector<1x1xf32> to vector<1x32xf32>
    %mul3A_904 = arith.mulf %mul3A_903, %get3A_902 : vector<1x32xf32>
    %add3A_905 = arith.addf %add3A_896, %mul3A_904 : vector<1x32xf32>
    %get3A_906 = arith.constant 2 : index
    %get3A_907 = arith.constant 0 : index
    %get3A_908 = vector.load %arg2[%get3A_906, %get3A_907] : memref<16x65xf32, #tpu.memory_space<vmem>>, vector<1x64xf32>
    %get3A_909 = arith.constant 128 : index
    %get3A_910 = arith.constant 0 : index
    %get3A_911 = vector.load %arg7[%get3A_909, %get3A_910] : memref<1024x32xf32, #tpu.memory_space<vmem>>, vector<64x32xf32>
    %dot_general3A_912 = arith.constant dense<0.000000e+00> : vector<1x32xf32>
    %dot_general3A_913 = tpu.matmul %get3A_908, %get3A_911, %dot_general3A_912 {dimension_numbers = #tpu.dot_dimension_numbers<[1], [0], [0], [1], [0, 0, 1, 1], [], []>, precision = #tpu.contract_precision<fp32>, transpose_lhs_hint = false} : vector<1x64xf32>, vector<64x32xf32>, vector<1x32xf32> -> vector<1x32xf32>
    %add3A_914 = arith.addf %add3A_905, %dot_general3A_913 : vector<1x32xf32>
    %get3A_915 = arith.constant 2 : index
    %get3A_916 = arith.constant 64 : index
    %get3A_917 = vector.load %arg2[%get3A_915, %get3A_916] : memref<16x65xf32, #tpu.memory_space<vmem>>, vector<1x1xf32>
    %get3A_918 = arith.constant 2 : index
    %get3A_919 = arith.constant 0 : index
    %get3A_920 = vector.load %arg10[%get3A_918, %get3A_919] : memref<16x32xf32, #tpu.memory_space<vmem>>, vector<1x32xf32>
    %mul3A_921 = vector.broadcast %get3A_917 : vector<1x1xf32> to vector<1x32xf32>
    %mul3A_922 = arith.mulf %mul3A_921, %get3A_920 : vector<1x32xf32>
    %add3A_923 = arith.addf %add3A_914, %mul3A_922 : vector<1x32xf32>
    %get3A_924 = arith.constant 3 : index
    %get3A_925 = arith.constant 0 : index
    %get3A_926 = vector.load %arg2[%get3A_924, %get3A_925] : memref<16x65xf32, #tpu.memory_space<vmem>>, vector<1x64xf32>
    %get3A_927 = arith.constant 192 : index
    %get3A_928 = arith.constant 0 : index
    %get3A_929 = vector.load %arg7[%get3A_927, %get3A_928] : memref<1024x32xf32, #tpu.memory_space<vmem>>, vector<64x32xf32>
    %dot_general3A_930 = arith.constant dense<0.000000e+00> : vector<1x32xf32>
    %dot_general3A_931 = tpu.matmul %get3A_926, %get3A_929, %dot_general3A_930 {dimension_numbers = #tpu.dot_dimension_numbers<[1], [0], [0], [1], [0, 0, 1, 1], [], []>, precision = #tpu.contract_precision<fp32>, transpose_lhs_hint = false} : vector<1x64xf32>, vector<64x32xf32>, vector<1x32xf32> -> vector<1x32xf32>
    %add3A_932 = arith.addf %add3A_923, %dot_general3A_931 : vector<1x32xf32>
    %get3A_933 = arith.constant 3 : index
    %get3A_934 = arith.constant 64 : index
    %get3A_935 = vector.load %arg2[%get3A_933, %get3A_934] : memref<16x65xf32, #tpu.memory_space<vmem>>, vector<1x1xf32>
    %get3A_936 = arith.constant 3 : index
    %get3A_937 = arith.constant 0 : index
    %get3A_938 = vector.load %arg10[%get3A_936, %get3A_937] : memref<16x32xf32, #tpu.memory_space<vmem>>, vector<1x32xf32>
    %mul3A_939 = vector.broadcast %get3A_935 : vector<1x1xf32> to vector<1x32xf32>
    %mul3A_940 = arith.mulf %mul3A_939, %get3A_938 : vector<1x32xf32>
    %add3A_941 = arith.addf %add3A_932, %mul3A_940 : vector<1x32xf32>
    %get3A_942 = arith.constant 4 : index
    %get3A_943 = arith.constant 0 : index
    %get3A_944 = vector.load %arg2[%get3A_942, %get3A_943] : memref<16x65xf32, #tpu.memory_space<vmem>>, vector<1x64xf32>
    %get3A_945 = arith.constant 256 : index
    %get3A_946 = arith.constant 0 : index
    %get3A_947 = vector.load %arg7[%get3A_945, %get3A_946] : memref<1024x32xf32, #tpu.memory_space<vmem>>, vector<64x32xf32>
    %dot_general3A_948 = arith.constant dense<0.000000e+00> : vector<1x32xf32>
    %dot_general3A_949 = tpu.matmul %get3A_944, %get3A_947, %dot_general3A_948 {dimension_numbers = #tpu.dot_dimension_numbers<[1], [0], [0], [1], [0, 0, 1, 1], [], []>, precision = #tpu.contract_precision<fp32>, transpose_lhs_hint = false} : vector<1x64xf32>, vector<64x32xf32>, vector<1x32xf32> -> vector<1x32xf32>
    %add3A_950 = arith.addf %add3A_941, %dot_general3A_949 : vector<1x32xf32>
    %get3A_951 = arith.constant 4 : index
    %get3A_952 = arith.constant 64 : index
    %get3A_953 = vector.load %arg2[%get3A_951, %get3A_952] : memref<16x65xf32, #tpu.memory_space<vmem>>, vector<1x1xf32>
    %get3A_954 = arith.constant 4 : index
    %get3A_955 = arith.constant 0 : index
    %get3A_956 = vector.load %arg10[%get3A_954, %get3A_955] : memref<16x32xf32, #tpu.memory_space<vmem>>, vector<1x32xf32>
    %mul3A_957 = vector.broadcast %get3A_953 : vector<1x1xf32> to vector<1x32xf32>
    %mul3A_958 = arith.mulf %mul3A_957, %get3A_956 : vector<1x32xf32>
    %add3A_959 = arith.addf %add3A_950, %mul3A_958 : vector<1x32xf32>
    %get3A_960 = arith.constant 5 : index
    %get3A_961 = arith.constant 0 : index
    %get3A_962 = vector.load %arg2[%get3A_960, %get3A_961] : memref<16x65xf32, #tpu.memory_space<vmem>>, vector<1x64xf32>
    %get3A_963 = arith.constant 320 : index
    %get3A_964 = arith.constant 0 : index
    %get3A_965 = vector.load %arg7[%get3A_963, %get3A_964] : memref<1024x32xf32, #tpu.memory_space<vmem>>, vector<64x32xf32>
    %dot_general3A_966 = arith.constant dense<0.000000e+00> : vector<1x32xf32>
    %dot_general3A_967 = tpu.matmul %get3A_962, %get3A_965, %dot_general3A_966 {dimension_numbers = #tpu.dot_dimension_numbers<[1], [0], [0], [1], [0, 0, 1, 1], [], []>, precision = #tpu.contract_precision<fp32>, transpose_lhs_hint = false} : vector<1x64xf32>, vector<64x32xf32>, vector<1x32xf32> -> vector<1x32xf32>
    %add3A_968 = arith.addf %add3A_959, %dot_general3A_967 : vector<1x32xf32>
    %get3A_969 = arith.constant 5 : index
    %get3A_970 = arith.constant 64 : index
    %get3A_971 = vector.load %arg2[%get3A_969, %get3A_970] : memref<16x65xf32, #tpu.memory_space<vmem>>, vector<1x1xf32>
    %get3A_972 = arith.constant 5 : index
    %get3A_973 = arith.constant 0 : index
    %get3A_974 = vector.load %arg10[%get3A_972, %get3A_973] : memref<16x32xf32, #tpu.memory_space<vmem>>, vector<1x32xf32>
    %mul3A_975 = vector.broadcast %get3A_971 : vector<1x1xf32> to vector<1x32xf32>
    %mul3A_976 = arith.mulf %mul3A_975, %get3A_974 : vector<1x32xf32>
    %add3A_977 = arith.addf %add3A_968, %mul3A_976 : vector<1x32xf32>
    %get3A_978 = arith.constant 6 : index
    %get3A_979 = arith.constant 0 : index
    %get3A_980 = vector.load %arg2[%get3A_978, %get3A_979] : memref<16x65xf32, #tpu.memory_space<vmem>>, vector<1x64xf32>
    %get3A_981 = arith.constant 384 : index
    %get3A_982 = arith.constant 0 : index
    %get3A_983 = vector.load %arg7[%get3A_981, %get3A_982] : memref<1024x32xf32, #tpu.memory_space<vmem>>, vector<64x32xf32>
    %dot_general3A_984 = arith.constant dense<0.000000e+00> : vector<1x32xf32>
    %dot_general3A_985 = tpu.matmul %get3A_980, %get3A_983, %dot_general3A_984 {dimension_numbers = #tpu.dot_dimension_numbers<[1], [0], [0], [1], [0, 0, 1, 1], [], []>, precision = #tpu.contract_precision<fp32>, transpose_lhs_hint = false} : vector<1x64xf32>, vector<64x32xf32>, vector<1x32xf32> -> vector<1x32xf32>
    %add3A_986 = arith.addf %add3A_977, %dot_general3A_985 : vector<1x32xf32>
    %get3A_987 = arith.constant 6 : index
    %get3A_988 = arith.constant 64 : index
    %get3A_989 = vector.load %arg2[%get3A_987, %get3A_988] : memref<16x65xf32, #tpu.memory_space<vmem>>, vector<1x1xf32>
    %get3A_990 = arith.constant 6 : index
    %get3A_991 = arith.constant 0 : index
    %get3A_992 = vector.load %arg10[%get3A_990, %get3A_991] : memref<16x32xf32, #tpu.memory_space<vmem>>, vector<1x32xf32>
    %mul3A_993 = vector.broadcast %get3A_989 : vector<1x1xf32> to vector<1x32xf32>
    %mul3A_994 = arith.mulf %mul3A_993, %get3A_992 : vector<1x32xf32>
    %add3A_995 = arith.addf %add3A_986, %mul3A_994 : vector<1x32xf32>
    %get3A_996 = arith.constant 7 : index
    %get3A_997 = arith.constant 0 : index
    %get3A_998 = vector.load %arg2[%get3A_996, %get3A_997] : memref<16x65xf32, #tpu.memory_space<vmem>>, vector<1x64xf32>
    %get3A_999 = arith.constant 448 : index
    %get3A_1000 = arith.constant 0 : index
    %get3A_1001 = vector.load %arg7[%get3A_999, %get3A_1000] : memref<1024x32xf32, #tpu.memory_space<vmem>>, vector<64x32xf32>
    %dot_general3A_1002 = arith.constant dense<0.000000e+00> : vector<1x32xf32>
    %dot_general3A_1003 = tpu.matmul %get3A_998, %get3A_1001, %dot_general3A_1002 {dimension_numbers = #tpu.dot_dimension_numbers<[1], [0], [0], [1], [0, 0, 1, 1], [], []>, precision = #tpu.contract_precision<fp32>, transpose_lhs_hint = false} : vector<1x64xf32>, vector<64x32xf32>, vector<1x32xf32> -> vector<1x32xf32>
    %add3A_1004 = arith.addf %add3A_995, %dot_general3A_1003 : vector<1x32xf32>
    %get3A_1005 = arith.constant 7 : index
    %get3A_1006 = arith.constant 64 : index
    %get3A_1007 = vector.load %arg2[%get3A_1005, %get3A_1006] : memref<16x65xf32, #tpu.memory_space<vmem>>, vector<1x1xf32>
    %get3A_1008 = arith.constant 7 : index
    %get3A_1009 = arith.constant 0 : index
    %get3A_1010 = vector.load %arg10[%get3A_1008, %get3A_1009] : memref<16x32xf32, #tpu.memory_space<vmem>>, vector<1x32xf32>
    %mul3A_1011 = vector.broadcast %get3A_1007 : vector<1x1xf32> to vector<1x32xf32>
    %mul3A_1012 = arith.mulf %mul3A_1011, %get3A_1010 : vector<1x32xf32>
    %add3A_1013 = arith.addf %add3A_1004, %mul3A_1012 : vector<1x32xf32>
    %get3A_1014 = arith.constant 8 : index
    %get3A_1015 = arith.constant 0 : index
    %get3A_1016 = vector.load %arg2[%get3A_1014, %get3A_1015] : memref<16x65xf32, #tpu.memory_space<vmem>>, vector<1x64xf32>
    %get3A_1017 = arith.constant 512 : index
    %get3A_1018 = arith.constant 0 : index
    %get3A_1019 = vector.load %arg7[%get3A_1017, %get3A_1018] : memref<1024x32xf32, #tpu.memory_space<vmem>>, vector<64x32xf32>
    %dot_general3A_1020 = arith.constant dense<0.000000e+00> : vector<1x32xf32>
    %dot_general3A_1021 = tpu.matmul %get3A_1016, %get3A_1019, %dot_general3A_1020 {dimension_numbers = #tpu.dot_dimension_numbers<[1], [0], [0], [1], [0, 0, 1, 1], [], []>, precision = #tpu.contract_precision<fp32>, transpose_lhs_hint = false} : vector<1x64xf32>, vector<64x32xf32>, vector<1x32xf32> -> vector<1x32xf32>
    %add3A_1022 = arith.addf %add3A_1013, %dot_general3A_1021 : vector<1x32xf32>
    %get3A_1023 = arith.constant 8 : index
    %get3A_1024 = arith.constant 64 : index
    %get3A_1025 = vector.load %arg2[%get3A_1023, %get3A_1024] : memref<16x65xf32, #tpu.memory_space<vmem>>, vector<1x1xf32>
    %get3A_1026 = arith.constant 8 : index
    %get3A_1027 = arith.constant 0 : index
    %get3A_1028 = vector.load %arg10[%get3A_1026, %get3A_1027] : memref<16x32xf32, #tpu.memory_space<vmem>>, vector<1x32xf32>
    %mul3A_1029 = vector.broadcast %get3A_1025 : vector<1x1xf32> to vector<1x32xf32>
    %mul3A_1030 = arith.mulf %mul3A_1029, %get3A_1028 : vector<1x32xf32>
    %add3A_1031 = arith.addf %add3A_1022, %mul3A_1030 : vector<1x32xf32>
    %get3A_1032 = arith.constant 9 : index
    %get3A_1033 = arith.constant 0 : index
    %get3A_1034 = vector.load %arg2[%get3A_1032, %get3A_1033] : memref<16x65xf32, #tpu.memory_space<vmem>>, vector<1x64xf32>
    %get3A_1035 = arith.constant 576 : index
    %get3A_1036 = arith.constant 0 : index
    %get3A_1037 = vector.load %arg7[%get3A_1035, %get3A_1036] : memref<1024x32xf32, #tpu.memory_space<vmem>>, vector<64x32xf32>
    %dot_general3A_1038 = arith.constant dense<0.000000e+00> : vector<1x32xf32>
    %dot_general3A_1039 = tpu.matmul %get3A_1034, %get3A_1037, %dot_general3A_1038 {dimension_numbers = #tpu.dot_dimension_numbers<[1], [0], [0], [1], [0, 0, 1, 1], [], []>, precision = #tpu.contract_precision<fp32>, transpose_lhs_hint = false} : vector<1x64xf32>, vector<64x32xf32>, vector<1x32xf32> -> vector<1x32xf32>
    %add3A_1040 = arith.addf %add3A_1031, %dot_general3A_1039 : vector<1x32xf32>
    %get3A_1041 = arith.constant 9 : index
    %get3A_1042 = arith.constant 64 : index
    %get3A_1043 = vector.load %arg2[%get3A_1041, %get3A_1042] : memref<16x65xf32, #tpu.memory_space<vmem>>, vector<1x1xf32>
    %get3A_1044 = arith.constant 9 : index
    %get3A_1045 = arith.constant 0 : index
    %get3A_1046 = vector.load %arg10[%get3A_1044, %get3A_1045] : memref<16x32xf32, #tpu.memory_space<vmem>>, vector<1x32xf32>
    %mul3A_1047 = vector.broadcast %get3A_1043 : vector<1x1xf32> to vector<1x32xf32>
    %mul3A_1048 = arith.mulf %mul3A_1047, %get3A_1046 : vector<1x32xf32>
    %add3A_1049 = arith.addf %add3A_1040, %mul3A_1048 : vector<1x32xf32>
    %get3A_1050 = arith.constant 10 : index
    %get3A_1051 = arith.constant 0 : index
    %get3A_1052 = vector.load %arg2[%get3A_1050, %get3A_1051] : memref<16x65xf32, #tpu.memory_space<vmem>>, vector<1x64xf32>
    %get3A_1053 = arith.constant 640 : index
    %get3A_1054 = arith.constant 0 : index
    %get3A_1055 = vector.load %arg7[%get3A_1053, %get3A_1054] : memref<1024x32xf32, #tpu.memory_space<vmem>>, vector<64x32xf32>
    %dot_general3A_1056 = arith.constant dense<0.000000e+00> : vector<1x32xf32>
    %dot_general3A_1057 = tpu.matmul %get3A_1052, %get3A_1055, %dot_general3A_1056 {dimension_numbers = #tpu.dot_dimension_numbers<[1], [0], [0], [1], [0, 0, 1, 1], [], []>, precision = #tpu.contract_precision<fp32>, transpose_lhs_hint = false} : vector<1x64xf32>, vector<64x32xf32>, vector<1x32xf32> -> vector<1x32xf32>
    %add3A_1058 = arith.addf %add3A_1049, %dot_general3A_1057 : vector<1x32xf32>
    %get3A_1059 = arith.constant 10 : index
    %get3A_1060 = arith.constant 64 : index
    %get3A_1061 = vector.load %arg2[%get3A_1059, %get3A_1060] : memref<16x65xf32, #tpu.memory_space<vmem>>, vector<1x1xf32>
    %get3A_1062 = arith.constant 10 : index
    %get3A_1063 = arith.constant 0 : index
    %get3A_1064 = vector.load %arg10[%get3A_1062, %get3A_1063] : memref<16x32xf32, #tpu.memory_space<vmem>>, vector<1x32xf32>
    %mul3A_1065 = vector.broadcast %get3A_1061 : vector<1x1xf32> to vector<1x32xf32>
    %mul3A_1066 = arith.mulf %mul3A_1065, %get3A_1064 : vector<1x32xf32>
    %add3A_1067 = arith.addf %add3A_1058, %mul3A_1066 : vector<1x32xf32>
    %get3A_1068 = arith.constant 11 : index
    %get3A_1069 = arith.constant 0 : index
    %get3A_1070 = vector.load %arg2[%get3A_1068, %get3A_1069] : memref<16x65xf32, #tpu.memory_space<vmem>>, vector<1x64xf32>
    %get3A_1071 = arith.constant 704 : index
    %get3A_1072 = arith.constant 0 : index
    %get3A_1073 = vector.load %arg7[%get3A_1071, %get3A_1072] : memref<1024x32xf32, #tpu.memory_space<vmem>>, vector<64x32xf32>
    %dot_general3A_1074 = arith.constant dense<0.000000e+00> : vector<1x32xf32>
    %dot_general3A_1075 = tpu.matmul %get3A_1070, %get3A_1073, %dot_general3A_1074 {dimension_numbers = #tpu.dot_dimension_numbers<[1], [0], [0], [1], [0, 0, 1, 1], [], []>, precision = #tpu.contract_precision<fp32>, transpose_lhs_hint = false} : vector<1x64xf32>, vector<64x32xf32>, vector<1x32xf32> -> vector<1x32xf32>
    %add3A_1076 = arith.addf %add3A_1067, %dot_general3A_1075 : vector<1x32xf32>
    %get3A_1077 = arith.constant 11 : index
    %get3A_1078 = arith.constant 64 : index
    %get3A_1079 = vector.load %arg2[%get3A_1077, %get3A_1078] : memref<16x65xf32, #tpu.memory_space<vmem>>, vector<1x1xf32>
    %get3A_1080 = arith.constant 11 : index
    %get3A_1081 = arith.constant 0 : index
    %get3A_1082 = vector.load %arg10[%get3A_1080, %get3A_1081] : memref<16x32xf32, #tpu.memory_space<vmem>>, vector<1x32xf32>
    %mul3A_1083 = vector.broadcast %get3A_1079 : vector<1x1xf32> to vector<1x32xf32>
    %mul3A_1084 = arith.mulf %mul3A_1083, %get3A_1082 : vector<1x32xf32>
    %add3A_1085 = arith.addf %add3A_1076, %mul3A_1084 : vector<1x32xf32>
    %get3A_1086 = arith.constant 12 : index
    %get3A_1087 = arith.constant 0 : index
    %get3A_1088 = vector.load %arg2[%get3A_1086, %get3A_1087] : memref<16x65xf32, #tpu.memory_space<vmem>>, vector<1x64xf32>
    %get3A_1089 = arith.constant 768 : index
    %get3A_1090 = arith.constant 0 : index
    %get3A_1091 = vector.load %arg7[%get3A_1089, %get3A_1090] : memref<1024x32xf32, #tpu.memory_space<vmem>>, vector<64x32xf32>
    %dot_general3A_1092 = arith.constant dense<0.000000e+00> : vector<1x32xf32>
    %dot_general3A_1093 = tpu.matmul %get3A_1088, %get3A_1091, %dot_general3A_1092 {dimension_numbers = #tpu.dot_dimension_numbers<[1], [0], [0], [1], [0, 0, 1, 1], [], []>, precision = #tpu.contract_precision<fp32>, transpose_lhs_hint = false} : vector<1x64xf32>, vector<64x32xf32>, vector<1x32xf32> -> vector<1x32xf32>
    %add3A_1094 = arith.addf %add3A_1085, %dot_general3A_1093 : vector<1x32xf32>
    %get3A_1095 = arith.constant 12 : index
    %get3A_1096 = arith.constant 64 : index
    %get3A_1097 = vector.load %arg2[%get3A_1095, %get3A_1096] : memref<16x65xf32, #tpu.memory_space<vmem>>, vector<1x1xf32>
    %get3A_1098 = arith.constant 12 : index
    %get3A_1099 = arith.constant 0 : index
    %get3A_1100 = vector.load %arg10[%get3A_1098, %get3A_1099] : memref<16x32xf32, #tpu.memory_space<vmem>>, vector<1x32xf32>
    %mul3A_1101 = vector.broadcast %get3A_1097 : vector<1x1xf32> to vector<1x32xf32>
    %mul3A_1102 = arith.mulf %mul3A_1101, %get3A_1100 : vector<1x32xf32>
    %add3A_1103 = arith.addf %add3A_1094, %mul3A_1102 : vector<1x32xf32>
    %get3A_1104 = arith.constant 13 : index
    %get3A_1105 = arith.constant 0 : index
    %get3A_1106 = vector.load %arg2[%get3A_1104, %get3A_1105] : memref<16x65xf32, #tpu.memory_space<vmem>>, vector<1x64xf32>
    %get3A_1107 = arith.constant 832 : index
    %get3A_1108 = arith.constant 0 : index
    %get3A_1109 = vector.load %arg7[%get3A_1107, %get3A_1108] : memref<1024x32xf32, #tpu.memory_space<vmem>>, vector<64x32xf32>
    %dot_general3A_1110 = arith.constant dense<0.000000e+00> : vector<1x32xf32>
    %dot_general3A_1111 = tpu.matmul %get3A_1106, %get3A_1109, %dot_general3A_1110 {dimension_numbers = #tpu.dot_dimension_numbers<[1], [0], [0], [1], [0, 0, 1, 1], [], []>, precision = #tpu.contract_precision<fp32>, transpose_lhs_hint = false} : vector<1x64xf32>, vector<64x32xf32>, vector<1x32xf32> -> vector<1x32xf32>
    %add3A_1112 = arith.addf %add3A_1103, %dot_general3A_1111 : vector<1x32xf32>
    %get3A_1113 = arith.constant 13 : index
    %get3A_1114 = arith.constant 64 : index
    %get3A_1115 = vector.load %arg2[%get3A_1113, %get3A_1114] : memref<16x65xf32, #tpu.memory_space<vmem>>, vector<1x1xf32>
    %get3A_1116 = arith.constant 13 : index
    %get3A_1117 = arith.constant 0 : index
    %get3A_1118 = vector.load %arg10[%get3A_1116, %get3A_1117] : memref<16x32xf32, #tpu.memory_space<vmem>>, vector<1x32xf32>
    %mul3A_1119 = vector.broadcast %get3A_1115 : vector<1x1xf32> to vector<1x32xf32>
    %mul3A_1120 = arith.mulf %mul3A_1119, %get3A_1118 : vector<1x32xf32>
    %add3A_1121 = arith.addf %add3A_1112, %mul3A_1120 : vector<1x32xf32>
    %get3A_1122 = arith.constant 14 : index
    %get3A_1123 = arith.constant 0 : index
    %get3A_1124 = vector.load %arg2[%get3A_1122, %get3A_1123] : memref<16x65xf32, #tpu.memory_space<vmem>>, vector<1x64xf32>
    %get3A_1125 = arith.constant 896 : index
    %get3A_1126 = arith.constant 0 : index
    %get3A_1127 = vector.load %arg7[%get3A_1125, %get3A_1126] : memref<1024x32xf32, #tpu.memory_space<vmem>>, vector<64x32xf32>
    %dot_general3A_1128 = arith.constant dense<0.000000e+00> : vector<1x32xf32>
    %dot_general3A_1129 = tpu.matmul %get3A_1124, %get3A_1127, %dot_general3A_1128 {dimension_numbers = #tpu.dot_dimension_numbers<[1], [0], [0], [1], [0, 0, 1, 1], [], []>, precision = #tpu.contract_precision<fp32>, transpose_lhs_hint = false} : vector<1x64xf32>, vector<64x32xf32>, vector<1x32xf32> -> vector<1x32xf32>
    %add3A_1130 = arith.addf %add3A_1121, %dot_general3A_1129 : vector<1x32xf32>
    %get3A_1131 = arith.constant 14 : index
    %get3A_1132 = arith.constant 64 : index
    %get3A_1133 = vector.load %arg2[%get3A_1131, %get3A_1132] : memref<16x65xf32, #tpu.memory_space<vmem>>, vector<1x1xf32>
    %get3A_1134 = arith.constant 14 : index
    %get3A_1135 = arith.constant 0 : index
    %get3A_1136 = vector.load %arg10[%get3A_1134, %get3A_1135] : memref<16x32xf32, #tpu.memory_space<vmem>>, vector<1x32xf32>
    %mul3A_1137 = vector.broadcast %get3A_1133 : vector<1x1xf32> to vector<1x32xf32>
    %mul3A_1138 = arith.mulf %mul3A_1137, %get3A_1136 : vector<1x32xf32>
    %add3A_1139 = arith.addf %add3A_1130, %mul3A_1138 : vector<1x32xf32>
    %get3A_1140 = arith.constant 15 : index
    %get3A_1141 = arith.constant 0 : index
    %get3A_1142 = vector.load %arg2[%get3A_1140, %get3A_1141] : memref<16x65xf32, #tpu.memory_space<vmem>>, vector<1x64xf32>
    %get3A_1143 = arith.constant 960 : index
    %get3A_1144 = arith.constant 0 : index
    %get3A_1145 = vector.load %arg7[%get3A_1143, %get3A_1144] : memref<1024x32xf32, #tpu.memory_space<vmem>>, vector<64x32xf32>
    %dot_general3A_1146 = arith.constant dense<0.000000e+00> : vector<1x32xf32>
    %dot_general3A_1147 = tpu.matmul %get3A_1142, %get3A_1145, %dot_general3A_1146 {dimension_numbers = #tpu.dot_dimension_numbers<[1], [0], [0], [1], [0, 0, 1, 1], [], []>, precision = #tpu.contract_precision<fp32>, transpose_lhs_hint = false} : vector<1x64xf32>, vector<64x32xf32>, vector<1x32xf32> -> vector<1x32xf32>
    %add3A_1148 = arith.addf %add3A_1139, %dot_general3A_1147 : vector<1x32xf32>
    %get3A_1149 = arith.constant 15 : index
    %get3A_1150 = arith.constant 64 : index
    %get3A_1151 = vector.load %arg2[%get3A_1149, %get3A_1150] : memref<16x65xf32, #tpu.memory_space<vmem>>, vector<1x1xf32>
    %get3A_1152 = arith.constant 15 : index
    %get3A_1153 = arith.constant 0 : index
    %get3A_1154 = vector.load %arg10[%get3A_1152, %get3A_1153] : memref<16x32xf32, #tpu.memory_space<vmem>>, vector<1x32xf32>
    %mul3A_1155 = vector.broadcast %get3A_1151 : vector<1x1xf32> to vector<1x32xf32>
    %mul3A_1156 = arith.mulf %mul3A_1155, %get3A_1154 : vector<1x32xf32>
    %add3A_1157 = arith.addf %add3A_1148, %mul3A_1156 : vector<1x32xf32>
    %div3A_1158 = arith.constant 5.000000e+03 : f32
    %div3A_1159 = vector.broadcast %div3A_1158 : f32 to vector<1x32xf32>
    %div3A_1160 = arith.divf %add3A_1157, %div3A_1159 : vector<1x32xf32>
    %get3A_1161 = arith.constant 0 : index
    %get3A_1162 = arith.constant 0 : index
    %get3A_1163 = vector.load %arg3[%get3A_1161, %get3A_1162] : memref<1x16xf32, #tpu.memory_space<vmem>>, vector<1x16xf32>
    %div3A_1164 = arith.constant 5.000000e+04 : f32
    %div3A_1165 = vector.broadcast %div3A_1164 : f32 to vector<1x16xf32>
    %div3A_1166 = arith.divf %get3A_1163, %div3A_1165 : vector<1x16xf32>
    %get3A_1167 = arith.constant 0 : index
    %get3A_1168 = arith.constant 0 : index
    %get3A_1169 = vector.load %arg4[%get3A_1167, %get3A_1168] : memref<1x32xf32, #tpu.memory_space<vmem>>, vector<1x32xf32>
    %div3A_1170 = arith.constant 5.000000e+03 : f32
    %div3A_1171 = vector.broadcast %div3A_1170 : f32 to vector<1x32xf32>
    %div3A_1172 = arith.divf %get3A_1169, %div3A_1171 : vector<1x32xf32>
    %get3A_1173 = arith.constant 0 : index
    %get3A_1174 = arith.constant 0 : index
    %get3A_1175 = vector.load %arg11[%get3A_1173, %get3A_1174] : memref<16x16xf32, #tpu.memory_space<vmem>>, vector<16x16xf32>
    %dot_general3A_1176 = arith.constant dense<0.000000e+00> : vector<1x16xf32>
    %dot_general3A_1177 = tpu.matmul %div3A_1166, %get3A_1175, %dot_general3A_1176 {dimension_numbers = #tpu.dot_dimension_numbers<[1], [0], [0], [1], [0, 0, 1, 1], [], []>, precision = #tpu.contract_precision<fp32>, transpose_lhs_hint = false} : vector<1x16xf32>, vector<16x16xf32>, vector<1x16xf32> -> vector<1x16xf32>
    %add3A_1178 = arith.addf %div3A_574, %dot_general3A_1177 : vector<1x16xf32>
    %get3A_1179 = arith.constant 0 : index
    %get3A_1180 = arith.constant 0 : index
    %get3A_1181 = vector.load %arg12[%get3A_1179, %get3A_1180] : memref<16x16xf32, #tpu.memory_space<vmem>>, vector<16x16xf32>
    %dot_general3A_1182 = arith.constant dense<0.000000e+00> : vector<1x16xf32>
    %dot_general3A_1183 = tpu.matmul %div3A_1166, %get3A_1181, %dot_general3A_1182 {dimension_numbers = #tpu.dot_dimension_numbers<[1], [0], [0], [1], [0, 0, 1, 1], [], []>, precision = #tpu.contract_precision<fp32>, transpose_lhs_hint = false} : vector<1x16xf32>, vector<16x16xf32>, vector<1x16xf32> -> vector<1x16xf32>
    %add3A_1184 = arith.addf %div3A_867, %dot_general3A_1183 : vector<1x16xf32>
    %add3A_1185 = arith.addf %add3A_1178, %add3A_1184 : vector<1x16xf32>
    %mul3A_1186 = arith.constant 5.000000e-01 : f32
    %mul3A_1187 = vector.broadcast %mul3A_1186 : f32 to vector<1x16xf32>
    %mul3A_1188 = arith.mulf %add3A_1185, %mul3A_1187 : vector<1x16xf32>
    %get3A_1189 = arith.constant 0 : index
    %get3A_1190 = arith.constant 0 : index
    %get3A_1191 = vector.load %arg13[%get3A_1189, %get3A_1190] : memref<32x32xf32, #tpu.memory_space<vmem>>, vector<32x32xf32>
    %dot_general3A_1192 = arith.constant dense<0.000000e+00> : vector<1x32xf32>
    %dot_general3A_1193 = tpu.matmul %div3A_1172, %get3A_1191, %dot_general3A_1192 {dimension_numbers = #tpu.dot_dimension_numbers<[1], [0], [0], [1], [0, 0, 1, 1], [], []>, precision = #tpu.contract_precision<fp32>, transpose_lhs_hint = false} : vector<1x32xf32>, vector<32x32xf32>, vector<1x32xf32> -> vector<1x32xf32>
    %add3A_1194 = arith.addf %div3A_1160, %dot_general3A_1193 : vector<1x32xf32>
    %get3A_1195 = arith.constant 0 : index
    %get3A_1196 = arith.constant 0 : index
    %get3A_1197 = vector.load %arg14[%get3A_1195, %get3A_1196] : memref<16x64xf32, #tpu.memory_space<vmem>>, vector<16x64xf32>
    %dot_general3A_1198 = arith.constant dense<0.000000e+00> : vector<1x64xf32>
    %dot_general3A_1199 = tpu.matmul %mul3A_1188, %get3A_1197, %dot_general3A_1198 {dimension_numbers = #tpu.dot_dimension_numbers<[1], [0], [0], [1], [0, 0, 1, 1], [], []>, precision = #tpu.contract_precision<fp32>, transpose_lhs_hint = false} : vector<1x16xf32>, vector<16x64xf32>, vector<1x64xf32> -> vector<1x64xf32>
    %get3A_1200 = arith.constant 0 : index
    %get3A_1201 = arith.constant 0 : index
    %get3A_1202 = vector.load %arg15[%get3A_1200, %get3A_1201] : memref<1x64xf32, #tpu.memory_space<vmem>>, vector<1x64xf32>
    %add3A_1203 = arith.addf %dot_general3A_1199, %get3A_1202 : vector<1x64xf32>
    %get3A_1204 = arith.constant 0 : index
    %get3A_1205 = arith.constant 0 : index
    %get3A_1206 = vector.load %arg16[%get3A_1204, %get3A_1205] : memref<32x64xf32, #tpu.memory_space<vmem>>, vector<32x64xf32>
    %dot_general3A_1207 = arith.constant dense<0.000000e+00> : vector<1x64xf32>
    %dot_general3A_1208 = tpu.matmul %add3A_1194, %get3A_1206, %dot_general3A_1207 {dimension_numbers = #tpu.dot_dimension_numbers<[1], [0], [0], [1], [0, 0, 1, 1], [], []>, precision = #tpu.contract_precision<fp32>, transpose_lhs_hint = false} : vector<1x32xf32>, vector<32x64xf32>, vector<1x64xf32> -> vector<1x64xf32>
    %get3A_1209 = arith.constant 0 : index
    %get3A_1210 = arith.constant 0 : index
    %get3A_1211 = vector.load %arg17[%get3A_1209, %get3A_1210] : memref<1x64xf32, #tpu.memory_space<vmem>>, vector<1x64xf32>
    %add3A_1212 = arith.addf %dot_general3A_1208, %get3A_1211 : vector<1x64xf32>
    %concatenate3A = tpu.concatenate %add3A_1203, %add3A_1212 in 1 : vector<1x64xf32>, vector<1x64xf32> -> vector<1x128xf32>
    %get3A_1213 = arith.constant 0 : index
    %get3A_1214 = arith.constant 0 : index
    %get3A_1215 = vector.load %arg18[%get3A_1213, %get3A_1214] : memref<128x64xf32, #tpu.memory_space<vmem>>, vector<128x64xf32>
    %dot_general3A_1216 = arith.constant dense<0.000000e+00> : vector<1x64xf32>
    %dot_general3A_1217 = tpu.matmul %concatenate3A, %get3A_1215, %dot_general3A_1216 {dimension_numbers = #tpu.dot_dimension_numbers<[1], [0], [0], [1], [0, 0, 1, 1], [], []>, precision = #tpu.contract_precision<fp32>, transpose_lhs_hint = false} : vector<1x128xf32>, vector<128x64xf32>, vector<1x64xf32> -> vector<1x64xf32>
    %get3A_1218 = arith.constant 0 : index
    %get3A_1219 = arith.constant 0 : index
    %get3A_1220 = vector.load %arg19[%get3A_1218, %get3A_1219] : memref<1x64xf32, #tpu.memory_space<vmem>>, vector<1x64xf32>
    %add3A_1221 = arith.addf %dot_general3A_1217, %get3A_1220 : vector<1x64xf32>
    %max3A = arith.constant 0.000000e+00 : f32
    %max3A_1222 = vector.broadcast %max3A : f32 to vector<1x64xf32>
    %max3A_1223 = arith.maximumf %add3A_1221, %max3A_1222 : vector<1x64xf32>
    %get3A_1224 = arith.constant 0 : index
    %get3A_1225 = arith.constant 0 : index
    %get3A_1226 = vector.load %arg20[%get3A_1224, %get3A_1225] : memref<64x1xf32, #tpu.memory_space<vmem>>, vector<64x1xf32>
    %dot_general3A_1227 = arith.constant dense<0.000000e+00> : vector<1x1xf32>
    %dot_general3A_1228 = tpu.matmul %max3A_1223, %get3A_1226, %dot_general3A_1227 {dimension_numbers = #tpu.dot_dimension_numbers<[1], [0], [0], [1], [0, 0, 1, 1], [], []>, precision = #tpu.contract_precision<fp32>, transpose_lhs_hint = false} : vector<1x64xf32>, vector<64x1xf32>, vector<1x1xf32> -> vector<1x1xf32>
    %get3A_1229 = arith.constant 0 : index
    %get3A_1230 = arith.constant 0 : index
    %get3A_1231 = vector.load %arg21[%get3A_1229, %get3A_1230] : memref<1x1xf32, #tpu.memory_space<vmem>>, vector<1x1xf32>
    %add3A_1232 = arith.addf %dot_general3A_1228, %get3A_1231 : vector<1x1xf32>
    %swap3A = arith.constant 0 : index
    %swap3A_1233 = arith.constant 0 : index
    %swap3A_1234 = vector.load %arg22[%swap3A, %swap3A_1233] : memref<1x1xf32, #tpu.memory_space<vmem>>, vector<1x1xf32>
    tpu.vector_store %arg22[%swap3A, %swap3A_1233], %add3A_1232 {strides = array<i32>} : memref<1x1xf32, #tpu.memory_space<vmem>>, vector<1x1xf32>,
    return
  }
}

</mosaic_0001>

<sc_bundles>
// kernel: kernel.10.cloned.1.call-start
scs
__scs_entry_jumppad:
0x0: {  	(pc) =	sbr.rel $0x88, $3  }
0x1: {  	(tag) =	ssettag $0x0;
	lr =	simm.s32 $0x1  }
0x2: {  	[smem:$0x3F82] =	sst lr;
	_ =	strace $0xD0000000  }
0x3: {  	_ = 	snop  }
0x4: {  	_ = 	snop  }
0x5: {  	_ = 	snop  }
0x6: {  	_ = 	snop  }
0x7: {  	_ = 	snop  }
__scs_overlays_trampoline_lowered:
0x8: {  	[smem:$0x3F91] =	sst s0  }
0x9: {  	[smem:$0x3F92] =	sst s1  }
0xa: {  	[smem:$0x3F93] =	sst s2  }
0xb: {  	[smem:$0x3F94] =	sst s3  }
0xc: {  	[smem:$0x3F95] =	sst s4  }
0xd: {  	[smem:$0x3F96] =	sst s5  }
0xe: {  	[smem:$0x3F97] =	sst s6  }
0xf: {  	[smem:$0x3F98] =	sst s7  }
0x10: {  	[smem:$0x3F99] =	sst s8  }
0x11: {  	[smem:$0x3F9A] =	sst s9;
	s0 =	simm.s32 @!p0 $0x0  }
0x12: {  	s1 =	sld [smem:$0x3F80];
	s0 =	simm.s32 @p0 $0x1  }
0x13: {  	[smem:$0x3F9B] =	sst s0;
	s0 =	simm.s32 @!p1 $0x0  }
0x14: {  	s2 =	sld [smem:$0x3F7F];
	s0 =	simm.s32 @p1 $0x1  }
0x15: {  	[smem:$0x3F9C] =	sst s0;
	s0 =	simm.s32 @!p2 $0x0  }
0x16: {  	s3 =	sld [smem:$0x3FDB];
	s0 =	simm.s32 @p2 $0x1  }
0x17: {  	s4 =	simm.s32 $0x1BF5;
	[smem:$0x3F9E] =	sst s0  }
0x18: {  	s0 =	sld [smem:$0x3F81];
	_ =	swait.ge [sflag:s4], $0x0  }
0x19: {  	s7 =	sld [smem:$0x3F82]  }
0x1a: {  	s8 =	sadd.s32 $0xFFFFE003, lr  }
0x1b: {  	s9 =	sadd.s32 $0xFFFFFEF7, lr;
	s5 =	simm.s32 $0xFFFFFFFF;
	p2 =	slt.u32 s8, $0xFFFFF086  }
0x1c: {  	p1 =	slt.u32 s9, $0xF7A;
	s5 =	simm.s32 @!p2 $0x0  }
0x1d: {  	s5 =	simm.s32 @p1 $0x1;
	p0 =	seq.s32 s7, s2  }
0x1e: {  	s7 =	smul.u32 @!p0 $0xF7A, s2;
	p2 =	seq.s32 @!p0 s5, $0x0  }
0x1f: {  	s9 =	smul.u32 $0xF7A, s1;
	s8 =	simm.s32 @!p0 $0x1BF5;
	p2 =	por !p2, p0  }
0x20: {  	[sflag:s8] =	ssyncset.s32 @!p0 $0xFFFFF086;
	s6 =	sadd.s32 @!p0 s3, s7;
	s7 =	simm.s32 @!p0 $0x108  }
0x21: {  	s3 =	sadd.s32 s3, s9;
	s6 =	sadd.s32 @!p0 $0x88, s6;
	s7 =	simm.s32 @p2 $0x1082  }
0x22: {  	[simem:s7], [sflag:s8] =	dma.local @!p0 [hbm:s6], $0xF7A  }
0x23: {  	s9 =	sor.u32 $0xD0000000, s2;
	s6 =	simm.s32 $0x108;
	_ =	swait.ge @!p0 [sflag:s8], $0x0  }
0x24: {  	s3 =	sadd.s32 $0x88, s3;
	s6 =	simm.s32 @!p1 $0x1082;
	[sflag:s4] =	ssyncset.s32 $0xFFFFF086  }
0x25: {  	[simem:s6], [sflag:s4] =	dma.local [hbm:s3], $0xF7A  }
0x26: {  	[smem:$0x3F82] =	sst s1;
	(tag) =	ssettag s2;
	_ =	strace s9  }
0x27: {  	s1 =	sld [smem:$0x3F92]  }
0x28: {  	s2 =	sld [smem:$0x3F93]  }
0x29: {  	s4 =	sld [smem:$0x3F95]  }
0x2a: {  	p0 =	seq.s32 s5, $0x0;
	s5 =	sld [smem:$0x3F96]  }
0x2b: {  	s6 =	sld [smem:$0x3F97]  }
0x2c: {  	s7 =	sld [smem:$0x3F98]  }
0x2d: {  	s3 =	simm.s32 $0x108;
	s8 =	sld [smem:$0x3F99]  }
0x2e: {  	s3 =	simm.s32 @!p0 $0x1082;
	s9 =	sld [smem:$0x3F9A]  }
0x2f: {  	lr =	sadd.s32 s0, s3;
	s0 =	sld [smem:$0x3F91]  }
0x30: {  	s3 =	sld [smem:$0x3F94]  }
0x31: {  	[smem:$0x3F9D] =	sst s10  }
0x32: {  	s10 =	sld [smem:$0x3F9B];
	_ =	sdelay $0x3  }
0x33: {  	p0 =	seq.s32 s10, $0x1;
	s10 =	sld [smem:$0x3F9D];
	_ =	sdelay $0x3  }
0x34: {  	[smem:$0x3F9D] =	sst s10  }
0x35: {  	s10 =	sld [smem:$0x3F9C];
	_ =	sdelay $0x3  }
0x36: {  	p1 =	seq.s32 s10, $0x1;
	s10 =	sld [smem:$0x3F9D];
	_ =	sdelay $0x3  }
0x37: {  	[smem:$0x3F9D] =	sst s10  }
0x38: {  	s10 =	sld [smem:$0x3F9E]  }
0x39: {  	_ = 	snop;
	(pc) =	sbr.ind lr, $3  }
0x3a: {  	_ = 	snop  }
0x3b: {  	_ = 	snop  }
0x3c: {  	p2 =	seq.s32 s10, $0x1;
	s10 =	sld [smem:$0x3F9D]  }
0x3d: {  	_ =	shalt  }
0x3e: {  	_ =	shalt  }
0x3f: {  	_ =	shalt  }
0x40: {  	_ =	shalt  }
0x41: {  	_ =	shalt  }
0x42: {  	_ =	shalt  }
0x43: {  	_ =	shalt  }
0x44: {  	_ =	shalt  }
0x45: {  	_ =	shalt  }
0x46: {  	_ =	shalt  }
0x47: {  	_ =	shalt  }
0x48: {  	_ =	shalt  }
0x49: {  	_ =	shalt  }
0x4a: {  	_ =	shalt  }
0x4b: {  	_ =	shalt  }
0x4c: {  	_ =	shalt  }
0x4d: {  	_ =	shalt  }
0x4e: {  	_ =	shalt  }
0x4f: {  	_ =	shalt  }
0x50: {  	_ =	shalt  }
0x51: {  	_ =	shalt  }
0x52: {  	_ =	shalt  }
0x53: {  	_ =	shalt  }
0x54: {  	_ =	shalt  }
0x55: {  	_ =	shalt  }
0x56: {  	_ =	shalt  }
0x57: {  	_ =	shalt  }
0x58: {  	_ =	shalt  }
0x59: {  	_ =	shalt  }
0x5a: {  	_ =	shalt  }
0x5b: {  	_ =	shalt  }
0x5c: {  	_ =	shalt  }
0x5d: {  	_ =	shalt  }
0x5e: {  	_ =	shalt  }
0x5f: {  	_ =	shalt  }
0x60: {  	_ =	shalt  }
0x61: {  	_ =	shalt  }
0x62: {  	_ =	shalt  }
0x63: {  	_ =	shalt  }
0x64: {  	_ =	shalt  }
0x65: {  	_ =	shalt  }
0x66: {  	_ =	shalt  }
0x67: {  	_ =	shalt  }
0x68: {  	_ =	shalt  }
0x69: {  	_ =	shalt  }
0x6a: {  	_ =	shalt  }
0x6b: {  	_ =	shalt  }
0x6c: {  	_ =	shalt  }
0x6d: {  	_ =	shalt  }
0x6e: {  	_ =	shalt  }
0x6f: {  	_ =	shalt  }
0x70: {  	_ =	shalt  }
0x71: {  	_ =	shalt  }
0x72: {  	_ =	shalt  }
0x73: {  	_ =	shalt  }
0x74: {  	_ =	shalt  }
0x75: {  	_ =	shalt  }
0x76: {  	_ =	shalt  }
0x77: {  	_ =	shalt  }
0x78: {  	_ =	shalt  }
0x79: {  	_ =	shalt  }
0x7a: {  	_ =	shalt  }
0x7b: {  	_ =	shalt  }
0x7c: {  	_ =	shalt  }
0x7d: {  	_ =	shalt  }
0x7e: {  	_ =	shalt  }
0x7f: {  	_ =	shalt  }
0x80: {  	_ =	shalt  }
0x81: {  	_ =	shalt  }
0x82: {  	_ =	shalt  }
0x83: {  	_ =	shalt  }
0x84: {  	_ =	shalt  }
0x85: {  	_ =	shalt  }
0x86: {  	_ =	shalt  }
0x87: {  	_ =	shalt  }
.Lfunc_end0:
.L_simem_size_0:
called_computation_lowered:
.L_overlay_start_0:
0x88: {  	s2 =	sld [smem:$0x3FD9]  }
0x89: {  	s3 =	sld [smem:$0x3FFE];
	_ =	sdelay $0x1  }
0x8a: {  	s1 =	srdreg.scid  }
0x8b: {  	s0 =	sand.u32 $0x1, s1  }
0x8c: {  	s16 =	sshll.u32 s0, $0xA;
	s2 =	sadd.s32 s3, s2  }
0x8d: {  	s2 =	sadd.s32 s2, s16  }
0x8e: {  	[smem:$0x3FA9] =	sst s2  }
0x8f: {  	_ = 	snop  }
0x90: {  	(tm) =	ssettm $0x1  }
0x91: {  	s17 =	sld [smem:$0x3FFB];
	_ =	sdelay $0x3  }
0x92: {  	_ =	strace s17  }
0x93: {  	s2 =	sld [smem:$0x3FFC];
	_ =	sdelay $0x3  }
0x94: {  	_ =	strace s2  }
0x95: {  	s2 =	sld [smem:$0x3FFD];
	_ =	sdelay $0x3  }
0x96: {  	_ =	strace s2  }
0x97: {  	_ =	strace $0x8FFFFFFF  }
0x98: {  	s18 =	sld [smem:$0x3FDB];
	_ =	sdelay $0x1  }
0x99: {  	s19 =	simm.s32 $_scs_section_size  }
0x9a: {  	s4 =	simm.s32 $_size__tile_overlayer_lowered;
	s5 =	simm.s32 $_tile_overlayer_lowered  }
0x9b: {  	s22 =	simm.s32 $0x1BFF;
	s21 =	sshll.u32 s5, $0x1;
	s2 =	sadd.s32 s19, s18  }
0x9c: {  	s6 =	simm.s32 $0x0;
	s20 =	sshll.u32 s4, $0x1;
	s4 =	sadd.s32 s21, s2  }
0x9d: {  	[timem:s6], [sflag:s22] =	dma.local [hbm:s4], s20  }
0x9e: {  	_ =	swait.ge [sflag:s22], s20  }
0x9f: {  	s3 =	ssub.s32 $0x0, s20;
	[sflag:s22] =	ssyncset.done $0x0  }
0xa0: {  	[sflag:s22] =	ssyncadd.s32 s3;
	_ =	sdelay $0x1  }
0xa1: {  	s23 =	simm.s32 $0x1B8B  }
0xa2: {  	_ =	swait.ge [sflag:s23], $0x1  }
0xa3: {  	[sflag:s23] =	ssyncset.done $0x0  }
0xa4: {  	s25 =	simm.s32 $0x1B8E;
	s24 =	sld [smem:$0x3FFE];
	[sflag:s23] =	ssyncadd.s32 $0xFFFFFFFF  }
0xa5: {  	s26 =	simm.s32 $execute0_lowered;
	[smem:$0x3FD2] =	sst s25  }
0xa6: {  	s4 =	sshll.u32 s26, $0x1;
	_ =	strace $0x80000046;
	[dreg:$0x1] =	wrdreg $0xFFFFFFFF  }
0xa7: {  	s28 =	simm.s32 $_size_execute0_lowered;
	s2 =	sadd.s32 s2, s4;
	[dreg:$0x0] =	wrdreg $0x0  }
0xa8: {  	s4 =	sshll.u32 s28, $0x1;
	[dreg:$0x2] =	wrdreg s2  }
0xa9: {  	[dreg:$0x3] =	wrdreg s4  }
0xaa: {  	[dreg:$0x4] =	wrdreg $0xC0  }
0xab: {  	_ =	task [dreg:s6], $0x5FFFF  }
0xac: {  	[dreg:$0x1] =	wrdreg $0xFFFFFFFF  }
0xad: {  	[dreg:$0x0] =	wrdreg $0x60  }
0xae: {  	[dreg:$0x2] =	wrdreg s24  }
0xaf: {  	[dreg:$0x3] =	wrdreg $0x0  }
0xb0: {  	[dreg:$0x4] =	wrdreg $0x9  }
0xb1: {  	_ =	task.clear_ibuf [dreg:s6], $0x5FFFF;
	_ =	strace $0x90000046  }
0xb2: {  	s29 =	simm.s32 $0x9;
	_ =	strace $0x80000048  }
0xb3: {  	_ =	swait.ge [sflag:s29], $0x1  }
0xb4: {  	[sflag:s29] =	ssyncadd.s32 $0xFFFFFFFF  }
0xb5: {  	_ =	strace $0x90000048  }
0xb6: {  	_ =	sfence  }
0xb7: {  	s30 =	sld [smem:$0x0];
	_ =	sdelay $0x2  }
0xb8: {  	s31 =	sshll.u32 s1, $0xD;
	s1 =	sshrl.u32 s1, $0x2  }
0xb9: {  	s3 =	sand.u32 $0x4000, s31;
	s1 =	sadd.s32 s1, s30  }
0xba: {  	s0 =	sor.u32 s3, s0;
	s1 =	sshll.u32 s1, $0x11  }
0xbb: {  	s0 =	sor.u32 s1, s0  }
0xbc: {  	s0 =	sadd.s32 $0x8F2B, s0  }
0xbd: {  	[sflag:s0] =	ssyncadd.remote.s32 $0x1  }
0xbe: {  	_ =	sfence.sel $0xFFFF  }
0xbf: {  	[dreg:$0x0] =	wrdreg $0xFFFFFFFF;
	(pc) =	sbr.abs _section_cstart, $3  }
0xc0: {  	[dreg:$0x1] =	wrdreg $0xFFFFFFFF  }
0xc1: {  	_ =	task.clear_ibuf [dreg:s6], $0x2FFFF;
	_ =	strace $0x9FFFFFFF  }
0xc2: {  	(tm) =	ssettm $0x7FFFFFFF  }
0xc3: {  	_ =	shalt  }
tec
execute0_lowered:
.L_overlay_start_1:
0x0: {  	(tag) =	ssettag $0x1  }
0x1: {  	s1 =	srdreg.scid;
	s4 =	rddreg [dreg:$0x0]  }
0x2: {  	s0 =	stileid.u32;
	s2 =	rddreg [dreg:$0x1];
	s3 =	simm.s32 $0x0  }
0x3: {  	s10 =	simm.s32 $0x1;
	s11 =	simm.s32 $0x19C0;
	s12 =	simm.s32 $0x35C0  }
0x4: {  	s13 =	simm.s32 $0x80;
	s5 =	sand.u32 $0x1, s1;
	s6 =	smul.u32 $0x19C0, s0  }
0x5: {  	s7 =	sshll.u32 s0, $0x1;
	s1 =	rddreg [dreg:$0x2];
	s8 =	smul.u32 $0x19C00, s5  }
0x6: {  	s14 =	simm.s32 $0x0;
	[smem:$0x7FF] =	sst s3;
	s7 =	sor.u32 s5, s7  }
0x7: {  	s5 =	ssub.s32 $0x2, s5;
	s7 =	smul.u32 $0x380, s7;
	s8 =	sadd.s32 s6, s8  }
0x8: {  	_ =	strace $0x80000047;
	s31 =	sshrl.u32 s5, $0x1;
	s8 =	sshrl.u32 s8, $0x3  }
0x9: {  	s9 =	ssub.s32 s5, s31;
	s7 =	sadd.s32 s7, s4;
	s8 =	sadd.s32 s8, s4  }
0xa: {  	s4 =	sadd.s32 s6, s2;
	s5 =	sadd.s32 $0xC000, s7;
	s6 =	sadd.s32 $0x5000, s7  }
0xb: {  	v0 =	vimm.f32 $0.0e+00;
	s7 =	sadd.s32 $0x13000, s8;
	s8 =	smax.u32 s9, $0x1;
	s9 =	simm.s32 $0x51C0  }
.LBB2_1:
0xc: {  	s15 =	simm.s32 $0x40;
	s16 =	simm.s32 $0x0  }
.LBB2_2:
0xd: {  	p0 =	sne.s32 s15, $0x66C0;
	[tilespmem:s16+$0x51C0] =	vst v0;
	s16 =	smov.u32 s15;
	s15 =	sadd.s32 $0x40, s15  }
.Ltmp0:
0xe: {  	(pc) =	sbr.rel @p0 .LBB2_2-.Ltmp0, $2  }
0xf: {  	_ =	sdelay $0x2  }
0x10: {  	s16 =	sshra.s32 s16, $0x2  }
0x11: {  	[tilespmem:s16+$0x51C0] =	vst v0  }
0x12: {  	[spmem:s4] =	stream.linear.scatter [tilespmem:s9], [sflag:$0x1], $0x19C0, $0x38;
	[tilespmem:$0x6BC0] =	vst v63  }
0x13: {  	_ =	swait.ge [sflag:s10], $0x19C0  }
0x14: {  	[sflag:s10] =	ssyncset.done $0x0  }
0x15: {  	[sflag:s10] =	ssyncadd.s32 $0xFFFFE640  }
0x16: {  	s15 =	simm.s32 $0x0;
	[bflag:$0x0] =	sbarrier.arrive $0xFFFF  }
0x17: {  	[tilespmem:s11], [sflag:$0x1] =	stream.linear.gather [hbm4b:s5+s15], $0x1880, $0x38;
	[tilespmem:$0x6BC0] =	vst v63  }
0x18: {  	_ =	swait.ge [sflag:s10], $0x1880  }
0x19: {  	[sflag:s10] =	ssyncset.done $0x0  }
0x1a: {  	[sflag:s10] =	ssyncadd.s32 $0xFFFFE780  }
0x1b: {  	[tilespmem:s12], [sflag:$0x1] =	stream.linear.gather [hbm4b:s6+s15], $0x1880, $0x38;
	[tilespmem:$0x6BC0] =	vst v63  }
0x1c: {  	_ =	swait.ge [sflag:s10], $0x1880  }
0x1d: {  	[sflag:s10] =	ssyncset.done $0x0  }
0x1e: {  	s30 =	simm.s32 $0x35C0;
	s31 =	simm.s32 $0x19C0;
	[sflag:s10] =	ssyncadd.s32 $0xFFFFE780  }
0x1f: {  	[spmem:s2] =	stream.indirect.scatter.add.f32 [tilespmem:s30], [sflag:$0x1], $0x1, s31, s13, $0xb8;
	[tilespmem:$0x6BC0] =	vst v63  }
0x20: {  	s15 =	simm.s32 $0x200;
	_ =	swait.ge [sflag:s10], $0x80  }
.LBB2_4:
0x21: {  	s16 =	sshra.s32 s15, $0x2  }
0x22: {  	[sflag:s10] =	ssyncset.done $0x0;
	p0 =	sne.s32 s15, $0x6000;
	s17 =	sadd.s32 $0x35C0, s16  }
.Ltmp1:
0x23: {  	s16 =	sadd.s32 $0x19C0, s16;
	[sflag:s10] =	ssyncadd.s32 $0xFFFFFF80;
	(pc) =	sbr.rel @p0 .LBB2_4-.Ltmp1, $3  }
0x24: {  	[spmem:s2] =	stream.indirect.scatter.add.f32 [tilespmem:s17], [sflag:$0x1], $0x1, s16, s13, $0xb8;
	[tilespmem:$0x6BC0] =	vst v63  }
0x25: {  	s15 =	sadd.s32 $0x200, s15;
	_ =	sdelay $0x1  }
0x26: {  	_ =	swait.ge [sflag:s10], $0x80  }
0x27: {  	[sflag:s10] =	ssyncset.done $0x0  }
0x28: {  	[sflag:s10] =	ssyncadd.s32 $0xFFFFFF80  }
0x29: {  	[bflag:$0x0] =	sbarrier.arrive $0xFFFF  }
0x2a: {  	[tilespmem:s9], [sflag:$0x1] =	stream.linear.gather [spmem:s4], $0x19C0, $0x38;
	[tilespmem:$0x6BC0] =	vst v63  }
0x2b: {  	s14 =	sadd.s32 $0x1, s14;
	_ =	swait.ge [sflag:s10], $0x19C0  }
0x2c: {  	p0 =	sne.s32 s14, s8;
	[sflag:s10] =	ssyncset.done $0x0  }
.Ltmp2:
0x2d: {  	[sflag:s10] =	ssyncadd.s32 $0xFFFFE640;
	(pc) =	sbr.rel @p0 .LBB2_1-.Ltmp2, $4  }
0x2e: {  	[hbm4b:s7+s3] =	stream.linear.scatter [tilespmem:s9], [sflag:$0x1], $0x19C0, $0x38;
	[tilespmem:$0x6BC0] =	vst v63  }
0x2f: {  	_ =	swait.ge [sflag:s10], $0x19C0  }
0x30: {  	[sflag:s10] =	ssyncset.done $0x0  }
0x31: {  	[sflag:s10] =	ssyncadd.s32 $0xFFFFE640  }
0x32: {  	_ =	sfence.sel $0x180000  }
0x33: {  	[bflag:$0x0] =	sbarrier.arrive $0xFFFF  }
0x34: {  	p0 =	sne.s32 s0, $0x0;
	_ =	strace $0x90000047  }
0x35: {  	s0 =	sadd.s32 @!p0 $0x100000, s1;
	[bflag:$0x2] =	sbarrier.arrive $0xFFFF  }
0x36: {  	[sflag:s0] =	ssyncadd.tile.s32 @!p0 $0x1;
	_ =	shalt  }
.Lfunc_end2:
_tile_overlayer_lowered:
.L_overlay_start_2:
0x37: {  	(tag) =	ssettag $0x2  }
0x38: {  	s0 =	rddreg [dreg:$0x0];
	s2 =	stileid.u32  }
0x39: {  	s1 =	rddreg [dreg:$0x1];
	p0 =	sne.s32 s2, $0x0  }
0x3a: {  	s3 =	rddreg [dreg:$0x2];
	[bflag:$0x3] =	sbarrier.arrive $0xFFFF;
	s2 =	simm.s32 @!p0 $0x1C01  }
0x3b: {  	[timem:s3], [sflag:s2] =	dma.local @!p0 [hbm:s0], s1  }
0x3c: {  	s0 =	simm.s32 @!p0 $0x1  }
0x3d: {  	_ =	swait.ge @!p0 [sflag:s0], s1  }
0x3e: {  	s1 =	ssub.s32 @!p0 $0x0, s1;
	[sflag:s0] =	ssyncset.done @!p0 $0x0  }
0x3f: {  	[sflag:s0] =	ssyncadd.s32 @!p0 s1  }
0x40: {  	[bflag:$0x3] =	sbarrier.arrive $0xFFFF  }
0x41: {  	_ =	shalt  }

// kernel: kernel.13.cloned.1.call-start
scs
__scs_entry_jumppad:
0x0: {  	(pc) =	sbr.rel $0x88, $3  }
0x1: {  	(tag) =	ssettag $0x0;
	lr =	simm.s32 $0x1  }
0x2: {  	[smem:$0x3F82] =	sst lr;
	_ =	strace $0xD0000000  }
0x3: {  	_ = 	snop  }
0x4: {  	_ = 	snop  }
0x5: {  	_ = 	snop  }
0x6: {  	_ = 	snop  }
0x7: {  	_ = 	snop  }
__scs_overlays_trampoline_lowered:
0x8: {  	[smem:$0x3F91] =	sst s0  }
0x9: {  	[smem:$0x3F92] =	sst s1  }
0xa: {  	[smem:$0x3F93] =	sst s2  }
0xb: {  	[smem:$0x3F94] =	sst s3  }
0xc: {  	[smem:$0x3F95] =	sst s4  }
0xd: {  	[smem:$0x3F96] =	sst s5  }
0xe: {  	[smem:$0x3F97] =	sst s6  }
0xf: {  	[smem:$0x3F98] =	sst s7  }
0x10: {  	[smem:$0x3F99] =	sst s8  }
0x11: {  	[smem:$0x3F9A] =	sst s9;
	s0 =	simm.s32 @!p0 $0x0  }
0x12: {  	s1 =	sld [smem:$0x3F80];
	s0 =	simm.s32 @p0 $0x1  }
0x13: {  	[smem:$0x3F9B] =	sst s0;
	s0 =	simm.s32 @!p1 $0x0  }
0x14: {  	s2 =	sld [smem:$0x3F7F];
	s0 =	simm.s32 @p1 $0x1  }
0x15: {  	[smem:$0x3F9C] =	sst s0;
	s0 =	simm.s32 @!p2 $0x0  }
0x16: {  	s3 =	sld [smem:$0x3FDB];
	s0 =	simm.s32 @p2 $0x1  }
0x17: {  	s4 =	simm.s32 $0x1BF5;
	[smem:$0x3F9E] =	sst s0  }
0x18: {  	s0 =	sld [smem:$0x3F81];
	_ =	swait.ge [sflag:s4], $0x0  }
0x19: {  	s7 =	sld [smem:$0x3F82]  }
0x1a: {  	s8 =	sadd.s32 $0xFFFFE003, lr  }
0x1b: {  	s9 =	sadd.s32 $0xFFFFFEF7, lr;
	s5 =	simm.s32 $0xFFFFFFFF;
	p2 =	slt.u32 s8, $0xFFFFF086  }
0x1c: {  	p1 =	slt.u32 s9, $0xF7A;
	s5 =	simm.s32 @!p2 $0x0  }
0x1d: {  	s5 =	simm.s32 @p1 $0x1;
	p0 =	seq.s32 s7, s2  }
0x1e: {  	s7 =	smul.u32 @!p0 $0xF7A, s2;
	p2 =	seq.s32 @!p0 s5, $0x0  }
0x1f: {  	s9 =	smul.u32 $0xF7A, s1;
	s8 =	simm.s32 @!p0 $0x1BF5;
	p2 =	por !p2, p0  }
0x20: {  	[sflag:s8] =	ssyncset.s32 @!p0 $0xFFFFF086;
	s6 =	sadd.s32 @!p0 s3, s7;
	s7 =	simm.s32 @!p0 $0x108  }
0x21: {  	s3 =	sadd.s32 s3, s9;
	s6 =	sadd.s32 @!p0 $0x88, s6;
	s7 =	simm.s32 @p2 $0x1082  }
0x22: {  	[simem:s7], [sflag:s8] =	dma.local @!p0 [hbm:s6], $0xF7A  }
0x23: {  	s9 =	sor.u32 $0xD0000000, s2;
	s6 =	simm.s32 $0x108;
	_ =	swait.ge @!p0 [sflag:s8], $0x0  }
0x24: {  	s3 =	sadd.s32 $0x88, s3;
	s6 =	simm.s32 @!p1 $0x1082;
	[sflag:s4] =	ssyncset.s32 $0xFFFFF086  }
0x25: {  	[simem:s6], [sflag:s4] =	dma.local [hbm:s3], $0xF7A  }
0x26: {  	[smem:$0x3F82] =	sst s1;
	(tag) =	ssettag s2;
	_ =	strace s9  }
0x27: {  	s1 =	sld [smem:$0x3F92]  }
0x28: {  	s2 =	sld [smem:$0x3F93]  }
0x29: {  	s4 =	sld [smem:$0x3F95]  }
0x2a: {  	p0 =	seq.s32 s5, $0x0;
	s5 =	sld [smem:$0x3F96]  }
0x2b: {  	s6 =	sld [smem:$0x3F97]  }
0x2c: {  	s7 =	sld [smem:$0x3F98]  }
0x2d: {  	s3 =	simm.s32 $0x108;
	s8 =	sld [smem:$0x3F99]  }
0x2e: {  	s3 =	simm.s32 @!p0 $0x1082;
	s9 =	sld [smem:$0x3F9A]  }
0x2f: {  	lr =	sadd.s32 s0, s3;
	s0 =	sld [smem:$0x3F91]  }
0x30: {  	s3 =	sld [smem:$0x3F94]  }
0x31: {  	[smem:$0x3F9D] =	sst s10  }
0x32: {  	s10 =	sld [smem:$0x3F9B];
	_ =	sdelay $0x3  }
0x33: {  	p0 =	seq.s32 s10, $0x1;
	s10 =	sld [smem:$0x3F9D];
	_ =	sdelay $0x3  }
0x34: {  	[smem:$0x3F9D] =	sst s10  }
0x35: {  	s10 =	sld [smem:$0x3F9C];
	_ =	sdelay $0x3  }
0x36: {  	p1 =	seq.s32 s10, $0x1;
	s10 =	sld [smem:$0x3F9D];
	_ =	sdelay $0x3  }
0x37: {  	[smem:$0x3F9D] =	sst s10  }
0x38: {  	s10 =	sld [smem:$0x3F9E]  }
0x39: {  	_ = 	snop;
	(pc) =	sbr.ind lr, $3  }
0x3a: {  	_ = 	snop  }
0x3b: {  	_ = 	snop  }
0x3c: {  	p2 =	seq.s32 s10, $0x1;
	s10 =	sld [smem:$0x3F9D]  }
0x3d: {  	_ =	shalt  }
0x3e: {  	_ =	shalt  }
0x3f: {  	_ =	shalt  }
0x40: {  	_ =	shalt  }
0x41: {  	_ =	shalt  }
0x42: {  	_ =	shalt  }
0x43: {  	_ =	shalt  }
0x44: {  	_ =	shalt  }
0x45: {  	_ =	shalt  }
0x46: {  	_ =	shalt  }
0x47: {  	_ =	shalt  }
0x48: {  	_ =	shalt  }
0x49: {  	_ =	shalt  }
0x4a: {  	_ =	shalt  }
0x4b: {  	_ =	shalt  }
0x4c: {  	_ =	shalt  }
0x4d: {  	_ =	shalt  }
0x4e: {  	_ =	shalt  }
0x4f: {  	_ =	shalt  }
0x50: {  	_ =	shalt  }
0x51: {  	_ =	shalt  }
0x52: {  	_ =	shalt  }
0x53: {  	_ =	shalt  }
0x54: {  	_ =	shalt  }
0x55: {  	_ =	shalt  }
0x56: {  	_ =	shalt  }
0x57: {  	_ =	shalt  }
0x58: {  	_ =	shalt  }
0x59: {  	_ =	shalt  }
0x5a: {  	_ =	shalt  }
0x5b: {  	_ =	shalt  }
0x5c: {  	_ =	shalt  }
0x5d: {  	_ =	shalt  }
0x5e: {  	_ =	shalt  }
0x5f: {  	_ =	shalt  }
0x60: {  	_ =	shalt  }
0x61: {  	_ =	shalt  }
0x62: {  	_ =	shalt  }
0x63: {  	_ =	shalt  }
0x64: {  	_ =	shalt  }
0x65: {  	_ =	shalt  }
0x66: {  	_ =	shalt  }
0x67: {  	_ =	shalt  }
0x68: {  	_ =	shalt  }
0x69: {  	_ =	shalt  }
0x6a: {  	_ =	shalt  }
0x6b: {  	_ =	shalt  }
0x6c: {  	_ =	shalt  }
0x6d: {  	_ =	shalt  }
0x6e: {  	_ =	shalt  }
0x6f: {  	_ =	shalt  }
0x70: {  	_ =	shalt  }
0x71: {  	_ =	shalt  }
0x72: {  	_ =	shalt  }
0x73: {  	_ =	shalt  }
0x74: {  	_ =	shalt  }
0x75: {  	_ =	shalt  }
0x76: {  	_ =	shalt  }
0x77: {  	_ =	shalt  }
0x78: {  	_ =	shalt  }
0x79: {  	_ =	shalt  }
0x7a: {  	_ =	shalt  }
0x7b: {  	_ =	shalt  }
0x7c: {  	_ =	shalt  }
0x7d: {  	_ =	shalt  }
0x7e: {  	_ =	shalt  }
0x7f: {  	_ =	shalt  }
0x80: {  	_ =	shalt  }
0x81: {  	_ =	shalt  }
0x82: {  	_ =	shalt  }
0x83: {  	_ =	shalt  }
0x84: {  	_ =	shalt  }
0x85: {  	_ =	shalt  }
0x86: {  	_ =	shalt  }
0x87: {  	_ =	shalt  }
.Lfunc_end0:
.L_simem_size_0:
called_computation.1_lowered:
.L_overlay_start_0:
0x88: {  	s2 =	sld [smem:$0x3FD9]  }
0x89: {  	s3 =	sld [smem:$0x3FFE];
	_ =	sdelay $0x1  }
0x8a: {  	s1 =	srdreg.scid  }
0x8b: {  	s0 =	sand.u32 $0x1, s1  }
0x8c: {  	s16 =	sshll.u32 s0, $0xA;
	s2 =	sadd.s32 s3, s2  }
0x8d: {  	s2 =	sadd.s32 s2, s16  }
0x8e: {  	[smem:$0x3FA9] =	sst s2  }
0x8f: {  	_ = 	snop  }
0x90: {  	(tm) =	ssettm $0x1  }
0x91: {  	s17 =	sld [smem:$0x3FFB];
	_ =	sdelay $0x3  }
0x92: {  	_ =	strace s17  }
0x93: {  	s2 =	sld [smem:$0x3FFC];
	_ =	sdelay $0x3  }
0x94: {  	_ =	strace s2  }
0x95: {  	s2 =	sld [smem:$0x3FFD];
	_ =	sdelay $0x3  }
0x96: {  	_ =	strace s2  }
0x97: {  	_ =	strace $0x8FFFFFFF  }
0x98: {  	s18 =	sld [smem:$0x3FDB];
	_ =	sdelay $0x1  }
0x99: {  	s19 =	simm.s32 $_scs_section_size  }
0x9a: {  	s4 =	simm.s32 $_size__tile_overlayer_lowered;
	s5 =	simm.s32 $_tile_overlayer_lowered  }
0x9b: {  	s22 =	simm.s32 $0x1BFF;
	s21 =	sshll.u32 s5, $0x1;
	s2 =	sadd.s32 s19, s18  }
0x9c: {  	s6 =	simm.s32 $0x0;
	s20 =	sshll.u32 s4, $0x1;
	s4 =	sadd.s32 s21, s2  }
0x9d: {  	[timem:s6], [sflag:s22] =	dma.local [hbm:s4], s20  }
0x9e: {  	_ =	swait.ge [sflag:s22], s20  }
0x9f: {  	s3 =	ssub.s32 $0x0, s20;
	[sflag:s22] =	ssyncset.done $0x0  }
0xa0: {  	[sflag:s22] =	ssyncadd.s32 s3;
	_ =	sdelay $0x1  }
0xa1: {  	s23 =	simm.s32 $0x1B8B  }
0xa2: {  	_ =	swait.ge [sflag:s23], $0x1  }
0xa3: {  	[sflag:s23] =	ssyncset.done $0x0  }
0xa4: {  	s25 =	simm.s32 $0x1B8E;
	s24 =	sld [smem:$0x3FFE];
	[sflag:s23] =	ssyncadd.s32 $0xFFFFFFFF  }
0xa5: {  	s26 =	simm.s32 $execute0_lowered;
	[smem:$0x3FD2] =	sst s25  }
0xa6: {  	s4 =	sshll.u32 s26, $0x1;
	_ =	strace $0x80000049;
	[dreg:$0x1] =	wrdreg $0xFFFFFFFF  }
0xa7: {  	s28 =	simm.s32 $_size_execute0_lowered;
	s2 =	sadd.s32 s2, s4;
	[dreg:$0x0] =	wrdreg $0x0  }
0xa8: {  	s4 =	sshll.u32 s28, $0x1;
	[dreg:$0x2] =	wrdreg s2  }
0xa9: {  	[dreg:$0x3] =	wrdreg s4  }
0xaa: {  	[dreg:$0x4] =	wrdreg $0xC0  }
0xab: {  	_ =	task [dreg:s6], $0x5FFFF  }
0xac: {  	[dreg:$0x1] =	wrdreg $0xFFFFFFFF  }
0xad: {  	[dreg:$0x0] =	wrdreg $0x60  }
0xae: {  	[dreg:$0x2] =	wrdreg s24  }
0xaf: {  	[dreg:$0x3] =	wrdreg $0x9  }
0xb0: {  	_ =	task.clear_ibuf [dreg:s6], $0x4FFFF;
	_ =	strace $0x90000049  }
0xb1: {  	s29 =	simm.s32 $0x9;
	_ =	strace $0x8000004B  }
0xb2: {  	_ =	swait.ge [sflag:s29], $0x1  }
0xb3: {  	[sflag:s29] =	ssyncadd.s32 $0xFFFFFFFF  }
0xb4: {  	_ =	strace $0x9000004B  }
0xb5: {  	_ =	sfence  }
0xb6: {  	s30 =	sld [smem:$0x0];
	_ =	sdelay $0x2  }
0xb7: {  	s31 =	sshll.u32 s1, $0xD;
	s1 =	sshrl.u32 s1, $0x2  }
0xb8: {  	s3 =	sand.u32 $0x4000, s31;
	s1 =	sadd.s32 s1, s30  }
0xb9: {  	s0 =	sor.u32 s3, s0;
	s1 =	sshll.u32 s1, $0x11  }
0xba: {  	s0 =	sor.u32 s1, s0  }
0xbb: {  	s0 =	sadd.s32 $0x8F2B, s0  }
0xbc: {  	[sflag:s0] =	ssyncadd.remote.s32 $0x1  }
0xbd: {  	_ =	sfence.sel $0xFFFF  }
0xbe: {  	[dreg:$0x0] =	wrdreg $0xFFFFFFFF;
	(pc) =	sbr.abs _section_cstart, $3  }
0xbf: {  	[dreg:$0x1] =	wrdreg $0xFFFFFFFF  }
0xc0: {  	_ =	task.clear_ibuf [dreg:s6], $0x2FFFF;
	_ =	strace $0x9FFFFFFF  }
0xc1: {  	(tm) =	ssettm $0x7FFFFFFF  }
tec
execute0_lowered:
.L_overlay_start_1:
0x0: {  	(tag) =	ssettag $0x1  }
0x1: {  	s1 =	srdreg.scid  }
0x2: {  	s20 =	stileid.u32;
	s0 =	rddreg [dreg:$0x0]  }
0x3: {  	s21 =	rddreg [dreg:$0x1];
	s2 =	simm.s32 $0x0;
	s31 =	simm.s32 $0x1  }
0x4: {  	s29 =	simm.s32 $0x380;
	s1 =	sand.u32 $0x1, s1;
	s3 =	sshll.u32 s20, $0x1  }
0x5: {  	p0 =	por $0x0, $0x0;
	s30 =	simm.s32 $0x280;
	s4 =	sor.u32 s1, s3  }
0x6: {  	[smem:$0x7FF] =	sst s2;
	s7 =	sadd.s32 $0x107200, s0;
	s23 =	smul.u32 $0x1900, s4  }
0x7: {  	s11 =	sadd.s32 $0x26400, s0;
	s9 =	sadd.s32 $0x155200, s0;
	s5 =	smul.u32 $0xD0, s4  }
0x8: {  	_ =	strace $0x8000004A;
	s6 =	smul.u32 $0x190, s4;
	s25 =	sadd.s32 s9, s23  }
0x9: {  	s5 =	sadd.s32 s5, s0;
	s23 =	simm.s32 $0x2380;
	[dreg:$0xb] =	wrdreg s25  }
0xa: {  	s10 =	sadd.s32 $0x13B200, s0;
	s8 =	sadd.s32 $0x21800, s5;
	[dreg:$0x18] =	wrdreg s23  }
0xb: {  	s6 =	sadd.s32 s6, s0;
	s13 =	sadd.s32 $0x1B200, s5;
	[dreg:$0x2] =	wrdreg s8  }
0xc: {  	s3 =	sadd.s32 $0xEEA00, s0;
	s14 =	sadd.s32 $0x23200, s6;
	[dreg:$0x3] =	wrdreg s13  }
0xd: {  	s1 =	ssub.s32 $0x2, s1;
	s15 =	sadd.s32 $0x1CC00, s6;
	[dreg:$0x4] =	wrdreg s14  }
0xe: {  	s12 =	smul.u32 $0xD000, s4;
	s16 =	sadd.s32 $0x1FE00, s5;
	[dreg:$0x5] =	wrdreg s15  }
0xf: {  	s22 =	smul.u32 $0xC800, s4;
	s17 =	sadd.s32 $0x19800, s5;
	[dreg:$0x6] =	wrdreg s16  }
0x10: {  	s28 =	smul.u32 $0x6800, s4;
	s24 =	sadd.s32 $0x8400, s5;
	[dreg:$0x7] =	wrdreg s17  }
0x11: {  	s18 =	sshrl.u32 s12, $0x3;
	s6 =	sadd.s32 $0xB800, s6;
	[dreg:$0xa] =	wrdreg s24  }
0x12: {  	s5 =	sadd.s32 $0x9E00, s5;
	s25 =	simm.s32 $0x2B00;
	[dreg:$0xe] =	wrdreg s6  }
0x13: {  	s13 =	smul.u32 $0x1A00, s4;
	s8 =	sshrl.u32 s22, $0x3;
	[dreg:$0x11] =	wrdreg s5  }
0x14: {  	s4 =	smul.u32 $0xD00, s4;
	s15 =	simm.s32 $0xA00;
	[dreg:$0x1a] =	wrdreg s25  }
0x15: {  	s16 =	simm.s32 $0x1B680;
	s17 =	simm.s32 $0x1200;
	[dreg:$0x12] =	wrdreg s15  }
0x16: {  	s6 =	simm.s32 $0x2;
	s22 =	simm.s32 $0x1700;
	[dreg:$0x13] =	wrdreg s16  }
0x17: {  	s5 =	simm.s32 $0xA;
	s24 =	simm.s32 $0x1C380;
	[dreg:$0x14] =	wrdreg s17  }
0x18: {  	s8 =	sadd.s32 s9, s8;
	s9 =	sshrl.u32 s28, $0x3;
	[dreg:$0x17] =	wrdreg s22  }
0x19: {  	s17 =	simm.s32 $0x500;
	[dreg:$0x19] =	wrdreg s24;
	s28 =	simm.s32 $0x1CB00  }
0x1a: {  	s16 =	simm.s32 $0x6;
	s15 =	rddreg [dreg:$0x2];
	s19 =	sadd.s32 s7, s13  }
0x1b: {  	s7 =	sadd.s32 s7, s18;
	s26 =	sadd.s32 $0xA00, s8;
	[dreg:$0x1c] =	wrdreg s28  }
0x1c: {  	s8 =	sadd.s32 $0x1400, s8;
	s4 =	sadd.s32 s10, s4;
	[dreg:$0x8] =	wrdreg s19  }
0x1d: {  	s12 =	sadd.s32 s10, s9;
	s13 =	sshrl.u32 s1, $0x1;
	[dreg:$0xc] =	wrdreg s26  }
0x1e: {  	s18 =	simm.s32 $0x1E80;
	s9 =	simm.s32 $0x8;
	[dreg:$0xd] =	wrdreg s8  }
0x1f: {  	s7 =	sadd.s32 $0xE00, s7;
	[dreg:$0xf] =	wrdreg s4;
	s1 =	ssub.s32 s1, s13  }
0x20: {  	s10 =	simm.s32 $0x9;
	[dreg:$0x9] =	wrdreg s7;
	s7 =	smax.u32 s1, $0x1  }
0x21: {  	s14 =	sadd.s32 $0xA00, s12;
	s4 =	sadd.s32 $0x5000, s0;
	p1 =	sne.s32 s7, $0x1  }
.Ltmp0:
0x22: {  	[dreg:$0x15] =	wrdreg s18;
	s19 =	simm.s32 $0x1BE80;
	(pc) =	sbr.rel @!p1 .LBB2_5-.Ltmp0, $4  }
0x23: {  	s0 =	simm.s32 $0x3;
	s12 =	simm.s32 $0x11300;
	[dreg:$0x10] =	wrdreg s14  }
0x24: {  	s26 =	simm.s32 $0x3180;
	s13 =	simm.s32 $0x16300;
	[dreg:$0x16] =	wrdreg s19  }
0x25: {  	s18 =	simm.s32 $0x4;
	s8 =	simm.s32 $0xB;
	[dreg:$0x1b] =	wrdreg s26  }
0x26: {  	s19 =	simm.s32 $0x5;
	s14 =	simm.s32 $0x7;
	s26 =	sadd.s32 $0xFFFFFFFF, s7  }
0x27: {  	[tilespmem:s2], [sflag:$0x1] =	stream.linear.gather [hbm4b:s15+s2], $0x680, $0x38;
	[tilespmem:$0x1CC80] =	vst v63  }
0x28: {  	s7 =	rddreg [dreg:$0x3];
	s22 =	simm.s32 $0x680  }
0x29: {  	[tilespmem:s22], [sflag:$0x1] =	stream.linear.gather [hbm4b:s7+s2], $0x680, $0x38;
	[tilespmem:$0x1CC80] =	vst v63  }
0x2a: {  	s23 =	rddreg [dreg:$0x4];
	s1 =	simm.s32 $0xD00  }
0x2b: {  	[tilespmem:s1], [sflag:$0x1] =	stream.linear.gather [hbm4b:s23+s2], $0xC80, $0x38;
	[tilespmem:$0x1CC80] =	vst v63  }
0x2c: {  	s24 =	rddreg [dreg:$0x5];
	s21 =	simm.s32 $0x1980  }
0x2d: {  	[tilespmem:s21], [sflag:$0x1] =	stream.linear.gather [hbm4b:s24+s2], $0xC80, $0x38;
	[tilespmem:$0x1CC80] =	vst v63  }
0x2e: {  	s25 =	rddreg [dreg:$0x6];
	s20 =	simm.s32 $0x2600  }
0x2f: {  	[tilespmem:s20], [sflag:$0x1] =	stream.linear.gather [hbm4b:s25+s2], $0x680, $0x38;
	[tilespmem:$0x1CC80] =	vst v63  }
0x30: {  	s28 =	rddreg [dreg:$0x7];
	s23 =	simm.s32 $0x2C80  }
0x31: {  	[tilespmem:s23], [sflag:$0x1] =	stream.linear.gather [hbm4b:s28+s2], $0x680, $0x38;
	[tilespmem:$0x1CC80] =	vst v63  }
0x32: {  	_ =	swait.ge [sflag:s31], $0x680  }
0x33: {  	[sflag:s31] =	ssyncset.done $0x0  }
0x34: {  	[sflag:s31] =	ssyncadd.s32 $0xFFFFF980  }
0x35: {  	_ =	swait.ge [sflag:s31], $0x680  }
0x36: {  	[sflag:s31] =	ssyncset.done $0x0  }
0x37: {  	[sflag:s31] =	ssyncadd.s32 $0xFFFFF980  }
0x38: {  	_ =	swait.ge [sflag:s31], $0xC80  }
0x39: {  	[sflag:s31] =	ssyncset.done $0x0  }
0x3a: {  	[sflag:s31] =	ssyncadd.s32 $0xFFFFF380  }
0x3b: {  	_ =	swait.ge [sflag:s31], $0xC80  }
0x3c: {  	[sflag:s31] =	ssyncset.done $0x0  }
0x3d: {  	[sflag:s31] =	ssyncadd.s32 $0xFFFFF380  }
0x3e: {  	_ =	swait.ge [sflag:s31], $0x680  }
0x3f: {  	[sflag:s31] =	ssyncset.done $0x0  }
0x40: {  	[sflag:s31] =	ssyncadd.s32 $0xFFFFF980  }
0x41: {  	_ =	swait.ge [sflag:s31], $0x680  }
0x42: {  	[sflag:s31] =	ssyncset.done $0x0  }
0x43: {  	s28 =	simm.s32 $0x3300;
	[sflag:s31] =	ssyncadd.s32 $0xFFFFF980  }
0x44: {  	[tilespmem:s28], [sflag:$0x2] =	stream.indirect.gather [hbm4b:s11+s29], $0x20, s2, s29, $0xb8;
	[tilespmem:$0x1CC80] =	vst v63  }
0x45: {  	s25 =	simm.s32 $0x1B300  }
0x46: {  	[tilespmem:s25], [sflag:$0xA] =	stream.indirect.gather [hbm4b:s4+s29], $0x1, s22, s29, $0xb8;
	[tilespmem:$0x1CC80] =	vst v63  }
0x47: {  	s24 =	simm.s32 $0xA300;
	s7 =	rddreg [dreg:$0x13];
	s22 =	simm.s32 $0x300  }
0x48: {  	[tilespmem:s24], [sflag:$0x3] =	stream.indirect.gather [hbm4b:s11+s22], $0x20, s29, s22, $0xb8;
	[tilespmem:$0x1CC80] =	vst v63  }
0x49: {  	s15 =	rddreg [dreg:$0x12]  }
0x4a: {  	[tilespmem:s7], [sflag:$0xA] =	stream.indirect.gather [hbm4b:s4+s22], $0x1, s15, s22, $0xb8;
	[tilespmem:$0x1CC80] =	vst v63  }
0x4b: {  	_ =	swait.ge [sflag:s6], $0x7000  }
0x4c: {  	[sflag:s6] =	ssyncset.done $0x0  }
0x4d: {  	s15 =	rddreg [dreg:$0x8];
	[sflag:s6] =	ssyncadd.s32 $0xFFFF9000  }
0x4e: {  	[hbm4b:s15+s2] =	stream.linear.scatter [tilespmem:s28], [sflag:$0x6], $0x7000, $0x38;
	[tilespmem:$0x1CC80] =	vst v63  }
0x4f: {  	_ =	swait.ge [sflag:s0], $0x6000  }
0x50: {  	[sflag:s0] =	ssyncset.done $0x0  }
0x51: {  	s22 =	rddreg [dreg:$0x9];
	[sflag:s0] =	ssyncadd.s32 $0xFFFFA000  }
0x52: {  	[hbm4b:s22+s2] =	stream.linear.scatter [tilespmem:s24], [sflag:$0x7], $0x6000, $0x38;
	[tilespmem:$0x1CC80] =	vst v63  }
0x53: {  	_ =	swait.ge [sflag:s5], $0x380  }
0x54: {  	[sflag:s5] =	ssyncset.done $0x0  }
0x55: {  	[sflag:s5] =	ssyncadd.s32 $0xFFFFFC80  }
0x56: {  	_ =	swait.ge [sflag:s5], $0x300  }
0x57: {  	[sflag:s5] =	ssyncset.done $0x0  }
0x58: {  	s24 =	rddreg [dreg:$0xa];
	[sflag:s5] =	ssyncadd.s32 $0xFFFFFD00  }
0x59: {  	[hbm4b:s24+s2] =	stream.linear.scatter [tilespmem:s25], [sflag:$0xB], $0x680, $0x38;
	[tilespmem:$0x1CC80] =	vst v63  }
0x5a: {  	_ = 	snop  }
0x5b: {  	[tilespmem:s12], [sflag:$0x4] =	stream.indirect.gather [hbm4b:s3+s17], $0x10, s1, s17, $0xb8;
	[tilespmem:$0x1CC80] =	vst v63  }
0x5c: {  	s28 =	rddreg [dreg:$0x16];
	s1 =	simm.s32 $0x1B980  }
0x5d: {  	[tilespmem:s1], [sflag:$0xA] =	stream.indirect.gather [hbm4b:s4+s17], $0x1, s21, s17, $0xb8;
	[tilespmem:$0x1CC80] =	vst v63  }
0x5e: {  	s7 =	rddreg [dreg:$0x14]  }
0x5f: {  	[tilespmem:s13], [sflag:$0x5] =	stream.indirect.gather [hbm4b:s3+s17], $0x10, s7, s17, $0xb8;
	[tilespmem:$0x1CC80] =	vst v63  }
0x60: {  	s24 =	rddreg [dreg:$0x15]  }
0x61: {  	[tilespmem:s28], [sflag:$0xA] =	stream.indirect.gather [hbm4b:s4+s17], $0x1, s24, s17, $0xb8;
	[tilespmem:$0x1CC80] =	vst v63  }
0x62: {  	_ =	swait.ge [sflag:s18], $0x5000  }
0x63: {  	[sflag:s18] =	ssyncset.done $0x0  }
0x64: {  	s25 =	rddreg [dreg:$0xb];
	[sflag:s18] =	ssyncadd.s32 $0xFFFFB000  }
0x65: {  	[hbm4b:s25+s2] =	stream.linear.scatter [tilespmem:s12], [sflag:$0x8], $0x5000, $0x38;
	[tilespmem:$0x1CC80] =	vst v63  }
0x66: {  	_ =	swait.ge [sflag:s9], $0x5000  }
0x67: {  	s28 =	rddreg [dreg:$0x17];
	[sflag:s9] =	ssyncset.done $0x0  }
0x68: {  	s7 =	rddreg [dreg:$0x19];
	[sflag:s9] =	ssyncadd.s32 $0xFFFFB000  }
0x69: {  	[tilespmem:s12], [sflag:$0x4] =	stream.indirect.gather [hbm4b:s3+s30], $0x10, s28, s30, $0xb8;
	[tilespmem:$0x1CC80] =	vst v63  }
0x6a: {  	s22 =	rddreg [dreg:$0x18]  }
0x6b: {  	[tilespmem:s7], [sflag:$0xA] =	stream.indirect.gather [hbm4b:s4+s30], $0x1, s22, s30, $0xb8;
	[tilespmem:$0x1CC80] =	vst v63  }
0x6c: {  	_ =	swait.ge [sflag:s19], $0x5000  }
0x6d: {  	[sflag:s19] =	ssyncset.done $0x0  }
0x6e: {  	s24 =	rddreg [dreg:$0xc];
	[sflag:s19] =	ssyncadd.s32 $0xFFFFB000  }
0x6f: {  	[hbm4b:s24+s2] =	stream.linear.scatter [tilespmem:s13], [sflag:$0x9], $0x5000, $0x38;
	[tilespmem:$0x1CC80] =	vst v63  }
0x70: {  	_ =	swait.ge [sflag:s18], $0x2800  }
0x71: {  	[sflag:s18] =	ssyncset.done $0x0  }
0x72: {  	s25 =	rddreg [dreg:$0xd];
	[sflag:s18] =	ssyncadd.s32 $0xFFFFD800  }
0x73: {  	[hbm4b:s25+s2] =	stream.linear.scatter [tilespmem:s12], [sflag:$0x8], $0x2800, $0x38;
	[tilespmem:$0x1CC80] =	vst v63  }
0x74: {  	_ =	swait.ge [sflag:s5], $0x500  }
0x75: {  	[sflag:s5] =	ssyncset.done $0x0  }
0x76: {  	[sflag:s5] =	ssyncadd.s32 $0xFFFFFB00  }
0x77: {  	_ =	swait.ge [sflag:s5], $0x500  }
0x78: {  	[sflag:s5] =	ssyncset.done $0x0  }
0x79: {  	[sflag:s5] =	ssyncadd.s32 $0xFFFFFB00  }
0x7a: {  	_ =	swait.ge [sflag:s5], $0x280  }
0x7b: {  	[sflag:s5] =	ssyncset.done $0x0  }
0x7c: {  	s28 =	rddreg [dreg:$0xe];
	[sflag:s5] =	ssyncadd.s32 $0xFFFFFD80  }
0x7d: {  	[hbm4b:s28+s2] =	stream.linear.scatter [tilespmem:s1], [sflag:$0xB], $0xC80, $0x38;
	[tilespmem:$0x1CC80] =	vst v63  }
0x7e: {  	_ =	swait.ge [sflag:s9], $0x2800  }
0x7f: {  	[sflag:s9] =	ssyncset.done $0x0  }
0x80: {  	[sflag:s9] =	ssyncadd.s32 $0xFFFFD800  }
0x81: {  	[tilespmem:s12], [sflag:$0x4] =	stream.indirect.gather [hbm4b:s3+s17], $0x10, s20, s17, $0xb8;
	[tilespmem:$0x1CC80] =	vst v63  }
0x82: {  	s1 =	simm.s32 $0x1C600  }
0x83: {  	[tilespmem:s1], [sflag:$0xA] =	stream.indirect.gather [hbm4b:s4+s17], $0x1, s23, s17, $0xb8;
	[tilespmem:$0x1CC80] =	vst v63  }
0x84: {  	_ =	swait.ge [sflag:s10], $0x5000  }
0x85: {  	s15 =	rddreg [dreg:$0x1a];
	[sflag:s10] =	ssyncset.done $0x0  }
0x86: {  	s23 =	simm.s32 $0x180;
	s20 =	rddreg [dreg:$0x1c];
	[sflag:s10] =	ssyncadd.s32 $0xFFFFB000  }
0x87: {  	[tilespmem:s13], [sflag:$0x5] =	stream.indirect.gather [hbm4b:s3+s23], $0x10, s15, s23, $0xb8;
	[tilespmem:$0x1CC80] =	vst v63  }
0x88: {  	s22 =	rddreg [dreg:$0x1b]  }
0x89: {  	[tilespmem:s20], [sflag:$0xA] =	stream.indirect.gather [hbm4b:s4+s23], $0x1, s22, s23, $0xb8;
	[tilespmem:$0x1CC80] =	vst v63  }
0x8a: {  	_ =	swait.ge [sflag:s18], $0x5000  }
0x8b: {  	[sflag:s18] =	ssyncset.done $0x0  }
0x8c: {  	s24 =	rddreg [dreg:$0xf];
	[sflag:s18] =	ssyncadd.s32 $0xFFFFB000  }
0x8d: {  	[hbm4b:s24+s2] =	stream.linear.scatter [tilespmem:s12], [sflag:$0x8], $0x5000, $0x38;
	[tilespmem:$0x1CC80] =	vst v63  }
0x8e: {  	_ =	swait.ge [sflag:s19], $0x1800  }
0x8f: {  	[sflag:s19] =	ssyncset.done $0x0  }
0x90: {  	s25 =	rddreg [dreg:$0x10];
	[sflag:s19] =	ssyncadd.s32 $0xFFFFE800  }
0x91: {  	[hbm4b:s25+s2] =	stream.linear.scatter [tilespmem:s13], [sflag:$0x9], $0x1800, $0x38;
	[tilespmem:$0x1CC80] =	vst v63  }
0x92: {  	_ =	swait.ge [sflag:s5], $0x500  }
0x93: {  	[sflag:s5] =	ssyncset.done $0x0  }
0x94: {  	[sflag:s5] =	ssyncadd.s32 $0xFFFFFB00  }
0x95: {  	_ =	swait.ge [sflag:s5], $0x180  }
0x96: {  	[sflag:s5] =	ssyncset.done $0x0  }
0x97: {  	s28 =	rddreg [dreg:$0x11];
	[sflag:s5] =	ssyncadd.s32 $0xFFFFFE80  }
0x98: {  	[hbm4b:s28+s2] =	stream.linear.scatter [tilespmem:s1], [sflag:$0xB], $0x680, $0x38;
	[tilespmem:$0x1CC80] =	vst v63  }
0x99: {  	_ =	swait.ge [sflag:s16], $0x7000  }
0x9a: {  	[sflag:s16] =	ssyncset.done $0x0  }
0x9b: {  	[sflag:s16] =	ssyncadd.s32 $0xFFFF9000  }
0x9c: {  	_ =	swait.ge [sflag:s14], $0x6000  }
0x9d: {  	[sflag:s14] =	ssyncset.done $0x0  }
0x9e: {  	[sflag:s14] =	ssyncadd.s32 $0xFFFFA000  }
0x9f: {  	_ =	swait.ge [sflag:s9], $0x5000  }
0xa0: {  	[sflag:s9] =	ssyncset.done $0x0  }
0xa1: {  	[sflag:s9] =	ssyncadd.s32 $0xFFFFB000  }
0xa2: {  	_ =	swait.ge [sflag:s10], $0x1800  }
0xa3: {  	[sflag:s10] =	ssyncset.done $0x0  }
0xa4: {  	[sflag:s10] =	ssyncadd.s32 $0xFFFFE800  }
0xa5: {  	_ =	swait.ge [sflag:s8], $0x680  }
0xa6: {  	[sflag:s8] =	ssyncset.done $0x0  }
0xa7: {  	p1 =	sne.s32 s26, $0x1;
	[sflag:s8] =	ssyncadd.s32 $0xFFFFF980  }
.Ltmp1:
0xa8: {  	_ =	swait.ge [sflag:s8], $0xC80;
	(pc) =	sbr.rel @!p1 .LBB2_6-.Ltmp1, $4  }
0xa9: {  	[sflag:s8] =	ssyncset.done $0x0  }
0xaa: {  	[sflag:s8] =	ssyncadd.s32 $0xFFFFF380  }
0xab: {  	p0 =	por $0x1, $0x1;
	_ =	swait.ge [sflag:s8], $0x680  }
0xac: {  	s7 =	sadd.s32 $0xFFFFFFFF, s26;
	s15 =	rddreg [dreg:$0x2];
	[sflag:s8] =	ssyncset.done $0x0  }
0xad: {  	s28 =	simm.s32 $0x2C80  }
0xae: {  	s25 =	simm.s32 $0x3300;
	s24 =	simm.s32 $0x1B300;
	s26 =	simm.s32 $0xA300  }
.LBB2_3:
0xaf: {  	[sflag:s8] =	ssyncadd.s32 $0xFFFFF980  }
0xb0: {  	[tilespmem:s2], [sflag:$0x1] =	stream.linear.gather [hbm4b:s15+s2], $0x680, $0x38;
	[tilespmem:$0x1CC80] =	vst v63  }
0xb1: {  	s20 =	rddreg [dreg:$0x3];
	s23 =	simm.s32 $0x680  }
0xb2: {  	[tilespmem:s23], [sflag:$0x1] =	stream.linear.gather [hbm4b:s20+s2], $0x680, $0x38;
	[tilespmem:$0x1CC80] =	vst v63  }
0xb3: {  	s21 =	rddreg [dreg:$0x4];
	s1 =	simm.s32 $0xD00  }
0xb4: {  	[tilespmem:s1], [sflag:$0x1] =	stream.linear.gather [hbm4b:s21+s2], $0xC80, $0x38;
	[tilespmem:$0x1CC80] =	vst v63  }
0xb5: {  	s22 =	rddreg [dreg:$0x5];
	s21 =	simm.s32 $0x1980  }
0xb6: {  	[tilespmem:s21], [sflag:$0x1] =	stream.linear.gather [hbm4b:s22+s2], $0xC80, $0x38;
	[tilespmem:$0x1CC80] =	vst v63  }
0xb7: {  	s15 =	rddreg [dreg:$0x6];
	s22 =	simm.s32 $0x2600  }
0xb8: {  	[tilespmem:s22], [sflag:$0x1] =	stream.linear.gather [hbm4b:s15+s2], $0x680, $0x38;
	[tilespmem:$0x1CC80] =	vst v63  }
0xb9: {  	s20 =	rddreg [dreg:$0x7]  }
0xba: {  	[tilespmem:s28], [sflag:$0x1] =	stream.linear.gather [hbm4b:s20+s2], $0x680, $0x38;
	[tilespmem:$0x1CC80] =	vst v63  }
0xbb: {  	_ =	swait.ge [sflag:s31], $0x680  }
0xbc: {  	[sflag:s31] =	ssyncset.done $0x0  }
0xbd: {  	[sflag:s31] =	ssyncadd.s32 $0xFFFFF980  }
0xbe: {  	_ =	swait.ge [sflag:s31], $0x680  }
0xbf: {  	[sflag:s31] =	ssyncset.done $0x0  }
0xc0: {  	[sflag:s31] =	ssyncadd.s32 $0xFFFFF980  }
0xc1: {  	_ =	swait.ge [sflag:s31], $0xC80  }
0xc2: {  	[sflag:s31] =	ssyncset.done $0x0  }
0xc3: {  	[sflag:s31] =	ssyncadd.s32 $0xFFFFF380  }
0xc4: {  	_ =	swait.ge [sflag:s31], $0xC80  }
0xc5: {  	[sflag:s31] =	ssyncset.done $0x0  }
0xc6: {  	[sflag:s31] =	ssyncadd.s32 $0xFFFFF380  }
0xc7: {  	_ =	swait.ge [sflag:s31], $0x680  }
0xc8: {  	[sflag:s31] =	ssyncset.done $0x0  }
0xc9: {  	[sflag:s31] =	ssyncadd.s32 $0xFFFFF980  }
0xca: {  	_ =	swait.ge [sflag:s31], $0x680  }
0xcb: {  	[sflag:s31] =	ssyncset.done $0x0  }
0xcc: {  	[sflag:s31] =	ssyncadd.s32 $0xFFFFF980  }
0xcd: {  	[tilespmem:s25], [sflag:$0x2] =	stream.indirect.gather [hbm4b:s11+s29], $0x20, s2, s29, $0xb8;
	[tilespmem:$0x1CC80] =	vst v63  }
0xce: {  	_ = 	snop  }
0xcf: {  	[tilespmem:s24], [sflag:$0xA] =	stream.indirect.gather [hbm4b:s4+s29], $0x1, s23, s29, $0xb8;
	[tilespmem:$0x1CC80] =	vst v63  }
0xd0: {  	s15 =	rddreg [dreg:$0x13];
	s23 =	simm.s32 $0x300  }
0xd1: {  	[tilespmem:s26], [sflag:$0x3] =	stream.indirect.gather [hbm4b:s11+s23], $0x20, s29, s23, $0xb8;
	[tilespmem:$0x1CC80] =	vst v63  }
0xd2: {  	s20 =	rddreg [dreg:$0x12]  }
0xd3: {  	[tilespmem:s15], [sflag:$0xA] =	stream.indirect.gather [hbm4b:s4+s23], $0x1, s20, s23, $0xb8;
	[tilespmem:$0x1CC80] =	vst v63  }
0xd4: {  	_ =	swait.ge [sflag:s6], $0x7000  }
0xd5: {  	[sflag:s6] =	ssyncset.done $0x0  }
0xd6: {  	s20 =	rddreg [dreg:$0x8];
	[sflag:s6] =	ssyncadd.s32 $0xFFFF9000  }
0xd7: {  	[hbm4b:s20+s2] =	stream.linear.scatter [tilespmem:s25], [sflag:$0x6], $0x7000, $0x38;
	[tilespmem:$0x1CC80] =	vst v63  }
0xd8: {  	_ =	swait.ge [sflag:s0], $0x6000  }
0xd9: {  	[sflag:s0] =	ssyncset.done $0x0  }
0xda: {  	s23 =	rddreg [dreg:$0x9];
	[sflag:s0] =	ssyncadd.s32 $0xFFFFA000  }
0xdb: {  	[hbm4b:s23+s2] =	stream.linear.scatter [tilespmem:s26], [sflag:$0x7], $0x6000, $0x38;
	[tilespmem:$0x1CC80] =	vst v63  }
0xdc: {  	_ =	swait.ge [sflag:s5], $0x380  }
0xdd: {  	[sflag:s5] =	ssyncset.done $0x0  }
0xde: {  	[sflag:s5] =	ssyncadd.s32 $0xFFFFFC80  }
0xdf: {  	_ =	swait.ge [sflag:s5], $0x300  }
0xe0: {  	[sflag:s5] =	ssyncset.done $0x0  }
0xe1: {  	s20 =	rddreg [dreg:$0xa];
	[sflag:s5] =	ssyncadd.s32 $0xFFFFFD00  }
0xe2: {  	[hbm4b:s20+s2] =	stream.linear.scatter [tilespmem:s24], [sflag:$0xB], $0x680, $0x38;
	[tilespmem:$0x1CC80] =	vst v63  }
0xe3: {  	_ = 	snop  }
0xe4: {  	[tilespmem:s12], [sflag:$0x4] =	stream.indirect.gather [hbm4b:s3+s17], $0x10, s1, s17, $0xb8;
	[tilespmem:$0x1CC80] =	vst v63  }
0xe5: {  	s15 =	rddreg [dreg:$0x16];
	s1 =	simm.s32 $0x1B980  }
0xe6: {  	[tilespmem:s1], [sflag:$0xA] =	stream.indirect.gather [hbm4b:s4+s17], $0x1, s21, s17, $0xb8;
	[tilespmem:$0x1CC80] =	vst v63  }
0xe7: {  	s20 =	rddreg [dreg:$0x14]  }
0xe8: {  	[tilespmem:s13], [sflag:$0x5] =	stream.indirect.gather [hbm4b:s3+s17], $0x10, s20, s17, $0xb8;
	[tilespmem:$0x1CC80] =	vst v63  }
0xe9: {  	s23 =	rddreg [dreg:$0x15]  }
0xea: {  	[tilespmem:s15], [sflag:$0xA] =	stream.indirect.gather [hbm4b:s4+s17], $0x1, s23, s17, $0xb8;
	[tilespmem:$0x1CC80] =	vst v63  }
0xeb: {  	_ =	swait.ge [sflag:s18], $0x5000  }
0xec: {  	[sflag:s18] =	ssyncset.done $0x0  }
0xed: {  	s23 =	rddreg [dreg:$0xb];
	[sflag:s18] =	ssyncadd.s32 $0xFFFFB000  }
0xee: {  	[hbm4b:s23+s2] =	stream.linear.scatter [tilespmem:s12], [sflag:$0x8], $0x5000, $0x38;
	[tilespmem:$0x1CC80] =	vst v63  }
0xef: {  	_ =	swait.ge [sflag:s9], $0x5000  }
0xf0: {  	s20 =	rddreg [dreg:$0x17];
	[sflag:s9] =	ssyncset.done $0x0  }
0xf1: {  	s21 =	rddreg [dreg:$0x19];
	[sflag:s9] =	ssyncadd.s32 $0xFFFFB000  }
0xf2: {  	[tilespmem:s12], [sflag:$0x4] =	stream.indirect.gather [hbm4b:s3+s30], $0x10, s20, s30, $0xb8;
	[tilespmem:$0x1CC80] =	vst v63  }
0xf3: {  	s23 =	rddreg [dreg:$0x18]  }
0xf4: {  	[tilespmem:s21], [sflag:$0xA] =	stream.indirect.gather [hbm4b:s4+s30], $0x1, s23, s30, $0xb8;
	[tilespmem:$0x1CC80] =	vst v63  }
0xf5: {  	_ =	swait.ge [sflag:s19], $0x5000  }
0xf6: {  	[sflag:s19] =	ssyncset.done $0x0  }
0xf7: {  	s20 =	rddreg [dreg:$0xc];
	[sflag:s19] =	ssyncadd.s32 $0xFFFFB000  }
0xf8: {  	[hbm4b:s20+s2] =	stream.linear.scatter [tilespmem:s13], [sflag:$0x9], $0x5000, $0x38;
	[tilespmem:$0x1CC80] =	vst v63  }
0xf9: {  	_ =	swait.ge [sflag:s18], $0x2800  }
0xfa: {  	[sflag:s18] =	ssyncset.done $0x0  }
0xfb: {  	s21 =	rddreg [dreg:$0xd];
	[sflag:s18] =	ssyncadd.s32 $0xFFFFD800  }
0xfc: {  	[hbm4b:s21+s2] =	stream.linear.scatter [tilespmem:s12], [sflag:$0x8], $0x2800, $0x38;
	[tilespmem:$0x1CC80] =	vst v63  }
0xfd: {  	_ =	swait.ge [sflag:s5], $0x500  }
0xfe: {  	[sflag:s5] =	ssyncset.done $0x0  }
0xff: {  	[sflag:s5] =	ssyncadd.s32 $0xFFFFFB00  }
0x100: {  	_ =	swait.ge [sflag:s5], $0x500  }
0x101: {  	[sflag:s5] =	ssyncset.done $0x0  }
0x102: {  	[sflag:s5] =	ssyncadd.s32 $0xFFFFFB00  }
0x103: {  	_ =	swait.ge [sflag:s5], $0x280  }
0x104: {  	[sflag:s5] =	ssyncset.done $0x0  }
0x105: {  	s23 =	rddreg [dreg:$0xe];
	[sflag:s5] =	ssyncadd.s32 $0xFFFFFD80  }
0x106: {  	[hbm4b:s23+s2] =	stream.linear.scatter [tilespmem:s1], [sflag:$0xB], $0xC80, $0x38;
	[tilespmem:$0x1CC80] =	vst v63  }
0x107: {  	_ =	swait.ge [sflag:s9], $0x2800  }
0x108: {  	[sflag:s9] =	ssyncset.done $0x0  }
0x109: {  	[sflag:s9] =	ssyncadd.s32 $0xFFFFD800  }
0x10a: {  	[tilespmem:s12], [sflag:$0x4] =	stream.indirect.gather [hbm4b:s3+s17], $0x10, s22, s17, $0xb8;
	[tilespmem:$0x1CC80] =	vst v63  }
0x10b: {  	s1 =	simm.s32 $0x1C600  }
0x10c: {  	[tilespmem:s1], [sflag:$0xA] =	stream.indirect.gather [hbm4b:s4+s17], $0x1, s28, s17, $0xb8;
	[tilespmem:$0x1CC80] =	vst v63  }
0x10d: {  	_ =	swait.ge [sflag:s10], $0x5000  }
0x10e: {  	s20 =	rddreg [dreg:$0x1a];
	[sflag:s10] =	ssyncset.done $0x0  }
0x10f: {  	s23 =	simm.s32 $0x180;
	s21 =	rddreg [dreg:$0x1c];
	[sflag:s10] =	ssyncadd.s32 $0xFFFFB000  }
0x110: {  	[tilespmem:s13], [sflag:$0x5] =	stream.indirect.gather [hbm4b:s3+s23], $0x10, s20, s23, $0xb8;
	[tilespmem:$0x1CC80] =	vst v63  }
0x111: {  	s22 =	rddreg [dreg:$0x1b]  }
0x112: {  	[tilespmem:s21], [sflag:$0xA] =	stream.indirect.gather [hbm4b:s4+s23], $0x1, s22, s23, $0xb8;
	[tilespmem:$0x1CC80] =	vst v63  }
0x113: {  	_ =	swait.ge [sflag:s18], $0x5000  }
0x114: {  	[sflag:s18] =	ssyncset.done $0x0  }
0x115: {  	s21 =	rddreg [dreg:$0xf];
	[sflag:s18] =	ssyncadd.s32 $0xFFFFB000  }
0x116: {  	[hbm4b:s21+s2] =	stream.linear.scatter [tilespmem:s12], [sflag:$0x8], $0x5000, $0x38;
	[tilespmem:$0x1CC80] =	vst v63  }
0x117: {  	_ =	swait.ge [sflag:s19], $0x1800  }
0x118: {  	[sflag:s19] =	ssyncset.done $0x0  }
0x119: {  	s22 =	rddreg [dreg:$0x10];
	[sflag:s19] =	ssyncadd.s32 $0xFFFFE800  }
0x11a: {  	[hbm4b:s22+s2] =	stream.linear.scatter [tilespmem:s13], [sflag:$0x9], $0x1800, $0x38;
	[tilespmem:$0x1CC80] =	vst v63  }
0x11b: {  	_ =	swait.ge [sflag:s5], $0x500  }
0x11c: {  	[sflag:s5] =	ssyncset.done $0x0  }
0x11d: {  	[sflag:s5] =	ssyncadd.s32 $0xFFFFFB00  }
0x11e: {  	_ =	swait.ge [sflag:s5], $0x180  }
0x11f: {  	[sflag:s5] =	ssyncset.done $0x0  }
0x120: {  	s23 =	rddreg [dreg:$0x11];
	[sflag:s5] =	ssyncadd.s32 $0xFFFFFE80  }
0x121: {  	[hbm4b:s23+s2] =	stream.linear.scatter [tilespmem:s1], [sflag:$0xB], $0x680, $0x38;
	[tilespmem:$0x1CC80] =	vst v63  }
0x122: {  	_ =	swait.ge [sflag:s16], $0x7000  }
0x123: {  	[sflag:s16] =	ssyncset.done $0x0  }
0x124: {  	[sflag:s16] =	ssyncadd.s32 $0xFFFF9000  }
0x125: {  	_ =	swait.ge [sflag:s14], $0x6000  }
0x126: {  	[sflag:s14] =	ssyncset.done $0x0  }
0x127: {  	[sflag:s14] =	ssyncadd.s32 $0xFFFFA000  }
0x128: {  	_ =	swait.ge [sflag:s9], $0x5000  }
0x129: {  	[sflag:s9] =	ssyncset.done $0x0  }
0x12a: {  	[sflag:s9] =	ssyncadd.s32 $0xFFFFB000  }
0x12b: {  	_ =	swait.ge [sflag:s10], $0x1800  }
0x12c: {  	[sflag:s10] =	ssyncset.done $0x0  }
0x12d: {  	[sflag:s10] =	ssyncadd.s32 $0xFFFFE800  }
0x12e: {  	_ =	swait.ge [sflag:s8], $0x680  }
0x12f: {  	[sflag:s8] =	ssyncset.done $0x0  }
0x130: {  	p1 =	sne.s32 s7, $0x1;
	[sflag:s8] =	ssyncadd.s32 $0xFFFFF980  }
.Ltmp2:
0x131: {  	_ =	swait.ge [sflag:s8], $0xC80;
	(pc) =	sbr.rel @p1 .LBB2_3-.Ltmp2, $4  }
0x132: {  	[sflag:s8] =	ssyncset.done $0x0  }
0x133: {  	[sflag:s8] =	ssyncadd.s32 $0xFFFFF380  }
0x134: {  	_ =	swait.ge [sflag:s8], $0x680  }
0x135: {  	s7 =	sadd.s32 $0xFFFFFFFF, s7;
	s15 =	rddreg [dreg:$0x2];
	[sflag:s8] =	ssyncset.done $0x0  }
0x136: {  	s20 =	stileid.u32;
	s21 =	rddreg [dreg:$0x1]  }
.LBB2_5:
0x137: {  	[sflag:s8] =	ssyncadd.s32 @p0 $0xFFFFF980  }
0x138: {  	[tilespmem:s2], [sflag:$0x1] =	stream.linear.gather [hbm4b:s15+s2], $0x680, $0x38;
	[tilespmem:$0x1CC80] =	vst v63  }
0x139: {  	s7 =	rddreg [dreg:$0x3];
	s1 =	simm.s32 $0x680  }
0x13a: {  	[tilespmem:s1], [sflag:$0x1] =	stream.linear.gather [hbm4b:s7+s2], $0x680, $0x38;
	[tilespmem:$0x1CC80] =	vst v63  }
0x13b: {  	s24 =	rddreg [dreg:$0x4];
	s25 =	simm.s32 $0xD00  }
0x13c: {  	[tilespmem:s25], [sflag:$0x1] =	stream.linear.gather [hbm4b:s24+s2], $0xC80, $0x38;
	[tilespmem:$0x1CC80] =	vst v63  }
0x13d: {  	s26 =	rddreg [dreg:$0x5];
	s24 =	simm.s32 $0x1980  }
0x13e: {  	[tilespmem:s24], [sflag:$0x1] =	stream.linear.gather [hbm4b:s26+s2], $0xC80, $0x38;
	[tilespmem:$0x1CC80] =	vst v63  }
0x13f: {  	s28 =	rddreg [dreg:$0x6];
	s22 =	simm.s32 $0x2600  }
0x140: {  	[tilespmem:s22], [sflag:$0x1] =	stream.linear.gather [hbm4b:s28+s2], $0x680, $0x38;
	[tilespmem:$0x1CC80] =	vst v63  }
0x141: {  	s30 =	rddreg [dreg:$0x7];
	s23 =	simm.s32 $0x2C80  }
0x142: {  	[tilespmem:s23], [sflag:$0x1] =	stream.linear.gather [hbm4b:s30+s2], $0x680, $0x38;
	[tilespmem:$0x1CC80] =	vst v63  }
0x143: {  	_ =	swait.ge [sflag:s31], $0x680  }
0x144: {  	[sflag:s31] =	ssyncset.done $0x0  }
0x145: {  	[sflag:s31] =	ssyncadd.s32 $0xFFFFF980  }
0x146: {  	_ =	swait.ge [sflag:s31], $0x680  }
0x147: {  	[sflag:s31] =	ssyncset.done $0x0  }
0x148: {  	[sflag:s31] =	ssyncadd.s32 $0xFFFFF980  }
0x149: {  	_ =	swait.ge [sflag:s31], $0xC80  }
0x14a: {  	[sflag:s31] =	ssyncset.done $0x0  }
0x14b: {  	[sflag:s31] =	ssyncadd.s32 $0xFFFFF380  }
0x14c: {  	_ =	swait.ge [sflag:s31], $0xC80  }
0x14d: {  	[sflag:s31] =	ssyncset.done $0x0  }
0x14e: {  	[sflag:s31] =	ssyncadd.s32 $0xFFFFF380  }
0x14f: {  	_ =	swait.ge [sflag:s31], $0x680  }
0x150: {  	[sflag:s31] =	ssyncset.done $0x0  }
0x151: {  	[sflag:s31] =	ssyncadd.s32 $0xFFFFF980  }
0x152: {  	_ =	swait.ge [sflag:s31], $0x680  }
0x153: {  	[sflag:s31] =	ssyncset.done $0x0  }
0x154: {  	s28 =	simm.s32 $0x3300;
	[sflag:s31] =	ssyncadd.s32 $0xFFFFF980  }
0x155: {  	[tilespmem:s28], [sflag:$0x2] =	stream.indirect.gather [hbm4b:s11+s29], $0x20, s2, s29, $0xb8;
	[tilespmem:$0x1CC80] =	vst v63  }
0x156: {  	s26 =	simm.s32 $0x1B300  }
0x157: {  	[tilespmem:s26], [sflag:$0xA] =	stream.indirect.gather [hbm4b:s4+s29], $0x1, s1, s29, $0xb8;
	[tilespmem:$0x1CC80] =	vst v63  }
0x158: {  	s30 =	simm.s32 $0xA300;
	s15 =	rddreg [dreg:$0x13];
	s31 =	simm.s32 $0x300  }
0x159: {  	[tilespmem:s30], [sflag:$0x3] =	stream.indirect.gather [hbm4b:s11+s31], $0x20, s29, s31, $0xb8;
	[tilespmem:$0x1CC80] =	vst v63  }
0x15a: {  	s1 =	rddreg [dreg:$0x12]  }
0x15b: {  	[tilespmem:s15], [sflag:$0xA] =	stream.indirect.gather [hbm4b:s4+s31], $0x1, s1, s31, $0xb8;
	[tilespmem:$0x1CC80] =	vst v63  }
0x15c: {  	_ =	swait.ge [sflag:s6], $0x7000  }
0x15d: {  	[sflag:s6] =	ssyncset.done $0x0  }
0x15e: {  	s31 =	rddreg [dreg:$0x8];
	[sflag:s6] =	ssyncadd.s32 $0xFFFF9000  }
0x15f: {  	[hbm4b:s31+s2] =	stream.linear.scatter [tilespmem:s28], [sflag:$0x6], $0x7000, $0x38;
	[tilespmem:$0x1CC80] =	vst v63  }
0x160: {  	_ =	swait.ge [sflag:s0], $0x6000  }
0x161: {  	[sflag:s0] =	ssyncset.done $0x0  }
0x162: {  	s6 =	rddreg [dreg:$0x9];
	[sflag:s0] =	ssyncadd.s32 $0xFFFFA000  }
0x163: {  	[hbm4b:s6+s2] =	stream.linear.scatter [tilespmem:s30], [sflag:$0x7], $0x6000, $0x38;
	[tilespmem:$0x1CC80] =	vst v63  }
0x164: {  	_ =	swait.ge [sflag:s5], $0x380  }
0x165: {  	[sflag:s5] =	ssyncset.done $0x0  }
0x166: {  	[sflag:s5] =	ssyncadd.s32 $0xFFFFFC80  }
0x167: {  	_ =	swait.ge [sflag:s5], $0x300  }
0x168: {  	[sflag:s5] =	ssyncset.done $0x0  }
0x169: {  	s7 =	rddreg [dreg:$0xa];
	[sflag:s5] =	ssyncadd.s32 $0xFFFFFD00  }
0x16a: {  	[hbm4b:s7+s2] =	stream.linear.scatter [tilespmem:s26], [sflag:$0xB], $0x680, $0x38;
	[tilespmem:$0x1CC80] =	vst v63  }
0x16b: {  	_ = 	snop  }
0x16c: {  	[tilespmem:s12], [sflag:$0x4] =	stream.indirect.gather [hbm4b:s3+s17], $0x10, s25, s17, $0xb8;
	[tilespmem:$0x1CC80] =	vst v63  }
0x16d: {  	s11 =	rddreg [dreg:$0x16];
	s7 =	simm.s32 $0x1B980  }
0x16e: {  	[tilespmem:s7], [sflag:$0xA] =	stream.indirect.gather [hbm4b:s4+s17], $0x1, s24, s17, $0xb8;
	[tilespmem:$0x1CC80] =	vst v63  }
0x16f: {  	s15 =	rddreg [dreg:$0x14]  }
0x170: {  	[tilespmem:s13], [sflag:$0x5] =	stream.indirect.gather [hbm4b:s3+s17], $0x10, s15, s17, $0xb8;
	[tilespmem:$0x1CC80] =	vst v63  }
0x171: {  	s25 =	rddreg [dreg:$0x15]  }
0x172: {  	[tilespmem:s11], [sflag:$0xA] =	stream.indirect.gather [hbm4b:s4+s17], $0x1, s25, s17, $0xb8;
	[tilespmem:$0x1CC80] =	vst v63  }
0x173: {  	_ =	swait.ge [sflag:s18], $0x5000  }
0x174: {  	[sflag:s18] =	ssyncset.done $0x0  }
0x175: {  	s26 =	rddreg [dreg:$0xb];
	[sflag:s18] =	ssyncadd.s32 $0xFFFFB000  }
0x176: {  	[hbm4b:s26+s2] =	stream.linear.scatter [tilespmem:s12], [sflag:$0x8], $0x5000, $0x38;
	[tilespmem:$0x1CC80] =	vst v63  }
0x177: {  	_ =	swait.ge [sflag:s9], $0x5000  }
0x178: {  	s28 =	rddreg [dreg:$0x17];
	[sflag:s9] =	ssyncset.done $0x0  }
0x179: {  	s31 =	simm.s32 $0x280;
	s29 =	rddreg [dreg:$0x19];
	[sflag:s9] =	ssyncadd.s32 $0xFFFFB000  }
0x17a: {  	[tilespmem:s12], [sflag:$0x4] =	stream.indirect.gather [hbm4b:s3+s31], $0x10, s28, s31, $0xb8;
	[tilespmem:$0x1CC80] =	vst v63  }
0x17b: {  	s30 =	rddreg [dreg:$0x18]  }
0x17c: {  	[tilespmem:s29], [sflag:$0xA] =	stream.indirect.gather [hbm4b:s4+s31], $0x1, s30, s31, $0xb8;
	[tilespmem:$0x1CC80] =	vst v63  }
0x17d: {  	_ =	swait.ge [sflag:s19], $0x5000  }
0x17e: {  	[sflag:s19] =	ssyncset.done $0x0  }
0x17f: {  	s6 =	rddreg [dreg:$0xc];
	[sflag:s19] =	ssyncadd.s32 $0xFFFFB000  }
0x180: {  	[hbm4b:s6+s2] =	stream.linear.scatter [tilespmem:s13], [sflag:$0x9], $0x5000, $0x38;
	[tilespmem:$0x1CC80] =	vst v63  }
0x181: {  	_ =	swait.ge [sflag:s18], $0x2800  }
0x182: {  	[sflag:s18] =	ssyncset.done $0x0  }
0x183: {  	s11 =	rddreg [dreg:$0xd];
	[sflag:s18] =	ssyncadd.s32 $0xFFFFD800  }
0x184: {  	[hbm4b:s11+s2] =	stream.linear.scatter [tilespmem:s12], [sflag:$0x8], $0x2800, $0x38;
	[tilespmem:$0x1CC80] =	vst v63  }
0x185: {  	_ =	swait.ge [sflag:s5], $0x500  }
0x186: {  	[sflag:s5] =	ssyncset.done $0x0  }
0x187: {  	[sflag:s5] =	ssyncadd.s32 $0xFFFFFB00  }
0x188: {  	_ =	swait.ge [sflag:s5], $0x500  }
0x189: {  	[sflag:s5] =	ssyncset.done $0x0  }
0x18a: {  	[sflag:s5] =	ssyncadd.s32 $0xFFFFFB00  }
0x18b: {  	_ =	swait.ge [sflag:s5], $0x280  }
0x18c: {  	[sflag:s5] =	ssyncset.done $0x0  }
0x18d: {  	s15 =	rddreg [dreg:$0xe];
	[sflag:s5] =	ssyncadd.s32 $0xFFFFFD80  }
0x18e: {  	[hbm4b:s15+s2] =	stream.linear.scatter [tilespmem:s7], [sflag:$0xB], $0xC80, $0x38;
	[tilespmem:$0x1CC80] =	vst v63  }
0x18f: {  	_ =	swait.ge [sflag:s9], $0x2800  }
0x190: {  	[sflag:s9] =	ssyncset.done $0x0  }
0x191: {  	[sflag:s9] =	ssyncadd.s32 $0xFFFFD800  }
0x192: {  	[tilespmem:s12], [sflag:$0x4] =	stream.indirect.gather [hbm4b:s3+s17], $0x10, s22, s17, $0xb8;
	[tilespmem:$0x1CC80] =	vst v63  }
0x193: {  	s22 =	simm.s32 $0x1C600  }
0x194: {  	[tilespmem:s22], [sflag:$0xA] =	stream.indirect.gather [hbm4b:s4+s17], $0x1, s23, s17, $0xb8;
	[tilespmem:$0x1CC80] =	vst v63  }
0x195: {  	_ =	swait.ge [sflag:s10], $0x5000  }
0x196: {  	s24 =	rddreg [dreg:$0x1a];
	[sflag:s10] =	ssyncset.done $0x0  }
0x197: {  	s28 =	simm.s32 $0x180;
	s25 =	rddreg [dreg:$0x1c];
	[sflag:s10] =	ssyncadd.s32 $0xFFFFB000  }
0x198: {  	[tilespmem:s13], [sflag:$0x5] =	stream.indirect.gather [hbm4b:s3+s28], $0x10, s24, s28, $0xb8;
	[tilespmem:$0x1CC80] =	vst v63  }
0x199: {  	s26 =	rddreg [dreg:$0x1b]  }
0x19a: {  	[tilespmem:s25], [sflag:$0xA] =	stream.indirect.gather [hbm4b:s4+s28], $0x1, s26, s28, $0xb8;
	[tilespmem:$0x1CC80] =	vst v63  }
0x19b: {  	_ =	swait.ge [sflag:s18], $0x5000  }
0x19c: {  	[sflag:s18] =	ssyncset.done $0x0  }
0x19d: {  	s29 =	rddreg [dreg:$0xf];
	[sflag:s18] =	ssyncadd.s32 $0xFFFFB000  }
0x19e: {  	[hbm4b:s29+s2] =	stream.linear.scatter [tilespmem:s12], [sflag:$0x8], $0x5000, $0x38;
	[tilespmem:$0x1CC80] =	vst v63  }
0x19f: {  	_ =	swait.ge [sflag:s19], $0x1800  }
0x1a0: {  	[sflag:s19] =	ssyncset.done $0x0  }
0x1a1: {  	s30 =	rddreg [dreg:$0x10];
	[sflag:s19] =	ssyncadd.s32 $0xFFFFE800  }
0x1a2: {  	[hbm4b:s30+s2] =	stream.linear.scatter [tilespmem:s13], [sflag:$0x9], $0x1800, $0x38;
	[tilespmem:$0x1CC80] =	vst v63  }
0x1a3: {  	_ =	swait.ge [sflag:s5], $0x500  }
0x1a4: {  	[sflag:s5] =	ssyncset.done $0x0  }
0x1a5: {  	[sflag:s5] =	ssyncadd.s32 $0xFFFFFB00  }
0x1a6: {  	_ =	swait.ge [sflag:s5], $0x180  }
0x1a7: {  	[sflag:s5] =	ssyncset.done $0x0  }
0x1a8: {  	s31 =	rddreg [dreg:$0x11];
	[sflag:s5] =	ssyncadd.s32 $0xFFFFFE80  }
0x1a9: {  	[hbm4b:s31+s2] =	stream.linear.scatter [tilespmem:s22], [sflag:$0xB], $0x680, $0x38;
	[tilespmem:$0x1CC80] =	vst v63  }
0x1aa: {  	_ =	swait.ge [sflag:s16], $0x7000  }
0x1ab: {  	[sflag:s16] =	ssyncset.done $0x0  }
0x1ac: {  	[sflag:s16] =	ssyncadd.s32 $0xFFFF9000  }
0x1ad: {  	_ =	swait.ge [sflag:s14], $0x6000  }
0x1ae: {  	[sflag:s14] =	ssyncset.done $0x0  }
0x1af: {  	[sflag:s14] =	ssyncadd.s32 $0xFFFFA000  }
0x1b0: {  	_ =	swait.ge [sflag:s9], $0x5000  }
0x1b1: {  	[sflag:s9] =	ssyncset.done $0x0  }
0x1b2: {  	[sflag:s9] =	ssyncadd.s32 $0xFFFFB000  }
0x1b3: {  	_ =	swait.ge [sflag:s10], $0x1800  }
0x1b4: {  	[sflag:s10] =	ssyncset.done $0x0  }
0x1b5: {  	[sflag:s10] =	ssyncadd.s32 $0xFFFFE800  }
0x1b6: {  	_ =	swait.ge [sflag:s8], $0x680  }
0x1b7: {  	[sflag:s8] =	ssyncset.done $0x0  }
0x1b8: {  	[sflag:s8] =	ssyncadd.s32 $0xFFFFF980  }
0x1b9: {  	_ =	swait.ge [sflag:s8], $0xC80  }
0x1ba: {  	[sflag:s8] =	ssyncset.done $0x0  }
0x1bb: {  	[sflag:s8] =	ssyncadd.s32 $0xFFFFF380  }
0x1bc: {  	_ =	swait.ge [sflag:s8], $0x680  }
0x1bd: {  	[sflag:s8] =	ssyncset.done $0x0  }
0x1be: {  	[sflag:s8] =	ssyncadd.s32 $0xFFFFF980  }
0x1bf: {  	_ =	sfence.sel $0x180000  }
0x1c0: {  	[bflag:$0x0] =	sbarrier.arrive $0xFFFF  }
0x1c1: {  	p0 =	sne.s32 s20, $0x0;
	_ =	strace $0x9000004A  }
0x1c2: {  	s0 =	sadd.s32 @!p0 $0x100000, s21;
	[bflag:$0x2] =	sbarrier.arrive $0xFFFF  }
0x1c3: {  	[sflag:s0] =	ssyncadd.tile.s32 @!p0 $0x1;
	_ =	shalt  }
.LBB2_6:
.Ltmp3:
0x1c4: {  	(pc) =	sbr.rel .LBB2_5-.Ltmp3, $2  }
0x1c5: {  	_ =	sdelay $0x2  }
0x1c6: {  	s20 =	stileid.u32;
	s21 =	rddreg [dreg:$0x1]  }
.Lfunc_end2:
_tile_overlayer_lowered:
.L_overlay_start_2:
0x1c7: {  	(tag) =	ssettag $0x2  }
0x1c8: {  	s0 =	rddreg [dreg:$0x0];
	s2 =	stileid.u32  }
0x1c9: {  	s1 =	rddreg [dreg:$0x1];
	p0 =	sne.s32 s2, $0x0  }
0x1ca: {  	s3 =	rddreg [dreg:$0x2];
	[bflag:$0x3] =	sbarrier.arrive $0xFFFF;
	s2 =	simm.s32 @!p0 $0x1C0C  }
0x1cb: {  	[timem:s3], [sflag:s2] =	dma.local @!p0 [hbm:s0], s1  }
0x1cc: {  	s0 =	simm.s32 @!p0 $0xC  }
0x1cd: {  	_ =	swait.ge @!p0 [sflag:s0], s1  }
0x1ce: {  	s1 =	ssub.s32 @!p0 $0x0, s1;
	[sflag:s0] =	ssyncset.done @!p0 $0x0  }
0x1cf: {  	[sflag:s0] =	ssyncadd.s32 @!p0 s1  }
0x1d0: {  	[bflag:$0x3] =	sbarrier.arrive $0xFFFF  }
0x1d1: {  	_ =	shalt  }

</sc_bundles>
